<compile_context>
chip_gen: v7x
topology: tpu7x:2x2x1
jax: 0.10.2.dev20260603
libtpu: 0.0.44.dev20260713+nightly
codegen_flags: <defaults>
</compile_context>

<pallas_src>
import functools

import jax
import jax.numpy as jnp
from jax import lax
from jax.experimental import pallas as pl
from jax.experimental.pallas import tpu as pltpu
from jax.experimental.pallas import tpu_sc as plsc

N, E, F, H, T = 10000, 320000, 128, 64, 64
NC, NS = 2, 16
NW = NC * NS
EPW = E // NW
CH = 100
NCH = EPW // CH
E2 = E // 2
EBW = EPW // 2
EBC = CH // 2
STRIPE = N // NS
CW = 8

_mesh = plsc.VectorSubcoreMesh(core_axis_name="c", subcore_axis_name="s",
                               num_cores=NC, num_subcores=NS)
_sc_params = pltpu.CompilerParams(use_tc_tiling_on_sc=False)


def _rsqrt16(x):
    xh = x * 0.5
    i = lax.bitcast_convert_type(x, jnp.int32)
    i = jnp.int32(0x5F3759DF) - lax.shift_right_logical(i, 1)
    y = lax.bitcast_convert_type(i, jnp.float32)
    y = y * (1.5 - xh * y * y)
    y = y * (1.5 - xh * y * y)
    y = y * (1.5 - xh * y * y)
    return y


def _perm16(x, idx):
    return lax.gather(
        x, idx[:, None],
        lax.GatherDimensionNumbers(offset_dims=(), collapsed_slice_dims=(0,),
                                   start_index_map=(0,)),
        slice_sizes=(1,),
        mode=lax.GatherScatterMode.PROMISE_IN_BOUNDS)


def _splat_sum16(x):
    for s in (8, 4, 2, 1):
        idx = jnp.bitwise_xor(lax.iota(jnp.int32, 16), s)
        x = x + _perm16(x, idx)
    return x


@functools.partial(
    pl.kernel,
    out_type=(jax.ShapeDtypeStruct((NC, N, H), jnp.float32),
              jax.ShapeDtypeStruct((NC, N, CW), jnp.float32)),
    mesh=_mesh,
    compiler_params=_sc_params,
    scratch_types=[
        pltpu.VMEM((NCH, CH), jnp.int32),
        pltpu.VMEM((NCH, CH), jnp.int32),
        pltpu.VMEM((EBC, 128), jnp.float32),
        pltpu.VMEM((EBC, 128), jnp.float32),
        pltpu.VMEM((CH, H), jnp.float32),
        pltpu.VMEM((CH, H), jnp.float32),
        pltpu.VMEM((CH, H), jnp.float32),
        pltpu.VMEM((CH, CW), jnp.float32),
        pltpu.VMEM((2, H), jnp.float32),
        pltpu.VMEM_SHARED((N, H), jnp.float32),
        pltpu.VMEM_SHARED((N, CW), jnp.float32),
        pltpu.SemaphoreType.DMA,
        pltpu.SemaphoreType.DMA,
        pltpu.SemaphoreType.DMA,
        pltpu.SemaphoreType.DMA,
    ],
)
def _sc_fused(xa_hbm, src_hbm, dst_hbm, eb_hbm, gbe_hbm, zs_hbm, zc_hbm,
              ones_hbm, s_out, c_out,
              idx_s, idx_d, ebv0, ebv1, gxv0, gxv1, hv, ones_v, gbe_v,
              s_sh, c_sh, se0, se1, sg0, sg1):
    c = lax.axis_index("c")
    s = lax.axis_index("s")
    wid = c * NS + s
    ebbase = wid * EBW

    pltpu.sync_copy(src_hbm.at[wid], idx_s)
    pltpu.sync_copy(dst_hbm.at[wid], idx_d)
    pltpu.sync_copy(ones_hbm, ones_v)
    pltpu.sync_copy(gbe_hbm, gbe_v)
    pltpu.sync_copy(zs_hbm, s_sh.at[pl.ds(s * STRIPE, STRIPE)])
    pltpu.sync_copy(zc_hbm, c_sh.at[pl.ds(s * STRIPE, STRIPE)])
    plsc.subcore_barrier()

    gk = [gbe_v[0, pl.ds(16 * k, 16)] for k in range(4)]
    bek = [gbe_v[1, pl.ds(16 * k, 16)] for k in range(4)]

    def fire(j, ebv, gxv, sem_e, sem_g):
        pltpu.async_copy(eb_hbm.at[pl.ds(ebbase + j * EBC, EBC)], ebv, sem_e)
        pltpu.async_copy(xa_hbm.at[idx_s.at[j]], gxv, sem_g)

    def wait(j, ebv, gxv, sem_e, sem_g):
        pltpu.make_async_copy(eb_hbm.at[pl.ds(ebbase, EBC)], ebv, sem_e).wait()
        pltpu.make_async_copy(xa_hbm.at[idx_s.at[j]], gxv, sem_g).wait()

    def compute_and_scatter(j, ebv, gxv):
        @pl.loop(0, EBC)
        def _row(r):
            for half in range(2):
                e = 2 * r + half
                ofs = half * H
                t = [gxv[e, pl.ds(16 * k, 16)]
                     + ebv[r, pl.ds(ofs + 16 * k, 16)] for k in range(4)]
                t = [jnp.maximum(tk, 0.01 * tk) for tk in t]
                mv = _splat_sum16(t[0] + t[1] + t[2] + t[3]) * (1.0 / H)
                qv = _splat_sum16(t[0] * t[0] + t[1] * t[1]
                                  + t[2] * t[2] + t[3] * t[3]) * (1.0 / H)
                rv = _rsqrt16(qv - mv * mv + 1e-5)
                for k in range(4):
                    hv[e, pl.ds(16 * k, 16)] = \
                        (t[k] - mv) * (rv * gk[k]) + bek[k]

        pltpu.sync_copy(hv, s_sh.at[idx_d.at[j]], add=True)
        pltpu.sync_copy(ones_v, c_sh.at[idx_d.at[j]], add=True)

    fire(0, ebv0, gxv0, se0, sg0)

    @pl.loop(0, NCH, step=2)
    def _chunk(j):
        fire(j + 1, ebv1, gxv1, se1, sg1)
        wait(j, ebv0, gxv0, se0, sg0)
        compute_and_scatter(j, ebv0, gxv0)

        @pl.when(j + 2 < NCH)
        def _():
            fire(j + 2, ebv0, gxv0, se0, sg0)

        wait(j + 1, ebv1, gxv1, se1, sg1)
        compute_and_scatter(j + 1, ebv1, gxv1)

    plsc.subcore_barrier()
    pltpu.sync_copy(s_sh.at[pl.ds(s * STRIPE, STRIPE)],
                    s_out.at[c, pl.ds(s * STRIPE, STRIPE)])
    pltpu.sync_copy(c_sh.at[pl.ds(s * STRIPE, STRIPE)],
                    c_out.at[c, pl.ds(s * STRIPE, STRIPE)])



def _xa_body(x_ref, w_ref, o_ref):
    o_ref[...] = jnp.dot(x_ref[...], w_ref[...],
                         preferred_element_type=jnp.float32)


def _eb_body(ea_lo_ref, ea_hi_ref, w_ref, b_ref, o_ref):
    lo = jnp.dot(ea_lo_ref[...], w_ref[...],
                 preferred_element_type=jnp.float32) + b_ref[...]
    hi = jnp.dot(ea_hi_ref[...], w_ref[...],
                 preferred_element_type=jnp.float32) + b_ref[...]
    o_ref[...] = jnp.concatenate([lo, hi], axis=1)


def _node_body(x_ref, sp_ref, cp_ref, w1b_ref, b1b_ref, w2x_ref, w2a_ref,
               b2a_ref, g2_ref, be2_ref, w2b_ref, b2b_ref, o_ref):
    ssum = sp_ref[0] + sp_ref[1]
    cnt = cp_ref[0, :, 0:1] + cp_ref[1, :, 0:1]
    hbar = ssum / jnp.maximum(cnt, 1.0)
    agg = jnp.dot(hbar, w1b_ref[...], preferred_element_type=jnp.float32) \
        + b1b_ref[...]
    agg = jnp.where(cnt > 0, agg, 0.0)
    t = jnp.dot(x_ref[...], w2x_ref[...], preferred_element_type=jnp.float32) \
        + jnp.dot(agg, w2a_ref[...], preferred_element_type=jnp.float32) \
        + b2a_ref[...]
    t = jnp.maximum(t, 0.01 * t)
    m = jnp.sum(t, axis=-1, keepdims=True) * (1.0 / H)
    v = jnp.sum(t * t, axis=-1, keepdims=True) * (1.0 / H) - m * m
    t = (t - m) * (lax.rsqrt(v + 1e-5) * g2_ref[...]) + be2_ref[...]
    o_ref[...] = jnp.dot(t, w2b_ref[...], preferred_element_type=jnp.float32) \
        + b2b_ref[...]


_BN = 2000
_BE = 4000


def _const_spec(shape):
    nd = len(shape)
    return pl.BlockSpec(shape, lambda i: (0,) * nd)


def kernel(x, edge_idx, edge_attr, W1a, b1a, g1, be1, W1b, b1b,
           W2a, b2a, g2, be2, W2b, b2b):
    src = jnp.stack([edge_idx[0, :E2], edge_idx[0, E2:]], axis=1) \
        .reshape(NW, NCH, CH)
    dst = jnp.stack([edge_idx[1, :E2], edge_idx[1, E2:]], axis=1) \
        .reshape(NW, NCH, CH)
    w1x = W1a[:, :F].T
    w1e = W1a[:, F:].T
    gbe = jnp.stack([g1, be1])
    zs = jnp.zeros((STRIPE, H), jnp.float32)
    zc = jnp.zeros((STRIPE, CW), jnp.float32)
    ones = jnp.ones((CH, CW), jnp.float32)

    xa = pl.pallas_call(
        _xa_body,
        grid=(N // _BN,),
        in_specs=[pl.BlockSpec((_BN, F), lambda i: (i, 0)),
                  _const_spec((F, H))],
        out_specs=pl.BlockSpec((_BN, H), lambda i: (i, 0)),
        out_shape=jax.ShapeDtypeStruct((N, H), jnp.float32),
    )(x, w1x)

    nblk = E2 // _BE
    eb = pl.pallas_call(
        _eb_body,
        grid=(nblk,),
        in_specs=[pl.BlockSpec((_BE, H), lambda i: (i, 0)),
                  pl.BlockSpec((_BE, H), lambda i: (i + nblk, 0)),
                  _const_spec((H, H)), _const_spec((1, H))],
        out_specs=pl.BlockSpec((_BE, 128), lambda i: (i, 0)),
        out_shape=jax.ShapeDtypeStruct((E2, 128), jnp.float32),
    )(edge_attr, edge_attr, w1e, b1a[None])

    s_parts, c_parts = _sc_fused(xa, src, dst, eb, gbe, zs, zc, ones)

    o = pl.pallas_call(
        _node_body,
        grid=(N // _BN,),
        in_specs=[pl.BlockSpec((_BN, F), lambda i: (i, 0)),
                  pl.BlockSpec((NC, _BN, H), lambda i: (0, i, 0)),
                  pl.BlockSpec((NC, _BN, CW), lambda i: (0, i, 0)),
                  _const_spec((H, H)), _const_spec((1, H)),
                  _const_spec((F, H)), _const_spec((H, H)),
                  _const_spec((1, H)), _const_spec((1, H)),
                  _const_spec((1, H)), _const_spec((H, T)),
                  _const_spec((1, T))],
        out_specs=pl.BlockSpec((_BN, T), lambda i: (i, 0)),
        out_shape=jax.ShapeDtypeStruct((N, T), jnp.float32),
    )(x, s_parts, c_parts, W1b.T, b1b[None], W2a[:, :F].T, W2a[:, F:].T,
      b2a[None], g2[None], be2[None], W2b.T, b2b[None])
    return o

# --- scband reference (transcript-rebuilt; emitter-appended) ---
"""Pipeline reference for scband-node-model-2370821947608 (READ-ONLY COPY).

The authoritative reference and input builder live on the scoring server;
editing this copy changes nothing except your own understanding.
"""

import jax, jax.numpy as jnp
import numpy as np

N, E, F, H, T = 10000, 320000, 128, 64, 64

def _layernorm(h, g, b):
    m = jnp.mean(h, axis=-1, keepdims=True)
    v = jnp.mean((h - m) ** 2, axis=-1, keepdims=True)
    return (h - m) / jnp.sqrt(v + 1e-5) * g + b

def _leaky(h):
    return jnp.where(h >= 0, h, 0.01 * h)

def _lin_init(k, fin, fout):
    k1, k2 = jax.random.split(k)
    lim = 1.0 / np.sqrt(fin)
    W = jax.random.uniform(k1, (fout, fin), minval=-lim, maxval=lim, dtype=jnp.float32)
    b = jax.random.uniform(k2, (fout,), minval=-lim, maxval=lim, dtype=jnp.float32)
    return W, b

def setup_inputs(seed: int = 0):
    key = jax.random.key(seed)
    ks = jax.random.split(key, 8)
    x = jax.random.normal(ks[0], (N, F), dtype=jnp.float32)
    edge_idx = jax.random.randint(ks[1], (2, E), 0, N, dtype=jnp.int32)
    edge_attr = jax.random.normal(ks[2], (E, H), dtype=jnp.float32)
    W1a, b1a = _lin_init(ks[3], F + H, H)
    W1b, b1b = _lin_init(ks[4], H, H)
    W2a, b2a = _lin_init(ks[5], F + H, H)
    W2b, b2b = _lin_init(ks[6], H, T)
    g1 = jnp.ones((H,), jnp.float32)
    be1 = jnp.zeros((H,), jnp.float32)
    g2 = jnp.ones((H,), jnp.float32)
    be2 = jnp.zeros((H,), jnp.float32)
    return {"x": x, "edge_idx": edge_idx, "edge_attr": edge_attr,
            "W1a": W1a, "b1a": b1a, "g1": g1, "be1": be1, "W1b": W1b, "b1b": b1b,
            "W2a": W2a, "b2a": b2a, "g2": g2, "be2": be2, "W2b": W2b, "b2b": b2b}

def reference(x, edge_idx, edge_attr, W1a, b1a, g1, be1, W1b, b1b, W2a, b2a, g2, be2, W2b, b2b):
    src = edge_idx[0]
    dst = edge_idx[1]
    # edge message MLP (node_mlp_1)
    h = jnp.concatenate([x[src], edge_attr], axis=1)
    h = _leaky(h @ W1a.T + b1a)
    h = _layernorm(h, g1, be1)
    h = h @ W1b.T + b1b
    # scatter_mean over dst with dim_size = N
    s = jax.ops.segment_sum(h, dst, num_segments=N)
    c = jax.ops.segment_sum(jnp.ones((E,), jnp.float32), dst, num_segments=N)
    agg = s / jnp.clip(c, 1.0, None)[:, None]
    # node update MLP (node_mlp_2)
    o = jnp.concatenate([x, agg], axis=1)
    o = _leaky(o @ W2a.T + b2a)
    o = _layernorm(o, g2, be2)
    o = o @ W2b.T + b2b
    return o

if __name__ == "__main__":
    import jax
    _d = setup_inputs()
    print(jax.jit(kernel)(*tuple(_d.values())))

</pallas_src>

<mosaic_0001>
#map = affine_map<(d0, d1) -> (0, 0)>
#map1 = affine_map<(d0, d1) -> (0, 0, 0)>
module attributes {stable_mosaic.version = 14 : i64} {
  func.func @_sc_fused(%arg0: i32, %arg1: i32, %arg2: memref<10000x64xf32, #tpu.memory_space<hbm>>, %arg3: memref<32x100x100xi32, #tpu.memory_space<hbm>>, %arg4: memref<32x100x100xi32, #tpu.memory_space<hbm>>, %arg5: memref<160000x128xf32, #tpu.memory_space<hbm>>, %arg6: memref<2x64xf32, #tpu.memory_space<hbm>>, %arg7: memref<625x64xf32, #tpu.memory_space<hbm>>, %arg8: memref<625x8xf32, #tpu.memory_space<hbm>>, %arg9: memref<100x8xf32, #tpu.memory_space<hbm>>, %arg10: memref<2x10000x64xf32, #tpu.memory_space<hbm>>, %arg11: memref<2x10000x8xf32, #tpu.memory_space<hbm>>, %arg12: memref<100x100xi32, #tpu.memory_space<vmem>>, %arg13: memref<100x100xi32, #tpu.memory_space<vmem>>, %arg14: memref<50x128xf32, #tpu.memory_space<vmem>>, %arg15: memref<50x128xf32, #tpu.memory_space<vmem>>, %arg16: memref<100x64xf32, #tpu.memory_space<vmem>>, %arg17: memref<100x64xf32, #tpu.memory_space<vmem>>, %arg18: memref<100x64xf32, #tpu.memory_space<vmem>>, %arg19: memref<100x8xf32, #tpu.memory_space<vmem>>, %arg20: memref<2x64xf32, #tpu.memory_space<vmem>>, %arg21: memref<10000x64xf32, #tpu.memory_space<vmem_shared>>, %arg22: memref<10000x8xf32, #tpu.memory_space<vmem_shared>>, %arg23: memref<!tpu.dma_semaphore, #tpu.memory_space<semaphore_mem>>, %arg24: memref<!tpu.dma_semaphore, #tpu.memory_space<semaphore_mem>>, %arg25: memref<!tpu.dma_semaphore, #tpu.memory_space<semaphore_mem>>, %arg26: memref<!tpu.dma_semaphore, #tpu.memory_space<semaphore_mem>>) attributes {dimension_semantics = [#tpu.dimension_semantics<core_parallel>, #tpu.dimension_semantics<subcore_parallel>], iteration_bounds = array<i64: 2, 16>, scalar_prefetch = 0 : i64, scratch_operands = 15 : i64, tpu.core_type = #tpu.core_type<sc_vector_subcore>, window_params = [{transform_indices = #map}, {transform_indices = #map1}, {transform_indices = #map1}, {transform_indices = #map}, {transform_indices = #map}, {transform_indices = #map}, {transform_indices = #map}, {transform_indices = #map}, {transform_indices = #map1}, {transform_indices = #map1}]} {
    %mul3A = arith.constant 16 : i32
    %mul3A_0 = arith.muli %arg0, %mul3A : i32
    %add3A = arith.addi %mul3A_0, %arg1 : i32
    %mul3A_1 = arith.constant 5000 : i32
    %mul3A_2 = arith.muli %add3A, %mul3A_1 : i32
    "tpu.region"() ({
      %run_scoped3A = tpu.sem_alloc : memref<!tpu.dma_semaphore, #tpu.memory_space<semaphore_mem>>
      %dma_start3A_71 = arith.constant 0 : i32
      %dma_start3A_72 = arith.constant 0 : i32
      %dma_start3A_73 = tpu.memref_slice %arg3[%add3A, %dma_start3A_71, %dma_start3A_72] : memref<32x100x100xi32, #tpu.memory_space<hbm>> -> memref<1x100x100xi32, #tpu.memory_space<hbm>>
      %dma_start3A_74 = tpu.memref_squeeze %dma_start3A_73 : memref<1x100x100xi32, #tpu.memory_space<hbm>> -> memref<100x100xi32, #tpu.memory_space<hbm>>
      %dma_start3A_75 = arith.constant 0 : i32
      %dma_start3A_76 = arith.constant 0 : i32
      %dma_start3A_77 = tpu.memref_slice %arg3[%add3A, %dma_start3A_75, %dma_start3A_76] : memref<32x100x100xi32, #tpu.memory_space<hbm>> -> memref<1x100x100xi32, #tpu.memory_space<hbm>>
      %dma_start3A_78 = tpu.memref_squeeze %dma_start3A_77 : memref<1x100x100xi32, #tpu.memory_space<hbm>> -> memref<100x100xi32, #tpu.memory_space<hbm>>
      tpu.enqueue_dma source(%dma_start3A_78 : memref<100x100xi32, #tpu.memory_space<hbm>>) target(%arg12 : memref<100x100xi32, #tpu.memory_space<vmem>>) target_semaphore(%run_scoped3A : memref<!tpu.dma_semaphore, #tpu.memory_space<semaphore_mem>>)
      %dma_wait3A = arith.constant 0 : i32
      %dma_wait3A_79 = arith.constant 0 : i32
      %dma_wait3A_80 = tpu.memref_slice %arg3[%add3A, %dma_wait3A, %dma_wait3A_79] : memref<32x100x100xi32, #tpu.memory_space<hbm>> -> memref<1x100x100xi32, #tpu.memory_space<hbm>>
      %dma_wait3A_81 = tpu.memref_squeeze %dma_wait3A_80 : memref<1x100x100xi32, #tpu.memory_space<hbm>> -> memref<100x100xi32, #tpu.memory_space<hbm>>
      %dma_wait3A_82 = arith.constant 0 : i32
      %dma_wait3A_83 = arith.constant 0 : i32
      %dma_wait3A_84 = tpu.memref_slice %arg3[%add3A, %dma_wait3A_82, %dma_wait3A_83] : memref<32x100x100xi32, #tpu.memory_space<hbm>> -> memref<1x100x100xi32, #tpu.memory_space<hbm>>
      %dma_wait3A_85 = tpu.memref_squeeze %dma_wait3A_84 : memref<1x100x100xi32, #tpu.memory_space<hbm>> -> memref<100x100xi32, #tpu.memory_space<hbm>>
      tpu.wait_dma2 semaphore(%run_scoped3A : memref<!tpu.dma_semaphore, #tpu.memory_space<semaphore_mem>>) src(%dma_wait3A_85 : memref<100x100xi32, #tpu.memory_space<hbm>>) dst(%arg12 : memref<100x100xi32, #tpu.memory_space<vmem>>)
      tpu.yield
    }) : () -> ()
    "tpu.region"() ({
      %run_scoped3A = tpu.sem_alloc : memref<!tpu.dma_semaphore, #tpu.memory_space<semaphore_mem>>
      %dma_start3A_71 = arith.constant 0 : i32
      %dma_start3A_72 = arith.constant 0 : i32
      %dma_start3A_73 = tpu.memref_slice %arg4[%add3A, %dma_start3A_71, %dma_start3A_72] : memref<32x100x100xi32, #tpu.memory_space<hbm>> -> memref<1x100x100xi32, #tpu.memory_space<hbm>>
      %dma_start3A_74 = tpu.memref_squeeze %dma_start3A_73 : memref<1x100x100xi32, #tpu.memory_space<hbm>> -> memref<100x100xi32, #tpu.memory_space<hbm>>
      %dma_start3A_75 = arith.constant 0 : i32
      %dma_start3A_76 = arith.constant 0 : i32
      %dma_start3A_77 = tpu.memref_slice %arg4[%add3A, %dma_start3A_75, %dma_start3A_76] : memref<32x100x100xi32, #tpu.memory_space<hbm>> -> memref<1x100x100xi32, #tpu.memory_space<hbm>>
      %dma_start3A_78 = tpu.memref_squeeze %dma_start3A_77 : memref<1x100x100xi32, #tpu.memory_space<hbm>> -> memref<100x100xi32, #tpu.memory_space<hbm>>
      tpu.enqueue_dma source(%dma_start3A_78 : memref<100x100xi32, #tpu.memory_space<hbm>>) target(%arg13 : memref<100x100xi32, #tpu.memory_space<vmem>>) target_semaphore(%run_scoped3A : memref<!tpu.dma_semaphore, #tpu.memory_space<semaphore_mem>>)
      %dma_wait3A = arith.constant 0 : i32
      %dma_wait3A_79 = arith.constant 0 : i32
      %dma_wait3A_80 = tpu.memref_slice %arg4[%add3A, %dma_wait3A, %dma_wait3A_79] : memref<32x100x100xi32, #tpu.memory_space<hbm>> -> memref<1x100x100xi32, #tpu.memory_space<hbm>>
      %dma_wait3A_81 = tpu.memref_squeeze %dma_wait3A_80 : memref<1x100x100xi32, #tpu.memory_space<hbm>> -> memref<100x100xi32, #tpu.memory_space<hbm>>
      %dma_wait3A_82 = arith.constant 0 : i32
      %dma_wait3A_83 = arith.constant 0 : i32
      %dma_wait3A_84 = tpu.memref_slice %arg4[%add3A, %dma_wait3A_82, %dma_wait3A_83] : memref<32x100x100xi32, #tpu.memory_space<hbm>> -> memref<1x100x100xi32, #tpu.memory_space<hbm>>
      %dma_wait3A_85 = tpu.memref_squeeze %dma_wait3A_84 : memref<1x100x100xi32, #tpu.memory_space<hbm>> -> memref<100x100xi32, #tpu.memory_space<hbm>>
      tpu.wait_dma2 semaphore(%run_scoped3A : memref<!tpu.dma_semaphore, #tpu.memory_space<semaphore_mem>>) src(%dma_wait3A_85 : memref<100x100xi32, #tpu.memory_space<hbm>>) dst(%arg13 : memref<100x100xi32, #tpu.memory_space<vmem>>)
      tpu.yield
    }) : () -> ()
    "tpu.region"() ({
      %run_scoped3A = tpu.sem_alloc : memref<!tpu.dma_semaphore, #tpu.memory_space<semaphore_mem>>
      tpu.enqueue_dma source(%arg9 : memref<100x8xf32, #tpu.memory_space<hbm>>) target(%arg19 : memref<100x8xf32, #tpu.memory_space<vmem>>) target_semaphore(%run_scoped3A : memref<!tpu.dma_semaphore, #tpu.memory_space<semaphore_mem>>)
      tpu.wait_dma2 semaphore(%run_scoped3A : memref<!tpu.dma_semaphore, #tpu.memory_space<semaphore_mem>>) src(%arg9 : memref<100x8xf32, #tpu.memory_space<hbm>>) dst(%arg19 : memref<100x8xf32, #tpu.memory_space<vmem>>)
      tpu.yield
    }) : () -> ()
    "tpu.region"() ({
      %run_scoped3A = tpu.sem_alloc : memref<!tpu.dma_semaphore, #tpu.memory_space<semaphore_mem>>
      tpu.enqueue_dma source(%arg6 : memref<2x64xf32, #tpu.memory_space<hbm>>) target(%arg20 : memref<2x64xf32, #tpu.memory_space<vmem>>) target_semaphore(%run_scoped3A : memref<!tpu.dma_semaphore, #tpu.memory_space<semaphore_mem>>)
      tpu.wait_dma2 semaphore(%run_scoped3A : memref<!tpu.dma_semaphore, #tpu.memory_space<semaphore_mem>>) src(%arg6 : memref<2x64xf32, #tpu.memory_space<hbm>>) dst(%arg20 : memref<2x64xf32, #tpu.memory_space<vmem>>)
      tpu.yield
    }) : () -> ()
    %mul3A_3 = arith.constant 625 : i32
    %mul3A_4 = arith.muli %arg1, %mul3A_3 : i32
    "tpu.region"() ({
      %run_scoped3A = tpu.sem_alloc : memref<!tpu.dma_semaphore, #tpu.memory_space<semaphore_mem>>
      %dma_start3A_71 = arith.constant 0 : i32
      %dma_start3A_72 = tpu.memref_slice %arg21[%mul3A_4, %dma_start3A_71] : memref<10000x64xf32, #tpu.memory_space<vmem_shared>> -> memref<625x64xf32, #tpu.memory_space<vmem_shared>>
      tpu.enqueue_dma source(%arg7 : memref<625x64xf32, #tpu.memory_space<hbm>>) target(%dma_start3A_72 : memref<625x64xf32, #tpu.memory_space<vmem_shared>>) target_semaphore(%run_scoped3A : memref<!tpu.dma_semaphore, #tpu.memory_space<semaphore_mem>>)
      %dma_wait3A = arith.constant 0 : i32
      %dma_wait3A_73 = tpu.memref_slice %arg21[%mul3A_4, %dma_wait3A] : memref<10000x64xf32, #tpu.memory_space<vmem_shared>> -> memref<625x64xf32, #tpu.memory_space<vmem_shared>>
      tpu.wait_dma2 semaphore(%run_scoped3A : memref<!tpu.dma_semaphore, #tpu.memory_space<semaphore_mem>>) src(%arg7 : memref<625x64xf32, #tpu.memory_space<hbm>>) dst(%dma_wait3A_73 : memref<625x64xf32, #tpu.memory_space<vmem_shared>>)
      tpu.yield
    }) : () -> ()
    %mul3A_5 = arith.constant 625 : i32
    %mul3A_6 = arith.muli %arg1, %mul3A_5 : i32
    "tpu.region"() ({
      %run_scoped3A = tpu.sem_alloc : memref<!tpu.dma_semaphore, #tpu.memory_space<semaphore_mem>>
      %dma_start3A_71 = arith.constant 0 : i32
      %dma_start3A_72 = tpu.memref_slice %arg22[%mul3A_6, %dma_start3A_71] : memref<10000x8xf32, #tpu.memory_space<vmem_shared>> -> memref<625x8xf32, #tpu.memory_space<vmem_shared>>
      tpu.enqueue_dma source(%arg8 : memref<625x8xf32, #tpu.memory_space<hbm>>) target(%dma_start3A_72 : memref<625x8xf32, #tpu.memory_space<vmem_shared>>) target_semaphore(%run_scoped3A : memref<!tpu.dma_semaphore, #tpu.memory_space<semaphore_mem>>)
      %dma_wait3A = arith.constant 0 : i32
      %dma_wait3A_73 = tpu.memref_slice %arg22[%mul3A_6, %dma_wait3A] : memref<10000x8xf32, #tpu.memory_space<vmem_shared>> -> memref<625x8xf32, #tpu.memory_space<vmem_shared>>
      tpu.wait_dma2 semaphore(%run_scoped3A : memref<!tpu.dma_semaphore, #tpu.memory_space<semaphore_mem>>) src(%arg8 : memref<625x8xf32, #tpu.memory_space<hbm>>) dst(%dma_wait3A_73 : memref<625x8xf32, #tpu.memory_space<vmem_shared>>)
      tpu.yield
    }) : () -> ()
    %barrier3A = arith.constant 0 : index
    tpu.barrier barrier_id(%barrier3A)
    %get3A = arith.constant 0 : i32
    %get3A_7 = arith.index_cast %get3A : i32 to index
    %get3A_8 = arith.constant 0 : index
    %get3A_9 = tpu.vector_load %arg20[%get3A_7, %get3A_8] {strides = array<i32>} : memref<2x64xf32, #tpu.memory_space<vmem>>, vector<1x16xf32>,
    %get3A_10 = vector.shape_cast %get3A_9 : vector<1x16xf32> to vector<16xf32>
    %get3A_11 = arith.constant 0 : i32
    %get3A_12 = arith.index_cast %get3A_11 : i32 to index
    %get3A_13 = arith.constant 16 : index
    %get3A_14 = tpu.vector_load %arg20[%get3A_12, %get3A_13] {strides = array<i32>} : memref<2x64xf32, #tpu.memory_space<vmem>>, vector<1x16xf32>,
    %get3A_15 = vector.shape_cast %get3A_14 : vector<1x16xf32> to vector<16xf32>
    %get3A_16 = arith.constant 0 : i32
    %get3A_17 = arith.index_cast %get3A_16 : i32 to index
    %get3A_18 = arith.constant 32 : index
    %get3A_19 = tpu.vector_load %arg20[%get3A_17, %get3A_18] {strides = array<i32>} : memref<2x64xf32, #tpu.memory_space<vmem>>, vector<1x16xf32>,
    %get3A_20 = vector.shape_cast %get3A_19 : vector<1x16xf32> to vector<16xf32>
    %get3A_21 = arith.constant 0 : i32
    %get3A_22 = arith.index_cast %get3A_21 : i32 to index
    %get3A_23 = arith.constant 48 : index
    %get3A_24 = tpu.vector_load %arg20[%get3A_22, %get3A_23] {strides = array<i32>} : memref<2x64xf32, #tpu.memory_space<vmem>>, vector<1x16xf32>,
    %get3A_25 = vector.shape_cast %get3A_24 : vector<1x16xf32> to vector<16xf32>
    %get3A_26 = arith.constant 1 : i32
    %get3A_27 = arith.index_cast %get3A_26 : i32 to index
    %get3A_28 = arith.constant 0 : index
    %get3A_29 = tpu.vector_load %arg20[%get3A_27, %get3A_28] {strides = array<i32>} : memref<2x64xf32, #tpu.memory_space<vmem>>, vector<1x16xf32>,
    %get3A_30 = vector.shape_cast %get3A_29 : vector<1x16xf32> to vector<16xf32>
    %get3A_31 = arith.constant 1 : i32
    %get3A_32 = arith.index_cast %get3A_31 : i32 to index
    %get3A_33 = arith.constant 16 : index
    %get3A_34 = tpu.vector_load %arg20[%get3A_32, %get3A_33] {strides = array<i32>} : memref<2x64xf32, #tpu.memory_space<vmem>>, vector<1x16xf32>,
    %get3A_35 = vector.shape_cast %get3A_34 : vector<1x16xf32> to vector<16xf32>
    %get3A_36 = arith.constant 1 : i32
    %get3A_37 = arith.index_cast %get3A_36 : i32 to index
    %get3A_38 = arith.constant 32 : index
    %get3A_39 = tpu.vector_load %arg20[%get3A_37, %get3A_38] {strides = array<i32>} : memref<2x64xf32, #tpu.memory_space<vmem>>, vector<1x16xf32>,
    %get3A_40 = vector.shape_cast %get3A_39 : vector<1x16xf32> to vector<16xf32>
    %get3A_41 = arith.constant 1 : i32
    %get3A_42 = arith.index_cast %get3A_41 : i32 to index
    %get3A_43 = arith.constant 48 : index
    %get3A_44 = tpu.vector_load %arg20[%get3A_42, %get3A_43] {strides = array<i32>} : memref<2x64xf32, #tpu.memory_space<vmem>>, vector<1x16xf32>,
    %get3A_45 = vector.shape_cast %get3A_44 : vector<1x16xf32> to vector<16xf32>
    %add3A_46 = arith.constant 0 : i32
    %add3A_47 = arith.addi %mul3A_2, %add3A_46 : i32
    %dma_start3A = arith.constant 0 : i32
    %dma_start3A_48 = tpu.memref_slice %arg5[%add3A_47, %dma_start3A] : memref<160000x128xf32, #tpu.memory_space<hbm>> -> memref<50x128xf32, #tpu.memory_space<hbm>>
    %dma_start3A_49 = arith.constant 0 : i32
    %dma_start3A_50 = tpu.memref_slice %arg5[%add3A_47, %dma_start3A_49] : memref<160000x128xf32, #tpu.memory_space<hbm>> -> memref<50x128xf32, #tpu.memory_space<hbm>>
    tpu.enqueue_dma source(%dma_start3A_50 : memref<50x128xf32, #tpu.memory_space<hbm>>) target(%arg14 : memref<50x128xf32, #tpu.memory_space<vmem>>) target_semaphore(%arg23 : memref<!tpu.dma_semaphore, #tpu.memory_space<semaphore_mem>>)
    %dma_start3A_51 = arith.constant 0 : i32
    %dma_start3A_52 = arith.constant 0 : i32
    %dma_start3A_53 = tpu.memref_slice %arg12[%dma_start3A_51, %dma_start3A_52] : memref<100x100xi32, #tpu.memory_space<vmem>> -> memref<1x100xi32, #tpu.memory_space<vmem>>
    %dma_start3A_54 = tpu.memref_squeeze %dma_start3A_53 : memref<1x100xi32, #tpu.memory_space<vmem>> -> memref<100xi32, #tpu.memory_space<vmem>>
    %dma_start3A_55 = arith.constant 0 : i32
    %dma_start3A_56 = arith.constant 0 : i32
    %dma_start3A_57 = tpu.memref_slice %arg2[%dma_start3A_55, %dma_start3A_56] : memref<10000x64xf32, #tpu.memory_space<hbm>> -> memref<10000x64xf32, #tpu.memory_space<hbm>>
    tpu.enqueue_indirect_dma source(%dma_start3A_57 : memref<10000x64xf32, #tpu.memory_space<hbm>>) target(%arg16 : memref<100x64xf32, #tpu.memory_space<vmem>>) offsets(%dma_start3A_54 : memref<100xi32, #tpu.memory_space<vmem>>) semaphore(%arg25 : memref<!tpu.dma_semaphore, #tpu.memory_space<semaphore_mem>>)
    %scan3A = arith.constant 0 : i32
    %scan3A_58 = arith.constant 50 : i32
    %scan3A_59 = arith.addi %scan3A, %scan3A_58 : i32
    %scan3A_60 = arith.constant 1 : i32
    scf.for %scan3A_71 = %scan3A to %scan3A_59 step %scan3A_60  : i32 {
      %mul3A_72 = arith.constant 2 : i32
      %mul3A_73 = arith.muli %scan3A_71, %mul3A_72 : i32
      %add3A_74 = arith.constant 0 : i32
      %add3A_75 = arith.addi %add3A_74, %mul3A_73 : i32
      %add3A_76 = arith.constant 1 : i32
      %add3A_77 = arith.addi %add3A_75, %add3A_76 : i32
      %mul3A_78 = arith.constant 50 : i32
      %mul3A_79 = arith.muli %add3A_77, %mul3A_78 : i32
      %add3A_80 = arith.addi %mul3A_2, %mul3A_79 : i32
      %dma_start3A_81 = arith.constant 0 : i32
      %dma_start3A_82 = tpu.memref_slice %arg5[%add3A_80, %dma_start3A_81] : memref<160000x128xf32, #tpu.memory_space<hbm>> -> memref<50x128xf32, #tpu.memory_space<hbm>>
      %dma_start3A_83 = arith.constant 0 : i32
      %dma_start3A_84 = tpu.memref_slice %arg5[%add3A_80, %dma_start3A_83] : memref<160000x128xf32, #tpu.memory_space<hbm>> -> memref<50x128xf32, #tpu.memory_space<hbm>>
      tpu.enqueue_dma source(%dma_start3A_84 : memref<50x128xf32, #tpu.memory_space<hbm>>) target(%arg15 : memref<50x128xf32, #tpu.memory_space<vmem>>) target_semaphore(%arg24 : memref<!tpu.dma_semaphore, #tpu.memory_space<semaphore_mem>>)
      %dma_start3A_85 = arith.constant 0 : i32
      %dma_start3A_86 = tpu.memref_slice %arg12[%add3A_77, %dma_start3A_85] : memref<100x100xi32, #tpu.memory_space<vmem>> -> memref<1x100xi32, #tpu.memory_space<vmem>>
      %dma_start3A_87 = tpu.memref_squeeze %dma_start3A_86 : memref<1x100xi32, #tpu.memory_space<vmem>> -> memref<100xi32, #tpu.memory_space<vmem>>
      %dma_start3A_88 = arith.constant 0 : i32
      %dma_start3A_89 = arith.constant 0 : i32
      %dma_start3A_90 = tpu.memref_slice %arg2[%dma_start3A_88, %dma_start3A_89] : memref<10000x64xf32, #tpu.memory_space<hbm>> -> memref<10000x64xf32, #tpu.memory_space<hbm>>
      tpu.enqueue_indirect_dma source(%dma_start3A_90 : memref<10000x64xf32, #tpu.memory_space<hbm>>) target(%arg17 : memref<100x64xf32, #tpu.memory_space<vmem>>) offsets(%dma_start3A_87 : memref<100xi32, #tpu.memory_space<vmem>>) semaphore(%arg26 : memref<!tpu.dma_semaphore, #tpu.memory_space<semaphore_mem>>)
      %dma_wait3A = arith.constant 0 : i32
      %dma_wait3A_91 = tpu.memref_slice %arg5[%mul3A_2, %dma_wait3A] : memref<160000x128xf32, #tpu.memory_space<hbm>> -> memref<50x128xf32, #tpu.memory_space<hbm>>
      %dma_wait3A_92 = arith.constant 0 : i32
      %dma_wait3A_93 = tpu.memref_slice %arg5[%mul3A_2, %dma_wait3A_92] : memref<160000x128xf32, #tpu.memory_space<hbm>> -> memref<50x128xf32, #tpu.memory_space<hbm>>
      tpu.wait_dma2 semaphore(%arg23 : memref<!tpu.dma_semaphore, #tpu.memory_space<semaphore_mem>>) src(%dma_wait3A_93 : memref<50x128xf32, #tpu.memory_space<hbm>>) dst(%arg14 : memref<50x128xf32, #tpu.memory_space<vmem>>)
      %dma_wait3A_94 = arith.constant 0 : i32
      %dma_wait3A_95 = tpu.memref_slice %arg12[%add3A_75, %dma_wait3A_94] : memref<100x100xi32, #tpu.memory_space<vmem>> -> memref<1x100xi32, #tpu.memory_space<vmem>>
      %dma_wait3A_96 = tpu.memref_squeeze %dma_wait3A_95 : memref<1x100xi32, #tpu.memory_space<vmem>> -> memref<100xi32, #tpu.memory_space<vmem>>
      %dma_wait3A_97 = arith.constant 0 : i32
      %dma_wait3A_98 = arith.constant 0 : i32
      %dma_wait3A_99 = tpu.memref_slice %arg2[%dma_wait3A_97, %dma_wait3A_98] : memref<10000x64xf32, #tpu.memory_space<hbm>> -> memref<10000x64xf32, #tpu.memory_space<hbm>>
      tpu.wait_indirect_dma semaphore(%arg25 : memref<!tpu.dma_semaphore, #tpu.memory_space<semaphore_mem>>) src(%dma_wait3A_99 : memref<10000x64xf32, #tpu.memory_space<hbm>>) dst(%arg16 : memref<100x64xf32, #tpu.memory_space<vmem>>)
      %scan3A_100 = arith.constant 0 : i32
      %scan3A_101 = arith.constant 50 : i32
      %scan3A_102 = arith.addi %scan3A_100, %scan3A_101 : i32
      %scan3A_103 = arith.constant 1 : i32
      scf.for %scan3A_128 = %scan3A_100 to %scan3A_102 step %scan3A_103  : i32 {
        %mul3A_129 = arith.constant 1 : i32
        %mul3A_130 = arith.muli %scan3A_128, %mul3A_129 : i32
        %add3A_131 = arith.constant 0 : i32
        %add3A_132 = arith.addi %add3A_131, %mul3A_130 : i32
        %mul3A_133 = arith.constant 2 : i32
        %mul3A_134 = arith.muli %mul3A_133, %add3A_132 : i32
        %add3A_135 = arith.constant 0 : i32
        %add3A_136 = arith.addi %mul3A_134, %add3A_135 : i32
        %get3A_137 = arith.index_cast %add3A_136 : i32 to index
        %get3A_138 = arith.constant 0 : index
        %get3A_139 = tpu.vector_load %arg16[%get3A_137, %get3A_138] {strides = array<i32>} : memref<100x64xf32, #tpu.memory_space<vmem>>, vector<1x16xf32>,
        %get3A_140 = vector.shape_cast %get3A_139 : vector<1x16xf32> to vector<16xf32>
        %get3A_141 = arith.index_cast %add3A_132 : i32 to index
        %get3A_142 = arith.constant 0 : index
        %get3A_143 = tpu.vector_load %arg14[%get3A_141, %get3A_142] {strides = array<i32>} : memref<50x128xf32, #tpu.memory_space<vmem>>, vector<1x16xf32>,
        %get3A_144 = vector.shape_cast %get3A_143 : vector<1x16xf32> to vector<16xf32>
        %add3A_145 = arith.addf %get3A_140, %get3A_144 : vector<16xf32>
        %get3A_146 = arith.index_cast %add3A_136 : i32 to index
        %get3A_147 = arith.constant 16 : index
        %get3A_148 = tpu.vector_load %arg16[%get3A_146, %get3A_147] {strides = array<i32>} : memref<100x64xf32, #tpu.memory_space<vmem>>, vector<1x16xf32>,
        %get3A_149 = vector.shape_cast %get3A_148 : vector<1x16xf32> to vector<16xf32>
        %get3A_150 = arith.index_cast %add3A_132 : i32 to index
        %get3A_151 = arith.constant 16 : index
        %get3A_152 = tpu.vector_load %arg14[%get3A_150, %get3A_151] {strides = array<i32>} : memref<50x128xf32, #tpu.memory_space<vmem>>, vector<1x16xf32>,
        %get3A_153 = vector.shape_cast %get3A_152 : vector<1x16xf32> to vector<16xf32>
        %add3A_154 = arith.addf %get3A_149, %get3A_153 : vector<16xf32>
        %get3A_155 = arith.index_cast %add3A_136 : i32 to index
        %get3A_156 = arith.constant 32 : index
        %get3A_157 = tpu.vector_load %arg16[%get3A_155, %get3A_156] {strides = array<i32>} : memref<100x64xf32, #tpu.memory_space<vmem>>, vector<1x16xf32>,
        %get3A_158 = vector.shape_cast %get3A_157 : vector<1x16xf32> to vector<16xf32>
        %get3A_159 = arith.index_cast %add3A_132 : i32 to index
        %get3A_160 = arith.constant 32 : index
        %get3A_161 = tpu.vector_load %arg14[%get3A_159, %get3A_160] {strides = array<i32>} : memref<50x128xf32, #tpu.memory_space<vmem>>, vector<1x16xf32>,
        %get3A_162 = vector.shape_cast %get3A_161 : vector<1x16xf32> to vector<16xf32>
        %add3A_163 = arith.addf %get3A_158, %get3A_162 : vector<16xf32>
        %get3A_164 = arith.index_cast %add3A_136 : i32 to index
        %get3A_165 = arith.constant 48 : index
        %get3A_166 = tpu.vector_load %arg16[%get3A_164, %get3A_165] {strides = array<i32>} : memref<100x64xf32, #tpu.memory_space<vmem>>, vector<1x16xf32>,
        %get3A_167 = vector.shape_cast %get3A_166 : vector<1x16xf32> to vector<16xf32>
        %get3A_168 = arith.index_cast %add3A_132 : i32 to index
        %get3A_169 = arith.constant 48 : index
        %get3A_170 = tpu.vector_load %arg14[%get3A_168, %get3A_169] {strides = array<i32>} : memref<50x128xf32, #tpu.memory_space<vmem>>, vector<1x16xf32>,
        %get3A_171 = vector.shape_cast %get3A_170 : vector<1x16xf32> to vector<16xf32>
        %add3A_172 = arith.addf %get3A_167, %get3A_171 : vector<16xf32>
        %mul3A_173 = arith.constant 0.00999999977 : f32
        %mul3A_174 = vector.broadcast %mul3A_173 : f32 to vector<16xf32>
        %mul3A_175 = arith.mulf %mul3A_174, %add3A_145 : vector<16xf32>
        %max3A = arith.maximumf %add3A_145, %mul3A_175 : vector<16xf32>
        %mul3A_176 = arith.constant 0.00999999977 : f32
        %mul3A_177 = vector.broadcast %mul3A_176 : f32 to vector<16xf32>
        %mul3A_178 = arith.mulf %mul3A_177, %add3A_154 : vector<16xf32>
        %max3A_179 = arith.maximumf %add3A_154, %mul3A_178 : vector<16xf32>
        %mul3A_180 = arith.constant 0.00999999977 : f32
        %mul3A_181 = vector.broadcast %mul3A_180 : f32 to vector<16xf32>
        %mul3A_182 = arith.mulf %mul3A_181, %add3A_163 : vector<16xf32>
        %max3A_183 = arith.maximumf %add3A_163, %mul3A_182 : vector<16xf32>
        %mul3A_184 = arith.constant 0.00999999977 : f32
        %mul3A_185 = vector.broadcast %mul3A_184 : f32 to vector<16xf32>
        %mul3A_186 = arith.mulf %mul3A_185, %add3A_172 : vector<16xf32>
        %max3A_187 = arith.maximumf %add3A_172, %mul3A_186 : vector<16xf32>
        %add3A_188 = arith.addf %max3A, %max3A_179 : vector<16xf32>
        %add3A_189 = arith.addf %add3A_188, %max3A_183 : vector<16xf32>
        %add3A_190 = arith.addf %add3A_189, %max3A_187 : vector<16xf32>
        %iota3A = tpu.iota {dimensions = array<i32: 0>} : vector<16xi32>
        %xor3A = arith.constant 8 : i32
        %xor3A_191 = vector.broadcast %xor3A : i32 to vector<16xi32>
        %xor3A_192 = arith.xori %iota3A, %xor3A_191 : vector<16xi32>
        %broadcast_in_dim3A = vector.shape_cast %xor3A_192 : vector<16xi32> to vector<16x1xi32>
        %gather3A = vector.shape_cast %broadcast_in_dim3A : vector<16x1xi32> to vector<16xi32>
        %gather3A_193 = tpu.dynamic_gather %add3A_190[%gather3A] in [0] : vector<16xf32>, vector<16xi32> -> vector<16xf32>
        %add3A_194 = arith.addf %add3A_190, %gather3A_193 : vector<16xf32>
        %iota3A_195 = tpu.iota {dimensions = array<i32: 0>} : vector<16xi32>
        %xor3A_196 = arith.constant 4 : i32
        %xor3A_197 = vector.broadcast %xor3A_196 : i32 to vector<16xi32>
        %xor3A_198 = arith.xori %iota3A_195, %xor3A_197 : vector<16xi32>
        %broadcast_in_dim3A_199 = vector.shape_cast %xor3A_198 : vector<16xi32> to vector<16x1xi32>
        %gather3A_200 = vector.shape_cast %broadcast_in_dim3A_199 : vector<16x1xi32> to vector<16xi32>
        %gather3A_201 = tpu.dynamic_gather %add3A_194[%gather3A_200] in [0] : vector<16xf32>, vector<16xi32> -> vector<16xf32>
        %add3A_202 = arith.addf %add3A_194, %gather3A_201 : vector<16xf32>
        %iota3A_203 = tpu.iota {dimensions = array<i32: 0>} : vector<16xi32>
        %xor3A_204 = arith.constant 2 : i32
        %xor3A_205 = vector.broadcast %xor3A_204 : i32 to vector<16xi32>
        %xor3A_206 = arith.xori %iota3A_203, %xor3A_205 : vector<16xi32>
        %broadcast_in_dim3A_207 = vector.shape_cast %xor3A_206 : vector<16xi32> to vector<16x1xi32>
        %gather3A_208 = vector.shape_cast %broadcast_in_dim3A_207 : vector<16x1xi32> to vector<16xi32>
        %gather3A_209 = tpu.dynamic_gather %add3A_202[%gather3A_208] in [0] : vector<16xf32>, vector<16xi32> -> vector<16xf32>
        %add3A_210 = arith.addf %add3A_202, %gather3A_209 : vector<16xf32>
        %iota3A_211 = tpu.iota {dimensions = array<i32: 0>} : vector<16xi32>
        %xor3A_212 = arith.constant 1 : i32
        %xor3A_213 = vector.broadcast %xor3A_212 : i32 to vector<16xi32>
        %xor3A_214 = arith.xori %iota3A_211, %xor3A_213 : vector<16xi32>
        %broadcast_in_dim3A_215 = vector.shape_cast %xor3A_214 : vector<16xi32> to vector<16x1xi32>
        %gather3A_216 = vector.shape_cast %broadcast_in_dim3A_215 : vector<16x1xi32> to vector<16xi32>
        %gather3A_217 = tpu.dynamic_gather %add3A_210[%gather3A_216] in [0] : vector<16xf32>, vector<16xi32> -> vector<16xf32>
        %add3A_218 = arith.addf %add3A_210, %gather3A_217 : vector<16xf32>
        %mul3A_219 = arith.constant 1.562500e-02 : f32
        %mul3A_220 = vector.broadcast %mul3A_219 : f32 to vector<16xf32>
        %mul3A_221 = arith.mulf %add3A_218, %mul3A_220 : vector<16xf32>
        %mul3A_222 = arith.mulf %max3A, %max3A : vector<16xf32>
        %mul3A_223 = arith.mulf %max3A_179, %max3A_179 : vector<16xf32>
        %add3A_224 = arith.addf %mul3A_222, %mul3A_223 : vector<16xf32>
        %mul3A_225 = arith.mulf %max3A_183, %max3A_183 : vector<16xf32>
        %add3A_226 = arith.addf %add3A_224, %mul3A_225 : vector<16xf32>
        %mul3A_227 = arith.mulf %max3A_187, %max3A_187 : vector<16xf32>
        %add3A_228 = arith.addf %add3A_226, %mul3A_227 : vector<16xf32>
        %iota3A_229 = tpu.iota {dimensions = array<i32: 0>} : vector<16xi32>
        %xor3A_230 = arith.constant 8 : i32
        %xor3A_231 = vector.broadcast %xor3A_230 : i32 to vector<16xi32>
        %xor3A_232 = arith.xori %iota3A_229, %xor3A_231 : vector<16xi32>
        %broadcast_in_dim3A_233 = vector.shape_cast %xor3A_232 : vector<16xi32> to vector<16x1xi32>
        %gather3A_234 = vector.shape_cast %broadcast_in_dim3A_233 : vector<16x1xi32> to vector<16xi32>
        %gather3A_235 = tpu.dynamic_gather %add3A_228[%gather3A_234] in [0] : vector<16xf32>, vector<16xi32> -> vector<16xf32>
        %add3A_236 = arith.addf %add3A_228, %gather3A_235 : vector<16xf32>
        %iota3A_237 = tpu.iota {dimensions = array<i32: 0>} : vector<16xi32>
        %xor3A_238 = arith.constant 4 : i32
        %xor3A_239 = vector.broadcast %xor3A_238 : i32 to vector<16xi32>
        %xor3A_240 = arith.xori %iota3A_237, %xor3A_239 : vector<16xi32>
        %broadcast_in_dim3A_241 = vector.shape_cast %xor3A_240 : vector<16xi32> to vector<16x1xi32>
        %gather3A_242 = vector.shape_cast %broadcast_in_dim3A_241 : vector<16x1xi32> to vector<16xi32>
        %gather3A_243 = tpu.dynamic_gather %add3A_236[%gather3A_242] in [0] : vector<16xf32>, vector<16xi32> -> vector<16xf32>
        %add3A_244 = arith.addf %add3A_236, %gather3A_243 : vector<16xf32>
        %iota3A_245 = tpu.iota {dimensions = array<i32: 0>} : vector<16xi32>
        %xor3A_246 = arith.constant 2 : i32
        %xor3A_247 = vector.broadcast %xor3A_246 : i32 to vector<16xi32>
        %xor3A_248 = arith.xori %iota3A_245, %xor3A_247 : vector<16xi32>
        %broadcast_in_dim3A_249 = vector.shape_cast %xor3A_248 : vector<16xi32> to vector<16x1xi32>
        %gather3A_250 = vector.shape_cast %broadcast_in_dim3A_249 : vector<16x1xi32> to vector<16xi32>
        %gather3A_251 = tpu.dynamic_gather %add3A_244[%gather3A_250] in [0] : vector<16xf32>, vector<16xi32> -> vector<16xf32>
        %add3A_252 = arith.addf %add3A_244, %gather3A_251 : vector<16xf32>
        %iota3A_253 = tpu.iota {dimensions = array<i32: 0>} : vector<16xi32>
        %xor3A_254 = arith.constant 1 : i32
        %xor3A_255 = vector.broadcast %xor3A_254 : i32 to vector<16xi32>
        %xor3A_256 = arith.xori %iota3A_253, %xor3A_255 : vector<16xi32>
        %broadcast_in_dim3A_257 = vector.shape_cast %xor3A_256 : vector<16xi32> to vector<16x1xi32>
        %gather3A_258 = vector.shape_cast %broadcast_in_dim3A_257 : vector<16x1xi32> to vector<16xi32>
        %gather3A_259 = tpu.dynamic_gather %add3A_252[%gather3A_258] in [0] : vector<16xf32>, vector<16xi32> -> vector<16xf32>
        %add3A_260 = arith.addf %add3A_252, %gather3A_259 : vector<16xf32>
        %mul3A_261 = arith.constant 1.562500e-02 : f32
        %mul3A_262 = vector.broadcast %mul3A_261 : f32 to vector<16xf32>
        %mul3A_263 = arith.mulf %add3A_260, %mul3A_262 : vector<16xf32>
        %mul3A_264 = arith.mulf %mul3A_221, %mul3A_221 : vector<16xf32>
        %sub3A = arith.subf %mul3A_263, %mul3A_264 : vector<16xf32>
        %add3A_265 = arith.constant 9.99999974E-6 : f32
        %add3A_266 = vector.broadcast %add3A_265 : f32 to vector<16xf32>
        %add3A_267 = arith.addf %sub3A, %add3A_266 : vector<16xf32>
        %mul3A_268 = arith.constant 5.000000e-01 : f32
        %mul3A_269 = vector.broadcast %mul3A_268 : f32 to vector<16xf32>
        %mul3A_270 = arith.mulf %add3A_267, %mul3A_269 : vector<16xf32>
        %bitcast_convert_type3A = tpu.bitcast %add3A_267 : vector<16xf32> -> vector<16xi32>
        %shift_right_logical3A = arith.constant 1 : i32
        %shift_right_logical3A_271 = vector.broadcast %shift_right_logical3A : i32 to vector<16xi32>
        %shift_right_logical3A_272 = arith.shrui %bitcast_convert_type3A, %shift_right_logical3A_271 : vector<16xi32>
        %sub3A_273 = arith.constant 1597463007 : i32
        %sub3A_274 = vector.broadcast %sub3A_273 : i32 to vector<16xi32>
        %sub3A_275 = arith.subi %sub3A_274, %shift_right_logical3A_272 : vector<16xi32>
        %bitcast_convert_type3A_276 = tpu.bitcast %sub3A_275 : vector<16xi32> -> vector<16xf32>
        %mul3A_277 = arith.mulf %mul3A_270, %bitcast_convert_type3A_276 : vector<16xf32>
        %mul3A_278 = arith.mulf %mul3A_277, %bitcast_convert_type3A_276 : vector<16xf32>
        %sub3A_279 = arith.constant 1.500000e+00 : f32
        %sub3A_280 = vector.broadcast %sub3A_279 : f32 to vector<16xf32>
        %sub3A_281 = arith.subf %sub3A_280, %mul3A_278 : vector<16xf32>
        %mul3A_282 = arith.mulf %bitcast_convert_type3A_276, %sub3A_281 : vector<16xf32>
        %mul3A_283 = arith.mulf %mul3A_270, %mul3A_282 : vector<16xf32>
        %mul3A_284 = arith.mulf %mul3A_283, %mul3A_282 : vector<16xf32>
        %sub3A_285 = arith.constant 1.500000e+00 : f32
        %sub3A_286 = vector.broadcast %sub3A_285 : f32 to vector<16xf32>
        %sub3A_287 = arith.subf %sub3A_286, %mul3A_284 : vector<16xf32>
        %mul3A_288 = arith.mulf %mul3A_282, %sub3A_287 : vector<16xf32>
        %mul3A_289 = arith.mulf %mul3A_270, %mul3A_288 : vector<16xf32>
        %mul3A_290 = arith.mulf %mul3A_289, %mul3A_288 : vector<16xf32>
        %sub3A_291 = arith.constant 1.500000e+00 : f32
        %sub3A_292 = vector.broadcast %sub3A_291 : f32 to vector<16xf32>
        %sub3A_293 = arith.subf %sub3A_292, %mul3A_290 : vector<16xf32>
        %mul3A_294 = arith.mulf %mul3A_288, %sub3A_293 : vector<16xf32>
        %sub3A_295 = arith.subf %max3A, %mul3A_221 : vector<16xf32>
        %mul3A_296 = arith.mulf %mul3A_294, %get3A_10 : vector<16xf32>
        %mul3A_297 = arith.mulf %sub3A_295, %mul3A_296 : vector<16xf32>
        %add3A_298 = arith.addf %mul3A_297, %get3A_30 : vector<16xf32>
        %swap3A = arith.index_cast %add3A_136 : i32 to index
        %swap3A_299 = arith.constant 0 : index
        %swap3A_300 = tpu.vector_load %arg18[%swap3A, %swap3A_299] {strides = array<i32>} : memref<100x64xf32, #tpu.memory_space<vmem>>, vector<1x16xf32>,
        %swap3A_301 = vector.shape_cast %swap3A_300 : vector<1x16xf32> to vector<16xf32>
        %swap3A_302 = vector.shape_cast %add3A_298 : vector<16xf32> to vector<1x16xf32>
        tpu.vector_store %arg18[%swap3A, %swap3A_299], %swap3A_302 {strides = array<i32>} : memref<100x64xf32, #tpu.memory_space<vmem>>, vector<1x16xf32>,
        %sub3A_303 = arith.subf %max3A_179, %mul3A_221 : vector<16xf32>
        %mul3A_304 = arith.mulf %mul3A_294, %get3A_15 : vector<16xf32>
        %mul3A_305 = arith.mulf %sub3A_303, %mul3A_304 : vector<16xf32>
        %add3A_306 = arith.addf %mul3A_305, %get3A_35 : vector<16xf32>
        %swap3A_307 = arith.index_cast %add3A_136 : i32 to index
        %swap3A_308 = arith.constant 16 : index
        %swap3A_309 = tpu.vector_load %arg18[%swap3A_307, %swap3A_308] {strides = array<i32>} : memref<100x64xf32, #tpu.memory_space<vmem>>, vector<1x16xf32>,
        %swap3A_310 = vector.shape_cast %swap3A_309 : vector<1x16xf32> to vector<16xf32>
        %swap3A_311 = vector.shape_cast %add3A_306 : vector<16xf32> to vector<1x16xf32>
        tpu.vector_store %arg18[%swap3A_307, %swap3A_308], %swap3A_311 {strides = array<i32>} : memref<100x64xf32, #tpu.memory_space<vmem>>, vector<1x16xf32>,
        %sub3A_312 = arith.subf %max3A_183, %mul3A_221 : vector<16xf32>
        %mul3A_313 = arith.mulf %mul3A_294, %get3A_20 : vector<16xf32>
        %mul3A_314 = arith.mulf %sub3A_312, %mul3A_313 : vector<16xf32>
        %add3A_315 = arith.addf %mul3A_314, %get3A_40 : vector<16xf32>
        %swap3A_316 = arith.index_cast %add3A_136 : i32 to index
        %swap3A_317 = arith.constant 32 : index
        %swap3A_318 = tpu.vector_load %arg18[%swap3A_316, %swap3A_317] {strides = array<i32>} : memref<100x64xf32, #tpu.memory_space<vmem>>, vector<1x16xf32>,
        %swap3A_319 = vector.shape_cast %swap3A_318 : vector<1x16xf32> to vector<16xf32>
        %swap3A_320 = vector.shape_cast %add3A_315 : vector<16xf32> to vector<1x16xf32>
        tpu.vector_store %arg18[%swap3A_316, %swap3A_317], %swap3A_320 {strides = array<i32>} : memref<100x64xf32, #tpu.memory_space<vmem>>, vector<1x16xf32>,
        %sub3A_321 = arith.subf %max3A_187, %mul3A_221 : vector<16xf32>
        %mul3A_322 = arith.mulf %mul3A_294, %get3A_25 : vector<16xf32>
        %mul3A_323 = arith.mulf %sub3A_321, %mul3A_322 : vector<16xf32>
        %add3A_324 = arith.addf %mul3A_323, %get3A_45 : vector<16xf32>
        %swap3A_325 = arith.index_cast %add3A_136 : i32 to index
        %swap3A_326 = arith.constant 48 : index
        %swap3A_327 = tpu.vector_load %arg18[%swap3A_325, %swap3A_326] {strides = array<i32>} : memref<100x64xf32, #tpu.memory_space<vmem>>, vector<1x16xf32>,
        %swap3A_328 = vector.shape_cast %swap3A_327 : vector<1x16xf32> to vector<16xf32>
        %swap3A_329 = vector.shape_cast %add3A_324 : vector<16xf32> to vector<1x16xf32>
        tpu.vector_store %arg18[%swap3A_325, %swap3A_326], %swap3A_329 {strides = array<i32>} : memref<100x64xf32, #tpu.memory_space<vmem>>, vector<1x16xf32>,
        %mul3A_330 = arith.constant 2 : i32
        %mul3A_331 = arith.muli %mul3A_330, %add3A_132 : i32
        %add3A_332 = arith.constant 1 : i32
        %add3A_333 = arith.addi %mul3A_331, %add3A_332 : i32
        %get3A_334 = arith.index_cast %add3A_333 : i32 to index
        %get3A_335 = arith.constant 0 : index
        %get3A_336 = tpu.vector_load %arg16[%get3A_334, %get3A_335] {strides = array<i32>} : memref<100x64xf32, #tpu.memory_space<vmem>>, vector<1x16xf32>,
        %get3A_337 = vector.shape_cast %get3A_336 : vector<1x16xf32> to vector<16xf32>
        %get3A_338 = arith.index_cast %add3A_132 : i32 to index
        %get3A_339 = arith.constant 64 : index
        %get3A_340 = tpu.vector_load %arg14[%get3A_338, %get3A_339] {strides = array<i32>} : memref<50x128xf32, #tpu.memory_space<vmem>>, vector<1x16xf32>,
        %get3A_341 = vector.shape_cast %get3A_340 : vector<1x16xf32> to vector<16xf32>
        %add3A_342 = arith.addf %get3A_337, %get3A_341 : vector<16xf32>
        %get3A_343 = arith.index_cast %add3A_333 : i32 to index
        %get3A_344 = arith.constant 16 : index
        %get3A_345 = tpu.vector_load %arg16[%get3A_343, %get3A_344] {strides = array<i32>} : memref<100x64xf32, #tpu.memory_space<vmem>>, vector<1x16xf32>,
        %get3A_346 = vector.shape_cast %get3A_345 : vector<1x16xf32> to vector<16xf32>
        %get3A_347 = arith.index_cast %add3A_132 : i32 to index
        %get3A_348 = arith.constant 80 : index
        %get3A_349 = tpu.vector_load %arg14[%get3A_347, %get3A_348] {strides = array<i32>} : memref<50x128xf32, #tpu.memory_space<vmem>>, vector<1x16xf32>,
        %get3A_350 = vector.shape_cast %get3A_349 : vector<1x16xf32> to vector<16xf32>
        %add3A_351 = arith.addf %get3A_346, %get3A_350 : vector<16xf32>
        %get3A_352 = arith.index_cast %add3A_333 : i32 to index
        %get3A_353 = arith.constant 32 : index
        %get3A_354 = tpu.vector_load %arg16[%get3A_352, %get3A_353] {strides = array<i32>} : memref<100x64xf32, #tpu.memory_space<vmem>>, vector<1x16xf32>,
        %get3A_355 = vector.shape_cast %get3A_354 : vector<1x16xf32> to vector<16xf32>
        %get3A_356 = arith.index_cast %add3A_132 : i32 to index
        %get3A_357 = arith.constant 96 : index
        %get3A_358 = tpu.vector_load %arg14[%get3A_356, %get3A_357] {strides = array<i32>} : memref<50x128xf32, #tpu.memory_space<vmem>>, vector<1x16xf32>,
        %get3A_359 = vector.shape_cast %get3A_358 : vector<1x16xf32> to vector<16xf32>
        %add3A_360 = arith.addf %get3A_355, %get3A_359 : vector<16xf32>
        %get3A_361 = arith.index_cast %add3A_333 : i32 to index
        %get3A_362 = arith.constant 48 : index
        %get3A_363 = tpu.vector_load %arg16[%get3A_361, %get3A_362] {strides = array<i32>} : memref<100x64xf32, #tpu.memory_space<vmem>>, vector<1x16xf32>,
        %get3A_364 = vector.shape_cast %get3A_363 : vector<1x16xf32> to vector<16xf32>
        %get3A_365 = arith.index_cast %add3A_132 : i32 to index
        %get3A_366 = arith.constant 112 : index
        %get3A_367 = tpu.vector_load %arg14[%get3A_365, %get3A_366] {strides = array<i32>} : memref<50x128xf32, #tpu.memory_space<vmem>>, vector<1x16xf32>,
        %get3A_368 = vector.shape_cast %get3A_367 : vector<1x16xf32> to vector<16xf32>
        %add3A_369 = arith.addf %get3A_364, %get3A_368 : vector<16xf32>
        %mul3A_370 = arith.constant 0.00999999977 : f32
        %mul3A_371 = vector.broadcast %mul3A_370 : f32 to vector<16xf32>
        %mul3A_372 = arith.mulf %mul3A_371, %add3A_342 : vector<16xf32>
        %max3A_373 = arith.maximumf %add3A_342, %mul3A_372 : vector<16xf32>
        %mul3A_374 = arith.constant 0.00999999977 : f32
        %mul3A_375 = vector.broadcast %mul3A_374 : f32 to vector<16xf32>
        %mul3A_376 = arith.mulf %mul3A_375, %add3A_351 : vector<16xf32>
        %max3A_377 = arith.maximumf %add3A_351, %mul3A_376 : vector<16xf32>
        %mul3A_378 = arith.constant 0.00999999977 : f32
        %mul3A_379 = vector.broadcast %mul3A_378 : f32 to vector<16xf32>
        %mul3A_380 = arith.mulf %mul3A_379, %add3A_360 : vector<16xf32>
        %max3A_381 = arith.maximumf %add3A_360, %mul3A_380 : vector<16xf32>
        %mul3A_382 = arith.constant 0.00999999977 : f32
        %mul3A_383 = vector.broadcast %mul3A_382 : f32 to vector<16xf32>
        %mul3A_384 = arith.mulf %mul3A_383, %add3A_369 : vector<16xf32>
        %max3A_385 = arith.maximumf %add3A_369, %mul3A_384 : vector<16xf32>
        %add3A_386 = arith.addf %max3A_373, %max3A_377 : vector<16xf32>
        %add3A_387 = arith.addf %add3A_386, %max3A_381 : vector<16xf32>
        %add3A_388 = arith.addf %add3A_387, %max3A_385 : vector<16xf32>
        %iota3A_389 = tpu.iota {dimensions = array<i32: 0>} : vector<16xi32>
        %xor3A_390 = arith.constant 8 : i32
        %xor3A_391 = vector.broadcast %xor3A_390 : i32 to vector<16xi32>
        %xor3A_392 = arith.xori %iota3A_389, %xor3A_391 : vector<16xi32>
        %broadcast_in_dim3A_393 = vector.shape_cast %xor3A_392 : vector<16xi32> to vector<16x1xi32>
        %gather3A_394 = vector.shape_cast %broadcast_in_dim3A_393 : vector<16x1xi32> to vector<16xi32>
        %gather3A_395 = tpu.dynamic_gather %add3A_388[%gather3A_394] in [0] : vector<16xf32>, vector<16xi32> -> vector<16xf32>
        %add3A_396 = arith.addf %add3A_388, %gather3A_395 : vector<16xf32>
        %iota3A_397 = tpu.iota {dimensions = array<i32: 0>} : vector<16xi32>
        %xor3A_398 = arith.constant 4 : i32
        %xor3A_399 = vector.broadcast %xor3A_398 : i32 to vector<16xi32>
        %xor3A_400 = arith.xori %iota3A_397, %xor3A_399 : vector<16xi32>
        %broadcast_in_dim3A_401 = vector.shape_cast %xor3A_400 : vector<16xi32> to vector<16x1xi32>
        %gather3A_402 = vector.shape_cast %broadcast_in_dim3A_401 : vector<16x1xi32> to vector<16xi32>
        %gather3A_403 = tpu.dynamic_gather %add3A_396[%gather3A_402] in [0] : vector<16xf32>, vector<16xi32> -> vector<16xf32>
        %add3A_404 = arith.addf %add3A_396, %gather3A_403 : vector<16xf32>
        %iota3A_405 = tpu.iota {dimensions = array<i32: 0>} : vector<16xi32>
        %xor3A_406 = arith.constant 2 : i32
        %xor3A_407 = vector.broadcast %xor3A_406 : i32 to vector<16xi32>
        %xor3A_408 = arith.xori %iota3A_405, %xor3A_407 : vector<16xi32>
        %broadcast_in_dim3A_409 = vector.shape_cast %xor3A_408 : vector<16xi32> to vector<16x1xi32>
        %gather3A_410 = vector.shape_cast %broadcast_in_dim3A_409 : vector<16x1xi32> to vector<16xi32>
        %gather3A_411 = tpu.dynamic_gather %add3A_404[%gather3A_410] in [0] : vector<16xf32>, vector<16xi32> -> vector<16xf32>
        %add3A_412 = arith.addf %add3A_404, %gather3A_411 : vector<16xf32>
        %iota3A_413 = tpu.iota {dimensions = array<i32: 0>} : vector<16xi32>
        %xor3A_414 = arith.constant 1 : i32
        %xor3A_415 = vector.broadcast %xor3A_414 : i32 to vector<16xi32>
        %xor3A_416 = arith.xori %iota3A_413, %xor3A_415 : vector<16xi32>
        %broadcast_in_dim3A_417 = vector.shape_cast %xor3A_416 : vector<16xi32> to vector<16x1xi32>
        %gather3A_418 = vector.shape_cast %broadcast_in_dim3A_417 : vector<16x1xi32> to vector<16xi32>
        %gather3A_419 = tpu.dynamic_gather %add3A_412[%gather3A_418] in [0] : vector<16xf32>, vector<16xi32> -> vector<16xf32>
        %add3A_420 = arith.addf %add3A_412, %gather3A_419 : vector<16xf32>
        %mul3A_421 = arith.constant 1.562500e-02 : f32
        %mul3A_422 = vector.broadcast %mul3A_421 : f32 to vector<16xf32>
        %mul3A_423 = arith.mulf %add3A_420, %mul3A_422 : vector<16xf32>
        %mul3A_424 = arith.mulf %max3A_373, %max3A_373 : vector<16xf32>
        %mul3A_425 = arith.mulf %max3A_377, %max3A_377 : vector<16xf32>
        %add3A_426 = arith.addf %mul3A_424, %mul3A_425 : vector<16xf32>
        %mul3A_427 = arith.mulf %max3A_381, %max3A_381 : vector<16xf32>
        %add3A_428 = arith.addf %add3A_426, %mul3A_427 : vector<16xf32>
        %mul3A_429 = arith.mulf %max3A_385, %max3A_385 : vector<16xf32>
        %add3A_430 = arith.addf %add3A_428, %mul3A_429 : vector<16xf32>
        %iota3A_431 = tpu.iota {dimensions = array<i32: 0>} : vector<16xi32>
        %xor3A_432 = arith.constant 8 : i32
        %xor3A_433 = vector.broadcast %xor3A_432 : i32 to vector<16xi32>
        %xor3A_434 = arith.xori %iota3A_431, %xor3A_433 : vector<16xi32>
        %broadcast_in_dim3A_435 = vector.shape_cast %xor3A_434 : vector<16xi32> to vector<16x1xi32>
        %gather3A_436 = vector.shape_cast %broadcast_in_dim3A_435 : vector<16x1xi32> to vector<16xi32>
        %gather3A_437 = tpu.dynamic_gather %add3A_430[%gather3A_436] in [0] : vector<16xf32>, vector<16xi32> -> vector<16xf32>
        %add3A_438 = arith.addf %add3A_430, %gather3A_437 : vector<16xf32>
        %iota3A_439 = tpu.iota {dimensions = array<i32: 0>} : vector<16xi32>
        %xor3A_440 = arith.constant 4 : i32
        %xor3A_441 = vector.broadcast %xor3A_440 : i32 to vector<16xi32>
        %xor3A_442 = arith.xori %iota3A_439, %xor3A_441 : vector<16xi32>
        %broadcast_in_dim3A_443 = vector.shape_cast %xor3A_442 : vector<16xi32> to vector<16x1xi32>
        %gather3A_444 = vector.shape_cast %broadcast_in_dim3A_443 : vector<16x1xi32> to vector<16xi32>
        %gather3A_445 = tpu.dynamic_gather %add3A_438[%gather3A_444] in [0] : vector<16xf32>, vector<16xi32> -> vector<16xf32>
        %add3A_446 = arith.addf %add3A_438, %gather3A_445 : vector<16xf32>
        %iota3A_447 = tpu.iota {dimensions = array<i32: 0>} : vector<16xi32>
        %xor3A_448 = arith.constant 2 : i32
        %xor3A_449 = vector.broadcast %xor3A_448 : i32 to vector<16xi32>
        %xor3A_450 = arith.xori %iota3A_447, %xor3A_449 : vector<16xi32>
        %broadcast_in_dim3A_451 = vector.shape_cast %xor3A_450 : vector<16xi32> to vector<16x1xi32>
        %gather3A_452 = vector.shape_cast %broadcast_in_dim3A_451 : vector<16x1xi32> to vector<16xi32>
        %gather3A_453 = tpu.dynamic_gather %add3A_446[%gather3A_452] in [0] : vector<16xf32>, vector<16xi32> -> vector<16xf32>
        %add3A_454 = arith.addf %add3A_446, %gather3A_453 : vector<16xf32>
        %iota3A_455 = tpu.iota {dimensions = array<i32: 0>} : vector<16xi32>
        %xor3A_456 = arith.constant 1 : i32
        %xor3A_457 = vector.broadcast %xor3A_456 : i32 to vector<16xi32>
        %xor3A_458 = arith.xori %iota3A_455, %xor3A_457 : vector<16xi32>
        %broadcast_in_dim3A_459 = vector.shape_cast %xor3A_458 : vector<16xi32> to vector<16x1xi32>
        %gather3A_460 = vector.shape_cast %broadcast_in_dim3A_459 : vector<16x1xi32> to vector<16xi32>
        %gather3A_461 = tpu.dynamic_gather %add3A_454[%gather3A_460] in [0] : vector<16xf32>, vector<16xi32> -> vector<16xf32>
        %add3A_462 = arith.addf %add3A_454, %gather3A_461 : vector<16xf32>
        %mul3A_463 = arith.constant 1.562500e-02 : f32
        %mul3A_464 = vector.broadcast %mul3A_463 : f32 to vector<16xf32>
        %mul3A_465 = arith.mulf %add3A_462, %mul3A_464 : vector<16xf32>
        %mul3A_466 = arith.mulf %mul3A_423, %mul3A_423 : vector<16xf32>
        %sub3A_467 = arith.subf %mul3A_465, %mul3A_466 : vector<16xf32>
        %add3A_468 = arith.constant 9.99999974E-6 : f32
        %add3A_469 = vector.broadcast %add3A_468 : f32 to vector<16xf32>
        %add3A_470 = arith.addf %sub3A_467, %add3A_469 : vector<16xf32>
        %mul3A_471 = arith.constant 5.000000e-01 : f32
        %mul3A_472 = vector.broadcast %mul3A_471 : f32 to vector<16xf32>
        %mul3A_473 = arith.mulf %add3A_470, %mul3A_472 : vector<16xf32>
        %bitcast_convert_type3A_474 = tpu.bitcast %add3A_470 : vector<16xf32> -> vector<16xi32>
        %shift_right_logical3A_475 = arith.constant 1 : i32
        %shift_right_logical3A_476 = vector.broadcast %shift_right_logical3A_475 : i32 to vector<16xi32>
        %shift_right_logical3A_477 = arith.shrui %bitcast_convert_type3A_474, %shift_right_logical3A_476 : vector<16xi32>
        %sub3A_478 = arith.constant 1597463007 : i32
        %sub3A_479 = vector.broadcast %sub3A_478 : i32 to vector<16xi32>
        %sub3A_480 = arith.subi %sub3A_479, %shift_right_logical3A_477 : vector<16xi32>
        %bitcast_convert_type3A_481 = tpu.bitcast %sub3A_480 : vector<16xi32> -> vector<16xf32>
        %mul3A_482 = arith.mulf %mul3A_473, %bitcast_convert_type3A_481 : vector<16xf32>
        %mul3A_483 = arith.mulf %mul3A_482, %bitcast_convert_type3A_481 : vector<16xf32>
        %sub3A_484 = arith.constant 1.500000e+00 : f32
        %sub3A_485 = vector.broadcast %sub3A_484 : f32 to vector<16xf32>
        %sub3A_486 = arith.subf %sub3A_485, %mul3A_483 : vector<16xf32>
        %mul3A_487 = arith.mulf %bitcast_convert_type3A_481, %sub3A_486 : vector<16xf32>
        %mul3A_488 = arith.mulf %mul3A_473, %mul3A_487 : vector<16xf32>
        %mul3A_489 = arith.mulf %mul3A_488, %mul3A_487 : vector<16xf32>
        %sub3A_490 = arith.constant 1.500000e+00 : f32
        %sub3A_491 = vector.broadcast %sub3A_490 : f32 to vector<16xf32>
        %sub3A_492 = arith.subf %sub3A_491, %mul3A_489 : vector<16xf32>
        %mul3A_493 = arith.mulf %mul3A_487, %sub3A_492 : vector<16xf32>
        %mul3A_494 = arith.mulf %mul3A_473, %mul3A_493 : vector<16xf32>
        %mul3A_495 = arith.mulf %mul3A_494, %mul3A_493 : vector<16xf32>
        %sub3A_496 = arith.constant 1.500000e+00 : f32
        %sub3A_497 = vector.broadcast %sub3A_496 : f32 to vector<16xf32>
        %sub3A_498 = arith.subf %sub3A_497, %mul3A_495 : vector<16xf32>
        %mul3A_499 = arith.mulf %mul3A_493, %sub3A_498 : vector<16xf32>
        %sub3A_500 = arith.subf %max3A_373, %mul3A_423 : vector<16xf32>
        %mul3A_501 = arith.mulf %mul3A_499, %get3A_10 : vector<16xf32>
        %mul3A_502 = arith.mulf %sub3A_500, %mul3A_501 : vector<16xf32>
        %add3A_503 = arith.addf %mul3A_502, %get3A_30 : vector<16xf32>
        %swap3A_504 = arith.index_cast %add3A_333 : i32 to index
        %swap3A_505 = arith.constant 0 : index
        %swap3A_506 = tpu.vector_load %arg18[%swap3A_504, %swap3A_505] {strides = array<i32>} : memref<100x64xf32, #tpu.memory_space<vmem>>, vector<1x16xf32>,
        %swap3A_507 = vector.shape_cast %swap3A_506 : vector<1x16xf32> to vector<16xf32>
        %swap3A_508 = vector.shape_cast %add3A_503 : vector<16xf32> to vector<1x16xf32>
        tpu.vector_store %arg18[%swap3A_504, %swap3A_505], %swap3A_508 {strides = array<i32>} : memref<100x64xf32, #tpu.memory_space<vmem>>, vector<1x16xf32>,
        %sub3A_509 = arith.subf %max3A_377, %mul3A_423 : vector<16xf32>
        %mul3A_510 = arith.mulf %mul3A_499, %get3A_15 : vector<16xf32>
        %mul3A_511 = arith.mulf %sub3A_509, %mul3A_510 : vector<16xf32>
        %add3A_512 = arith.addf %mul3A_511, %get3A_35 : vector<16xf32>
        %swap3A_513 = arith.index_cast %add3A_333 : i32 to index
        %swap3A_514 = arith.constant 16 : index
        %swap3A_515 = tpu.vector_load %arg18[%swap3A_513, %swap3A_514] {strides = array<i32>} : memref<100x64xf32, #tpu.memory_space<vmem>>, vector<1x16xf32>,
        %swap3A_516 = vector.shape_cast %swap3A_515 : vector<1x16xf32> to vector<16xf32>
        %swap3A_517 = vector.shape_cast %add3A_512 : vector<16xf32> to vector<1x16xf32>
        tpu.vector_store %arg18[%swap3A_513, %swap3A_514], %swap3A_517 {strides = array<i32>} : memref<100x64xf32, #tpu.memory_space<vmem>>, vector<1x16xf32>,
        %sub3A_518 = arith.subf %max3A_381, %mul3A_423 : vector<16xf32>
        %mul3A_519 = arith.mulf %mul3A_499, %get3A_20 : vector<16xf32>
        %mul3A_520 = arith.mulf %sub3A_518, %mul3A_519 : vector<16xf32>
        %add3A_521 = arith.addf %mul3A_520, %get3A_40 : vector<16xf32>
        %swap3A_522 = arith.index_cast %add3A_333 : i32 to index
        %swap3A_523 = arith.constant 32 : index
        %swap3A_524 = tpu.vector_load %arg18[%swap3A_522, %swap3A_523] {strides = array<i32>} : memref<100x64xf32, #tpu.memory_space<vmem>>, vector<1x16xf32>,
        %swap3A_525 = vector.shape_cast %swap3A_524 : vector<1x16xf32> to vector<16xf32>
        %swap3A_526 = vector.shape_cast %add3A_521 : vector<16xf32> to vector<1x16xf32>
        tpu.vector_store %arg18[%swap3A_522, %swap3A_523], %swap3A_526 {strides = array<i32>} : memref<100x64xf32, #tpu.memory_space<vmem>>, vector<1x16xf32>,
        %sub3A_527 = arith.subf %max3A_385, %mul3A_423 : vector<16xf32>
        %mul3A_528 = arith.mulf %mul3A_499, %get3A_25 : vector<16xf32>
        %mul3A_529 = arith.mulf %sub3A_527, %mul3A_528 : vector<16xf32>
        %add3A_530 = arith.addf %mul3A_529, %get3A_45 : vector<16xf32>
        %swap3A_531 = arith.index_cast %add3A_333 : i32 to index
        %swap3A_532 = arith.constant 48 : index
        %swap3A_533 = tpu.vector_load %arg18[%swap3A_531, %swap3A_532] {strides = array<i32>} : memref<100x64xf32, #tpu.memory_space<vmem>>, vector<1x16xf32>,
        %swap3A_534 = vector.shape_cast %swap3A_533 : vector<1x16xf32> to vector<16xf32>
        %swap3A_535 = vector.shape_cast %add3A_530 : vector<16xf32> to vector<1x16xf32>
        tpu.vector_store %arg18[%swap3A_531, %swap3A_532], %swap3A_535 {strides = array<i32>} : memref<100x64xf32, #tpu.memory_space<vmem>>, vector<1x16xf32>,
      }
      %scan3A_104 = arith.constant 50 : i32
      "tpu.region"() ({
        %run_scoped3A = tpu.sem_alloc : memref<!tpu.dma_semaphore, #tpu.memory_space<semaphore_mem>>
        %dma_start3A_128 = arith.constant 0 : i32
        %dma_start3A_129 = tpu.memref_slice %arg13[%add3A_75, %dma_start3A_128] : memref<100x100xi32, #tpu.memory_space<vmem>> -> memref<1x100xi32, #tpu.memory_space<vmem>>
        %dma_start3A_130 = tpu.memref_squeeze %dma_start3A_129 : memref<1x100xi32, #tpu.memory_space<vmem>> -> memref<100xi32, #tpu.memory_space<vmem>>
        %dma_start3A_131 = arith.constant 0 : i32
        %dma_start3A_132 = arith.constant 0 : i32
        %dma_start3A_133 = tpu.memref_slice %arg21[%dma_start3A_131, %dma_start3A_132] : memref<10000x64xf32, #tpu.memory_space<vmem_shared>> -> memref<10000x64xf32, #tpu.memory_space<vmem_shared>>
        tpu.enqueue_indirect_dma source(%arg18 : memref<100x64xf32, #tpu.memory_space<vmem>>) target(%dma_start3A_133 : memref<10000x64xf32, #tpu.memory_space<vmem_shared>>) offsets(%dma_start3A_130 : memref<100xi32, #tpu.memory_space<vmem>>) semaphore(%run_scoped3A : memref<!tpu.dma_semaphore, #tpu.memory_space<semaphore_mem>>) {add = true}
        %dma_wait3A_134 = arith.constant 0 : i32
        %dma_wait3A_135 = tpu.memref_slice %arg13[%add3A_75, %dma_wait3A_134] : memref<100x100xi32, #tpu.memory_space<vmem>> -> memref<1x100xi32, #tpu.memory_space<vmem>>
        %dma_wait3A_136 = tpu.memref_squeeze %dma_wait3A_135 : memref<1x100xi32, #tpu.memory_space<vmem>> -> memref<100xi32, #tpu.memory_space<vmem>>
        %dma_wait3A_137 = arith.constant 0 : i32
        %dma_wait3A_138 = arith.constant 0 : i32
        %dma_wait3A_139 = tpu.memref_slice %arg21[%dma_wait3A_137, %dma_wait3A_138] : memref<10000x64xf32, #tpu.memory_space<vmem_shared>> -> memref<10000x64xf32, #tpu.memory_space<vmem_shared>>
        tpu.wait_indirect_dma semaphore(%run_scoped3A : memref<!tpu.dma_semaphore, #tpu.memory_space<semaphore_mem>>) src(%arg18 : memref<100x64xf32, #tpu.memory_space<vmem>>) dst(%dma_wait3A_139 : memref<10000x64xf32, #tpu.memory_space<vmem_shared>>)
        tpu.yield
      }) : () -> ()
      "tpu.region"() ({
        %run_scoped3A = tpu.sem_alloc : memref<!tpu.dma_semaphore, #tpu.memory_space<semaphore_mem>>
        %dma_start3A_128 = arith.constant 0 : i32
        %dma_start3A_129 = tpu.memref_slice %arg13[%add3A_75, %dma_start3A_128] : memref<100x100xi32, #tpu.memory_space<vmem>> -> memref<1x100xi32, #tpu.memory_space<vmem>>
        %dma_start3A_130 = tpu.memref_squeeze %dma_start3A_129 : memref<1x100xi32, #tpu.memory_space<vmem>> -> memref<100xi32, #tpu.memory_space<vmem>>
        %dma_start3A_131 = arith.constant 0 : i32
        %dma_start3A_132 = arith.constant 0 : i32
        %dma_start3A_133 = tpu.memref_slice %arg22[%dma_start3A_131, %dma_start3A_132] : memref<10000x8xf32, #tpu.memory_space<vmem_shared>> -> memref<10000x8xf32, #tpu.memory_space<vmem_shared>>
        tpu.enqueue_indirect_dma source(%arg19 : memref<100x8xf32, #tpu.memory_space<vmem>>) target(%dma_start3A_133 : memref<10000x8xf32, #tpu.memory_space<vmem_shared>>) offsets(%dma_start3A_130 : memref<100xi32, #tpu.memory_space<vmem>>) semaphore(%run_scoped3A : memref<!tpu.dma_semaphore, #tpu.memory_space<semaphore_mem>>) {add = true}
        %dma_wait3A_134 = arith.constant 0 : i32
        %dma_wait3A_135 = tpu.memref_slice %arg13[%add3A_75, %dma_wait3A_134] : memref<100x100xi32, #tpu.memory_space<vmem>> -> memref<1x100xi32, #tpu.memory_space<vmem>>
        %dma_wait3A_136 = tpu.memref_squeeze %dma_wait3A_135 : memref<1x100xi32, #tpu.memory_space<vmem>> -> memref<100xi32, #tpu.memory_space<vmem>>
        %dma_wait3A_137 = arith.constant 0 : i32
        %dma_wait3A_138 = arith.constant 0 : i32
        %dma_wait3A_139 = tpu.memref_slice %arg22[%dma_wait3A_137, %dma_wait3A_138] : memref<10000x8xf32, #tpu.memory_space<vmem_shared>> -> memref<10000x8xf32, #tpu.memory_space<vmem_shared>>
        tpu.wait_indirect_dma semaphore(%run_scoped3A : memref<!tpu.dma_semaphore, #tpu.memory_space<semaphore_mem>>) src(%arg19 : memref<100x8xf32, #tpu.memory_space<vmem>>) dst(%dma_wait3A_139 : memref<10000x8xf32, #tpu.memory_space<vmem_shared>>)
        tpu.yield
      }) : () -> ()
      %add3A_105 = arith.constant 2 : i32
      %add3A_106 = arith.addi %add3A_75, %add3A_105 : i32
      %lt3A = arith.constant 100 : i32
      %lt3A_107 = arith.cmpi slt, %add3A_106, %lt3A : i32
      %convert_element_type3A = arith.extui %lt3A_107 : i1 to i32
      %cond3A = arith.constant 0 : i32
      %cond3A_108 = arith.cmpi ne, %convert_element_type3A, %cond3A : i32
      scf.if %cond3A_108 {
        %add3A_128 = arith.constant 2 : i32
        %add3A_129 = arith.addi %add3A_75, %add3A_128 : i32
        %mul3A_130 = arith.constant 50 : i32
        %mul3A_131 = arith.muli %add3A_129, %mul3A_130 : i32
        %add3A_132 = arith.addi %mul3A_2, %mul3A_131 : i32
        %dma_start3A_133 = arith.constant 0 : i32
        %dma_start3A_134 = tpu.memref_slice %arg5[%add3A_132, %dma_start3A_133] : memref<160000x128xf32, #tpu.memory_space<hbm>> -> memref<50x128xf32, #tpu.memory_space<hbm>>
        %dma_start3A_135 = arith.constant 0 : i32
        %dma_start3A_136 = tpu.memref_slice %arg5[%add3A_132, %dma_start3A_135] : memref<160000x128xf32, #tpu.memory_space<hbm>> -> memref<50x128xf32, #tpu.memory_space<hbm>>
        tpu.enqueue_dma source(%dma_start3A_136 : memref<50x128xf32, #tpu.memory_space<hbm>>) target(%arg14 : memref<50x128xf32, #tpu.memory_space<vmem>>) target_semaphore(%arg23 : memref<!tpu.dma_semaphore, #tpu.memory_space<semaphore_mem>>)
        %dma_start3A_137 = arith.constant 0 : i32
        %dma_start3A_138 = tpu.memref_slice %arg12[%add3A_129, %dma_start3A_137] : memref<100x100xi32, #tpu.memory_space<vmem>> -> memref<1x100xi32, #tpu.memory_space<vmem>>
        %dma_start3A_139 = tpu.memref_squeeze %dma_start3A_138 : memref<1x100xi32, #tpu.memory_space<vmem>> -> memref<100xi32, #tpu.memory_space<vmem>>
        %dma_start3A_140 = arith.constant 0 : i32
        %dma_start3A_141 = arith.constant 0 : i32
        %dma_start3A_142 = tpu.memref_slice %arg2[%dma_start3A_140, %dma_start3A_141] : memref<10000x64xf32, #tpu.memory_space<hbm>> -> memref<10000x64xf32, #tpu.memory_space<hbm>>
        tpu.enqueue_indirect_dma source(%dma_start3A_142 : memref<10000x64xf32, #tpu.memory_space<hbm>>) target(%arg16 : memref<100x64xf32, #tpu.memory_space<vmem>>) offsets(%dma_start3A_139 : memref<100xi32, #tpu.memory_space<vmem>>) semaphore(%arg25 : memref<!tpu.dma_semaphore, #tpu.memory_space<semaphore_mem>>)
      } else {
      }
      %add3A_109 = arith.constant 1 : i32
      %add3A_110 = arith.addi %add3A_75, %add3A_109 : i32
      %dma_wait3A_111 = arith.constant 0 : i32
      %dma_wait3A_112 = tpu.memref_slice %arg5[%mul3A_2, %dma_wait3A_111] : memref<160000x128xf32, #tpu.memory_space<hbm>> -> memref<50x128xf32, #tpu.memory_space<hbm>>
      %dma_wait3A_113 = arith.constant 0 : i32
      %dma_wait3A_114 = tpu.memref_slice %arg5[%mul3A_2, %dma_wait3A_113] : memref<160000x128xf32, #tpu.memory_space<hbm>> -> memref<50x128xf32, #tpu.memory_space<hbm>>
      tpu.wait_dma2 semaphore(%arg24 : memref<!tpu.dma_semaphore, #tpu.memory_space<semaphore_mem>>) src(%dma_wait3A_114 : memref<50x128xf32, #tpu.memory_space<hbm>>) dst(%arg15 : memref<50x128xf32, #tpu.memory_space<vmem>>)
      %dma_wait3A_115 = arith.constant 0 : i32
      %dma_wait3A_116 = tpu.memref_slice %arg12[%add3A_110, %dma_wait3A_115] : memref<100x100xi32, #tpu.memory_space<vmem>> -> memref<1x100xi32, #tpu.memory_space<vmem>>
      %dma_wait3A_117 = tpu.memref_squeeze %dma_wait3A_116 : memref<1x100xi32, #tpu.memory_space<vmem>> -> memref<100xi32, #tpu.memory_space<vmem>>
      %dma_wait3A_118 = arith.constant 0 : i32
      %dma_wait3A_119 = arith.constant 0 : i32
      %dma_wait3A_120 = tpu.memref_slice %arg2[%dma_wait3A_118, %dma_wait3A_119] : memref<10000x64xf32, #tpu.memory_space<hbm>> -> memref<10000x64xf32, #tpu.memory_space<hbm>>
      tpu.wait_indirect_dma semaphore(%arg26 : memref<!tpu.dma_semaphore, #tpu.memory_space<semaphore_mem>>) src(%dma_wait3A_120 : memref<10000x64xf32, #tpu.memory_space<hbm>>) dst(%arg17 : memref<100x64xf32, #tpu.memory_space<vmem>>)
      %add3A_121 = arith.constant 1 : i32
      %add3A_122 = arith.addi %add3A_75, %add3A_121 : i32
      %scan3A_123 = arith.constant 0 : i32
      %scan3A_124 = arith.constant 50 : i32
      %scan3A_125 = arith.addi %scan3A_123, %scan3A_124 : i32
      %scan3A_126 = arith.constant 1 : i32
      scf.for %scan3A_128 = %scan3A_123 to %scan3A_125 step %scan3A_126  : i32 {
        %mul3A_129 = arith.constant 1 : i32
        %mul3A_130 = arith.muli %scan3A_128, %mul3A_129 : i32
        %add3A_131 = arith.constant 0 : i32
        %add3A_132 = arith.addi %add3A_131, %mul3A_130 : i32
        %mul3A_133 = arith.constant 2 : i32
        %mul3A_134 = arith.muli %mul3A_133, %add3A_132 : i32
        %add3A_135 = arith.constant 0 : i32
        %add3A_136 = arith.addi %mul3A_134, %add3A_135 : i32
        %get3A_137 = arith.index_cast %add3A_136 : i32 to index
        %get3A_138 = arith.constant 0 : index
        %get3A_139 = tpu.vector_load %arg17[%get3A_137, %get3A_138] {strides = array<i32>} : memref<100x64xf32, #tpu.memory_space<vmem>>, vector<1x16xf32>,
        %get3A_140 = vector.shape_cast %get3A_139 : vector<1x16xf32> to vector<16xf32>
        %get3A_141 = arith.index_cast %add3A_132 : i32 to index
        %get3A_142 = arith.constant 0 : index
        %get3A_143 = tpu.vector_load %arg15[%get3A_141, %get3A_142] {strides = array<i32>} : memref<50x128xf32, #tpu.memory_space<vmem>>, vector<1x16xf32>,
        %get3A_144 = vector.shape_cast %get3A_143 : vector<1x16xf32> to vector<16xf32>
        %add3A_145 = arith.addf %get3A_140, %get3A_144 : vector<16xf32>
        %get3A_146 = arith.index_cast %add3A_136 : i32 to index
        %get3A_147 = arith.constant 16 : index
        %get3A_148 = tpu.vector_load %arg17[%get3A_146, %get3A_147] {strides = array<i32>} : memref<100x64xf32, #tpu.memory_space<vmem>>, vector<1x16xf32>,
        %get3A_149 = vector.shape_cast %get3A_148 : vector<1x16xf32> to vector<16xf32>
        %get3A_150 = arith.index_cast %add3A_132 : i32 to index
        %get3A_151 = arith.constant 16 : index
        %get3A_152 = tpu.vector_load %arg15[%get3A_150, %get3A_151] {strides = array<i32>} : memref<50x128xf32, #tpu.memory_space<vmem>>, vector<1x16xf32>,
        %get3A_153 = vector.shape_cast %get3A_152 : vector<1x16xf32> to vector<16xf32>
        %add3A_154 = arith.addf %get3A_149, %get3A_153 : vector<16xf32>
        %get3A_155 = arith.index_cast %add3A_136 : i32 to index
        %get3A_156 = arith.constant 32 : index
        %get3A_157 = tpu.vector_load %arg17[%get3A_155, %get3A_156] {strides = array<i32>} : memref<100x64xf32, #tpu.memory_space<vmem>>, vector<1x16xf32>,
        %get3A_158 = vector.shape_cast %get3A_157 : vector<1x16xf32> to vector<16xf32>
        %get3A_159 = arith.index_cast %add3A_132 : i32 to index
        %get3A_160 = arith.constant 32 : index
        %get3A_161 = tpu.vector_load %arg15[%get3A_159, %get3A_160] {strides = array<i32>} : memref<50x128xf32, #tpu.memory_space<vmem>>, vector<1x16xf32>,
        %get3A_162 = vector.shape_cast %get3A_161 : vector<1x16xf32> to vector<16xf32>
        %add3A_163 = arith.addf %get3A_158, %get3A_162 : vector<16xf32>
        %get3A_164 = arith.index_cast %add3A_136 : i32 to index
        %get3A_165 = arith.constant 48 : index
        %get3A_166 = tpu.vector_load %arg17[%get3A_164, %get3A_165] {strides = array<i32>} : memref<100x64xf32, #tpu.memory_space<vmem>>, vector<1x16xf32>,
        %get3A_167 = vector.shape_cast %get3A_166 : vector<1x16xf32> to vector<16xf32>
        %get3A_168 = arith.index_cast %add3A_132 : i32 to index
        %get3A_169 = arith.constant 48 : index
        %get3A_170 = tpu.vector_load %arg15[%get3A_168, %get3A_169] {strides = array<i32>} : memref<50x128xf32, #tpu.memory_space<vmem>>, vector<1x16xf32>,
        %get3A_171 = vector.shape_cast %get3A_170 : vector<1x16xf32> to vector<16xf32>
        %add3A_172 = arith.addf %get3A_167, %get3A_171 : vector<16xf32>
        %mul3A_173 = arith.constant 0.00999999977 : f32
        %mul3A_174 = vector.broadcast %mul3A_173 : f32 to vector<16xf32>
        %mul3A_175 = arith.mulf %mul3A_174, %add3A_145 : vector<16xf32>
        %max3A = arith.maximumf %add3A_145, %mul3A_175 : vector<16xf32>
        %mul3A_176 = arith.constant 0.00999999977 : f32
        %mul3A_177 = vector.broadcast %mul3A_176 : f32 to vector<16xf32>
        %mul3A_178 = arith.mulf %mul3A_177, %add3A_154 : vector<16xf32>
        %max3A_179 = arith.maximumf %add3A_154, %mul3A_178 : vector<16xf32>
        %mul3A_180 = arith.constant 0.00999999977 : f32
        %mul3A_181 = vector.broadcast %mul3A_180 : f32 to vector<16xf32>
        %mul3A_182 = arith.mulf %mul3A_181, %add3A_163 : vector<16xf32>
        %max3A_183 = arith.maximumf %add3A_163, %mul3A_182 : vector<16xf32>
        %mul3A_184 = arith.constant 0.00999999977 : f32
        %mul3A_185 = vector.broadcast %mul3A_184 : f32 to vector<16xf32>
        %mul3A_186 = arith.mulf %mul3A_185, %add3A_172 : vector<16xf32>
        %max3A_187 = arith.maximumf %add3A_172, %mul3A_186 : vector<16xf32>
        %add3A_188 = arith.addf %max3A, %max3A_179 : vector<16xf32>
        %add3A_189 = arith.addf %add3A_188, %max3A_183 : vector<16xf32>
        %add3A_190 = arith.addf %add3A_189, %max3A_187 : vector<16xf32>
        %iota3A = tpu.iota {dimensions = array<i32: 0>} : vector<16xi32>
        %xor3A = arith.constant 8 : i32
        %xor3A_191 = vector.broadcast %xor3A : i32 to vector<16xi32>
        %xor3A_192 = arith.xori %iota3A, %xor3A_191 : vector<16xi32>
        %broadcast_in_dim3A = vector.shape_cast %xor3A_192 : vector<16xi32> to vector<16x1xi32>
        %gather3A = vector.shape_cast %broadcast_in_dim3A : vector<16x1xi32> to vector<16xi32>
        %gather3A_193 = tpu.dynamic_gather %add3A_190[%gather3A] in [0] : vector<16xf32>, vector<16xi32> -> vector<16xf32>
        %add3A_194 = arith.addf %add3A_190, %gather3A_193 : vector<16xf32>
        %iota3A_195 = tpu.iota {dimensions = array<i32: 0>} : vector<16xi32>
        %xor3A_196 = arith.constant 4 : i32
        %xor3A_197 = vector.broadcast %xor3A_196 : i32 to vector<16xi32>
        %xor3A_198 = arith.xori %iota3A_195, %xor3A_197 : vector<16xi32>
        %broadcast_in_dim3A_199 = vector.shape_cast %xor3A_198 : vector<16xi32> to vector<16x1xi32>
        %gather3A_200 = vector.shape_cast %broadcast_in_dim3A_199 : vector<16x1xi32> to vector<16xi32>
        %gather3A_201 = tpu.dynamic_gather %add3A_194[%gather3A_200] in [0] : vector<16xf32>, vector<16xi32> -> vector<16xf32>
        %add3A_202 = arith.addf %add3A_194, %gather3A_201 : vector<16xf32>
        %iota3A_203 = tpu.iota {dimensions = array<i32: 0>} : vector<16xi32>
        %xor3A_204 = arith.constant 2 : i32
        %xor3A_205 = vector.broadcast %xor3A_204 : i32 to vector<16xi32>
        %xor3A_206 = arith.xori %iota3A_203, %xor3A_205 : vector<16xi32>
        %broadcast_in_dim3A_207 = vector.shape_cast %xor3A_206 : vector<16xi32> to vector<16x1xi32>
        %gather3A_208 = vector.shape_cast %broadcast_in_dim3A_207 : vector<16x1xi32> to vector<16xi32>
        %gather3A_209 = tpu.dynamic_gather %add3A_202[%gather3A_208] in [0] : vector<16xf32>, vector<16xi32> -> vector<16xf32>
        %add3A_210 = arith.addf %add3A_202, %gather3A_209 : vector<16xf32>
        %iota3A_211 = tpu.iota {dimensions = array<i32: 0>} : vector<16xi32>
        %xor3A_212 = arith.constant 1 : i32
        %xor3A_213 = vector.broadcast %xor3A_212 : i32 to vector<16xi32>
        %xor3A_214 = arith.xori %iota3A_211, %xor3A_213 : vector<16xi32>
        %broadcast_in_dim3A_215 = vector.shape_cast %xor3A_214 : vector<16xi32> to vector<16x1xi32>
        %gather3A_216 = vector.shape_cast %broadcast_in_dim3A_215 : vector<16x1xi32> to vector<16xi32>
        %gather3A_217 = tpu.dynamic_gather %add3A_210[%gather3A_216] in [0] : vector<16xf32>, vector<16xi32> -> vector<16xf32>
        %add3A_218 = arith.addf %add3A_210, %gather3A_217 : vector<16xf32>
        %mul3A_219 = arith.constant 1.562500e-02 : f32
        %mul3A_220 = vector.broadcast %mul3A_219 : f32 to vector<16xf32>
        %mul3A_221 = arith.mulf %add3A_218, %mul3A_220 : vector<16xf32>
        %mul3A_222 = arith.mulf %max3A, %max3A : vector<16xf32>
        %mul3A_223 = arith.mulf %max3A_179, %max3A_179 : vector<16xf32>
        %add3A_224 = arith.addf %mul3A_222, %mul3A_223 : vector<16xf32>
        %mul3A_225 = arith.mulf %max3A_183, %max3A_183 : vector<16xf32>
        %add3A_226 = arith.addf %add3A_224, %mul3A_225 : vector<16xf32>
        %mul3A_227 = arith.mulf %max3A_187, %max3A_187 : vector<16xf32>
        %add3A_228 = arith.addf %add3A_226, %mul3A_227 : vector<16xf32>
        %iota3A_229 = tpu.iota {dimensions = array<i32: 0>} : vector<16xi32>
        %xor3A_230 = arith.constant 8 : i32
        %xor3A_231 = vector.broadcast %xor3A_230 : i32 to vector<16xi32>
        %xor3A_232 = arith.xori %iota3A_229, %xor3A_231 : vector<16xi32>
        %broadcast_in_dim3A_233 = vector.shape_cast %xor3A_232 : vector<16xi32> to vector<16x1xi32>
        %gather3A_234 = vector.shape_cast %broadcast_in_dim3A_233 : vector<16x1xi32> to vector<16xi32>
        %gather3A_235 = tpu.dynamic_gather %add3A_228[%gather3A_234] in [0] : vector<16xf32>, vector<16xi32> -> vector<16xf32>
        %add3A_236 = arith.addf %add3A_228, %gather3A_235 : vector<16xf32>
        %iota3A_237 = tpu.iota {dimensions = array<i32: 0>} : vector<16xi32>
        %xor3A_238 = arith.constant 4 : i32
        %xor3A_239 = vector.broadcast %xor3A_238 : i32 to vector<16xi32>
        %xor3A_240 = arith.xori %iota3A_237, %xor3A_239 : vector<16xi32>
        %broadcast_in_dim3A_241 = vector.shape_cast %xor3A_240 : vector<16xi32> to vector<16x1xi32>
        %gather3A_242 = vector.shape_cast %broadcast_in_dim3A_241 : vector<16x1xi32> to vector<16xi32>
        %gather3A_243 = tpu.dynamic_gather %add3A_236[%gather3A_242] in [0] : vector<16xf32>, vector<16xi32> -> vector<16xf32>
        %add3A_244 = arith.addf %add3A_236, %gather3A_243 : vector<16xf32>
        %iota3A_245 = tpu.iota {dimensions = array<i32: 0>} : vector<16xi32>
        %xor3A_246 = arith.constant 2 : i32
        %xor3A_247 = vector.broadcast %xor3A_246 : i32 to vector<16xi32>
        %xor3A_248 = arith.xori %iota3A_245, %xor3A_247 : vector<16xi32>
        %broadcast_in_dim3A_249 = vector.shape_cast %xor3A_248 : vector<16xi32> to vector<16x1xi32>
        %gather3A_250 = vector.shape_cast %broadcast_in_dim3A_249 : vector<16x1xi32> to vector<16xi32>
        %gather3A_251 = tpu.dynamic_gather %add3A_244[%gather3A_250] in [0] : vector<16xf32>, vector<16xi32> -> vector<16xf32>
        %add3A_252 = arith.addf %add3A_244, %gather3A_251 : vector<16xf32>
        %iota3A_253 = tpu.iota {dimensions = array<i32: 0>} : vector<16xi32>
        %xor3A_254 = arith.constant 1 : i32
        %xor3A_255 = vector.broadcast %xor3A_254 : i32 to vector<16xi32>
        %xor3A_256 = arith.xori %iota3A_253, %xor3A_255 : vector<16xi32>
        %broadcast_in_dim3A_257 = vector.shape_cast %xor3A_256 : vector<16xi32> to vector<16x1xi32>
        %gather3A_258 = vector.shape_cast %broadcast_in_dim3A_257 : vector<16x1xi32> to vector<16xi32>
        %gather3A_259 = tpu.dynamic_gather %add3A_252[%gather3A_258] in [0] : vector<16xf32>, vector<16xi32> -> vector<16xf32>
        %add3A_260 = arith.addf %add3A_252, %gather3A_259 : vector<16xf32>
        %mul3A_261 = arith.constant 1.562500e-02 : f32
        %mul3A_262 = vector.broadcast %mul3A_261 : f32 to vector<16xf32>
        %mul3A_263 = arith.mulf %add3A_260, %mul3A_262 : vector<16xf32>
        %mul3A_264 = arith.mulf %mul3A_221, %mul3A_221 : vector<16xf32>
        %sub3A = arith.subf %mul3A_263, %mul3A_264 : vector<16xf32>
        %add3A_265 = arith.constant 9.99999974E-6 : f32
        %add3A_266 = vector.broadcast %add3A_265 : f32 to vector<16xf32>
        %add3A_267 = arith.addf %sub3A, %add3A_266 : vector<16xf32>
        %mul3A_268 = arith.constant 5.000000e-01 : f32
        %mul3A_269 = vector.broadcast %mul3A_268 : f32 to vector<16xf32>
        %mul3A_270 = arith.mulf %add3A_267, %mul3A_269 : vector<16xf32>
        %bitcast_convert_type3A = tpu.bitcast %add3A_267 : vector<16xf32> -> vector<16xi32>
        %shift_right_logical3A = arith.constant 1 : i32
        %shift_right_logical3A_271 = vector.broadcast %shift_right_logical3A : i32 to vector<16xi32>
        %shift_right_logical3A_272 = arith.shrui %bitcast_convert_type3A, %shift_right_logical3A_271 : vector<16xi32>
        %sub3A_273 = arith.constant 1597463007 : i32
        %sub3A_274 = vector.broadcast %sub3A_273 : i32 to vector<16xi32>
        %sub3A_275 = arith.subi %sub3A_274, %shift_right_logical3A_272 : vector<16xi32>
        %bitcast_convert_type3A_276 = tpu.bitcast %sub3A_275 : vector<16xi32> -> vector<16xf32>
        %mul3A_277 = arith.mulf %mul3A_270, %bitcast_convert_type3A_276 : vector<16xf32>
        %mul3A_278 = arith.mulf %mul3A_277, %bitcast_convert_type3A_276 : vector<16xf32>
        %sub3A_279 = arith.constant 1.500000e+00 : f32
        %sub3A_280 = vector.broadcast %sub3A_279 : f32 to vector<16xf32>
        %sub3A_281 = arith.subf %sub3A_280, %mul3A_278 : vector<16xf32>
        %mul3A_282 = arith.mulf %bitcast_convert_type3A_276, %sub3A_281 : vector<16xf32>
        %mul3A_283 = arith.mulf %mul3A_270, %mul3A_282 : vector<16xf32>
        %mul3A_284 = arith.mulf %mul3A_283, %mul3A_282 : vector<16xf32>
        %sub3A_285 = arith.constant 1.500000e+00 : f32
        %sub3A_286 = vector.broadcast %sub3A_285 : f32 to vector<16xf32>
        %sub3A_287 = arith.subf %sub3A_286, %mul3A_284 : vector<16xf32>
        %mul3A_288 = arith.mulf %mul3A_282, %sub3A_287 : vector<16xf32>
        %mul3A_289 = arith.mulf %mul3A_270, %mul3A_288 : vector<16xf32>
        %mul3A_290 = arith.mulf %mul3A_289, %mul3A_288 : vector<16xf32>
        %sub3A_291 = arith.constant 1.500000e+00 : f32
        %sub3A_292 = vector.broadcast %sub3A_291 : f32 to vector<16xf32>
        %sub3A_293 = arith.subf %sub3A_292, %mul3A_290 : vector<16xf32>
        %mul3A_294 = arith.mulf %mul3A_288, %sub3A_293 : vector<16xf32>
        %sub3A_295 = arith.subf %max3A, %mul3A_221 : vector<16xf32>
        %mul3A_296 = arith.mulf %mul3A_294, %get3A_10 : vector<16xf32>
        %mul3A_297 = arith.mulf %sub3A_295, %mul3A_296 : vector<16xf32>
        %add3A_298 = arith.addf %mul3A_297, %get3A_30 : vector<16xf32>
        %swap3A = arith.index_cast %add3A_136 : i32 to index
        %swap3A_299 = arith.constant 0 : index
        %swap3A_300 = tpu.vector_load %arg18[%swap3A, %swap3A_299] {strides = array<i32>} : memref<100x64xf32, #tpu.memory_space<vmem>>, vector<1x16xf32>,
        %swap3A_301 = vector.shape_cast %swap3A_300 : vector<1x16xf32> to vector<16xf32>
        %swap3A_302 = vector.shape_cast %add3A_298 : vector<16xf32> to vector<1x16xf32>
        tpu.vector_store %arg18[%swap3A, %swap3A_299], %swap3A_302 {strides = array<i32>} : memref<100x64xf32, #tpu.memory_space<vmem>>, vector<1x16xf32>,
        %sub3A_303 = arith.subf %max3A_179, %mul3A_221 : vector<16xf32>
        %mul3A_304 = arith.mulf %mul3A_294, %get3A_15 : vector<16xf32>
        %mul3A_305 = arith.mulf %sub3A_303, %mul3A_304 : vector<16xf32>
        %add3A_306 = arith.addf %mul3A_305, %get3A_35 : vector<16xf32>
        %swap3A_307 = arith.index_cast %add3A_136 : i32 to index
        %swap3A_308 = arith.constant 16 : index
        %swap3A_309 = tpu.vector_load %arg18[%swap3A_307, %swap3A_308] {strides = array<i32>} : memref<100x64xf32, #tpu.memory_space<vmem>>, vector<1x16xf32>,
        %swap3A_310 = vector.shape_cast %swap3A_309 : vector<1x16xf32> to vector<16xf32>
        %swap3A_311 = vector.shape_cast %add3A_306 : vector<16xf32> to vector<1x16xf32>
        tpu.vector_store %arg18[%swap3A_307, %swap3A_308], %swap3A_311 {strides = array<i32>} : memref<100x64xf32, #tpu.memory_space<vmem>>, vector<1x16xf32>,
        %sub3A_312 = arith.subf %max3A_183, %mul3A_221 : vector<16xf32>
        %mul3A_313 = arith.mulf %mul3A_294, %get3A_20 : vector<16xf32>
        %mul3A_314 = arith.mulf %sub3A_312, %mul3A_313 : vector<16xf32>
        %add3A_315 = arith.addf %mul3A_314, %get3A_40 : vector<16xf32>
        %swap3A_316 = arith.index_cast %add3A_136 : i32 to index
        %swap3A_317 = arith.constant 32 : index
        %swap3A_318 = tpu.vector_load %arg18[%swap3A_316, %swap3A_317] {strides = array<i32>} : memref<100x64xf32, #tpu.memory_space<vmem>>, vector<1x16xf32>,
        %swap3A_319 = vector.shape_cast %swap3A_318 : vector<1x16xf32> to vector<16xf32>
        %swap3A_320 = vector.shape_cast %add3A_315 : vector<16xf32> to vector<1x16xf32>
        tpu.vector_store %arg18[%swap3A_316, %swap3A_317], %swap3A_320 {strides = array<i32>} : memref<100x64xf32, #tpu.memory_space<vmem>>, vector<1x16xf32>,
        %sub3A_321 = arith.subf %max3A_187, %mul3A_221 : vector<16xf32>
        %mul3A_322 = arith.mulf %mul3A_294, %get3A_25 : vector<16xf32>
        %mul3A_323 = arith.mulf %sub3A_321, %mul3A_322 : vector<16xf32>
        %add3A_324 = arith.addf %mul3A_323, %get3A_45 : vector<16xf32>
        %swap3A_325 = arith.index_cast %add3A_136 : i32 to index
        %swap3A_326 = arith.constant 48 : index
        %swap3A_327 = tpu.vector_load %arg18[%swap3A_325, %swap3A_326] {strides = array<i32>} : memref<100x64xf32, #tpu.memory_space<vmem>>, vector<1x16xf32>,
        %swap3A_328 = vector.shape_cast %swap3A_327 : vector<1x16xf32> to vector<16xf32>
        %swap3A_329 = vector.shape_cast %add3A_324 : vector<16xf32> to vector<1x16xf32>
        tpu.vector_store %arg18[%swap3A_325, %swap3A_326], %swap3A_329 {strides = array<i32>} : memref<100x64xf32, #tpu.memory_space<vmem>>, vector<1x16xf32>,
        %mul3A_330 = arith.constant 2 : i32
        %mul3A_331 = arith.muli %mul3A_330, %add3A_132 : i32
        %add3A_332 = arith.constant 1 : i32
        %add3A_333 = arith.addi %mul3A_331, %add3A_332 : i32
        %get3A_334 = arith.index_cast %add3A_333 : i32 to index
        %get3A_335 = arith.constant 0 : index
        %get3A_336 = tpu.vector_load %arg17[%get3A_334, %get3A_335] {strides = array<i32>} : memref<100x64xf32, #tpu.memory_space<vmem>>, vector<1x16xf32>,
        %get3A_337 = vector.shape_cast %get3A_336 : vector<1x16xf32> to vector<16xf32>
        %get3A_338 = arith.index_cast %add3A_132 : i32 to index
        %get3A_339 = arith.constant 64 : index
        %get3A_340 = tpu.vector_load %arg15[%get3A_338, %get3A_339] {strides = array<i32>} : memref<50x128xf32, #tpu.memory_space<vmem>>, vector<1x16xf32>,
        %get3A_341 = vector.shape_cast %get3A_340 : vector<1x16xf32> to vector<16xf32>
        %add3A_342 = arith.addf %get3A_337, %get3A_341 : vector<16xf32>
        %get3A_343 = arith.index_cast %add3A_333 : i32 to index
        %get3A_344 = arith.constant 16 : index
        %get3A_345 = tpu.vector_load %arg17[%get3A_343, %get3A_344] {strides = array<i32>} : memref<100x64xf32, #tpu.memory_space<vmem>>, vector<1x16xf32>,
        %get3A_346 = vector.shape_cast %get3A_345 : vector<1x16xf32> to vector<16xf32>
        %get3A_347 = arith.index_cast %add3A_132 : i32 to index
        %get3A_348 = arith.constant 80 : index
        %get3A_349 = tpu.vector_load %arg15[%get3A_347, %get3A_348] {strides = array<i32>} : memref<50x128xf32, #tpu.memory_space<vmem>>, vector<1x16xf32>,
        %get3A_350 = vector.shape_cast %get3A_349 : vector<1x16xf32> to vector<16xf32>
        %add3A_351 = arith.addf %get3A_346, %get3A_350 : vector<16xf32>
        %get3A_352 = arith.index_cast %add3A_333 : i32 to index
        %get3A_353 = arith.constant 32 : index
        %get3A_354 = tpu.vector_load %arg17[%get3A_352, %get3A_353] {strides = array<i32>} : memref<100x64xf32, #tpu.memory_space<vmem>>, vector<1x16xf32>,
        %get3A_355 = vector.shape_cast %get3A_354 : vector<1x16xf32> to vector<16xf32>
        %get3A_356 = arith.index_cast %add3A_132 : i32 to index
        %get3A_357 = arith.constant 96 : index
        %get3A_358 = tpu.vector_load %arg15[%get3A_356, %get3A_357] {strides = array<i32>} : memref<50x128xf32, #tpu.memory_space<vmem>>, vector<1x16xf32>,
        %get3A_359 = vector.shape_cast %get3A_358 : vector<1x16xf32> to vector<16xf32>
        %add3A_360 = arith.addf %get3A_355, %get3A_359 : vector<16xf32>
        %get3A_361 = arith.index_cast %add3A_333 : i32 to index
        %get3A_362 = arith.constant 48 : index
        %get3A_363 = tpu.vector_load %arg17[%get3A_361, %get3A_362] {strides = array<i32>} : memref<100x64xf32, #tpu.memory_space<vmem>>, vector<1x16xf32>,
        %get3A_364 = vector.shape_cast %get3A_363 : vector<1x16xf32> to vector<16xf32>
        %get3A_365 = arith.index_cast %add3A_132 : i32 to index
        %get3A_366 = arith.constant 112 : index
        %get3A_367 = tpu.vector_load %arg15[%get3A_365, %get3A_366] {strides = array<i32>} : memref<50x128xf32, #tpu.memory_space<vmem>>, vector<1x16xf32>,
        %get3A_368 = vector.shape_cast %get3A_367 : vector<1x16xf32> to vector<16xf32>
        %add3A_369 = arith.addf %get3A_364, %get3A_368 : vector<16xf32>
        %mul3A_370 = arith.constant 0.00999999977 : f32
        %mul3A_371 = vector.broadcast %mul3A_370 : f32 to vector<16xf32>
        %mul3A_372 = arith.mulf %mul3A_371, %add3A_342 : vector<16xf32>
        %max3A_373 = arith.maximumf %add3A_342, %mul3A_372 : vector<16xf32>
        %mul3A_374 = arith.constant 0.00999999977 : f32
        %mul3A_375 = vector.broadcast %mul3A_374 : f32 to vector<16xf32>
        %mul3A_376 = arith.mulf %mul3A_375, %add3A_351 : vector<16xf32>
        %max3A_377 = arith.maximumf %add3A_351, %mul3A_376 : vector<16xf32>
        %mul3A_378 = arith.constant 0.00999999977 : f32
        %mul3A_379 = vector.broadcast %mul3A_378 : f32 to vector<16xf32>
        %mul3A_380 = arith.mulf %mul3A_379, %add3A_360 : vector<16xf32>
        %max3A_381 = arith.maximumf %add3A_360, %mul3A_380 : vector<16xf32>
        %mul3A_382 = arith.constant 0.00999999977 : f32
        %mul3A_383 = vector.broadcast %mul3A_382 : f32 to vector<16xf32>
        %mul3A_384 = arith.mulf %mul3A_383, %add3A_369 : vector<16xf32>
        %max3A_385 = arith.maximumf %add3A_369, %mul3A_384 : vector<16xf32>
        %add3A_386 = arith.addf %max3A_373, %max3A_377 : vector<16xf32>
        %add3A_387 = arith.addf %add3A_386, %max3A_381 : vector<16xf32>
        %add3A_388 = arith.addf %add3A_387, %max3A_385 : vector<16xf32>
        %iota3A_389 = tpu.iota {dimensions = array<i32: 0>} : vector<16xi32>
        %xor3A_390 = arith.constant 8 : i32
        %xor3A_391 = vector.broadcast %xor3A_390 : i32 to vector<16xi32>
        %xor3A_392 = arith.xori %iota3A_389, %xor3A_391 : vector<16xi32>
        %broadcast_in_dim3A_393 = vector.shape_cast %xor3A_392 : vector<16xi32> to vector<16x1xi32>
        %gather3A_394 = vector.shape_cast %broadcast_in_dim3A_393 : vector<16x1xi32> to vector<16xi32>
        %gather3A_395 = tpu.dynamic_gather %add3A_388[%gather3A_394] in [0] : vector<16xf32>, vector<16xi32> -> vector<16xf32>
        %add3A_396 = arith.addf %add3A_388, %gather3A_395 : vector<16xf32>
        %iota3A_397 = tpu.iota {dimensions = array<i32: 0>} : vector<16xi32>
        %xor3A_398 = arith.constant 4 : i32
        %xor3A_399 = vector.broadcast %xor3A_398 : i32 to vector<16xi32>
        %xor3A_400 = arith.xori %iota3A_397, %xor3A_399 : vector<16xi32>
        %broadcast_in_dim3A_401 = vector.shape_cast %xor3A_400 : vector<16xi32> to vector<16x1xi32>
        %gather3A_402 = vector.shape_cast %broadcast_in_dim3A_401 : vector<16x1xi32> to vector<16xi32>
        %gather3A_403 = tpu.dynamic_gather %add3A_396[%gather3A_402] in [0] : vector<16xf32>, vector<16xi32> -> vector<16xf32>
        %add3A_404 = arith.addf %add3A_396, %gather3A_403 : vector<16xf32>
        %iota3A_405 = tpu.iota {dimensions = array<i32: 0>} : vector<16xi32>
        %xor3A_406 = arith.constant 2 : i32
        %xor3A_407 = vector.broadcast %xor3A_406 : i32 to vector<16xi32>
        %xor3A_408 = arith.xori %iota3A_405, %xor3A_407 : vector<16xi32>
        %broadcast_in_dim3A_409 = vector.shape_cast %xor3A_408 : vector<16xi32> to vector<16x1xi32>
        %gather3A_410 = vector.shape_cast %broadcast_in_dim3A_409 : vector<16x1xi32> to vector<16xi32>
        %gather3A_411 = tpu.dynamic_gather %add3A_404[%gather3A_410] in [0] : vector<16xf32>, vector<16xi32> -> vector<16xf32>
        %add3A_412 = arith.addf %add3A_404, %gather3A_411 : vector<16xf32>
        %iota3A_413 = tpu.iota {dimensions = array<i32: 0>} : vector<16xi32>
        %xor3A_414 = arith.constant 1 : i32
        %xor3A_415 = vector.broadcast %xor3A_414 : i32 to vector<16xi32>
        %xor3A_416 = arith.xori %iota3A_413, %xor3A_415 : vector<16xi32>
        %broadcast_in_dim3A_417 = vector.shape_cast %xor3A_416 : vector<16xi32> to vector<16x1xi32>
        %gather3A_418 = vector.shape_cast %broadcast_in_dim3A_417 : vector<16x1xi32> to vector<16xi32>
        %gather3A_419 = tpu.dynamic_gather %add3A_412[%gather3A_418] in [0] : vector<16xf32>, vector<16xi32> -> vector<16xf32>
        %add3A_420 = arith.addf %add3A_412, %gather3A_419 : vector<16xf32>
        %mul3A_421 = arith.constant 1.562500e-02 : f32
        %mul3A_422 = vector.broadcast %mul3A_421 : f32 to vector<16xf32>
        %mul3A_423 = arith.mulf %add3A_420, %mul3A_422 : vector<16xf32>
        %mul3A_424 = arith.mulf %max3A_373, %max3A_373 : vector<16xf32>
        %mul3A_425 = arith.mulf %max3A_377, %max3A_377 : vector<16xf32>
        %add3A_426 = arith.addf %mul3A_424, %mul3A_425 : vector<16xf32>
        %mul3A_427 = arith.mulf %max3A_381, %max3A_381 : vector<16xf32>
        %add3A_428 = arith.addf %add3A_426, %mul3A_427 : vector<16xf32>
        %mul3A_429 = arith.mulf %max3A_385, %max3A_385 : vector<16xf32>
        %add3A_430 = arith.addf %add3A_428, %mul3A_429 : vector<16xf32>
        %iota3A_431 = tpu.iota {dimensions = array<i32: 0>} : vector<16xi32>
        %xor3A_432 = arith.constant 8 : i32
        %xor3A_433 = vector.broadcast %xor3A_432 : i32 to vector<16xi32>
        %xor3A_434 = arith.xori %iota3A_431, %xor3A_433 : vector<16xi32>
        %broadcast_in_dim3A_435 = vector.shape_cast %xor3A_434 : vector<16xi32> to vector<16x1xi32>
        %gather3A_436 = vector.shape_cast %broadcast_in_dim3A_435 : vector<16x1xi32> to vector<16xi32>
        %gather3A_437 = tpu.dynamic_gather %add3A_430[%gather3A_436] in [0] : vector<16xf32>, vector<16xi32> -> vector<16xf32>
        %add3A_438 = arith.addf %add3A_430, %gather3A_437 : vector<16xf32>
        %iota3A_439 = tpu.iota {dimensions = array<i32: 0>} : vector<16xi32>
        %xor3A_440 = arith.constant 4 : i32
        %xor3A_441 = vector.broadcast %xor3A_440 : i32 to vector<16xi32>
        %xor3A_442 = arith.xori %iota3A_439, %xor3A_441 : vector<16xi32>
        %broadcast_in_dim3A_443 = vector.shape_cast %xor3A_442 : vector<16xi32> to vector<16x1xi32>
        %gather3A_444 = vector.shape_cast %broadcast_in_dim3A_443 : vector<16x1xi32> to vector<16xi32>
        %gather3A_445 = tpu.dynamic_gather %add3A_438[%gather3A_444] in [0] : vector<16xf32>, vector<16xi32> -> vector<16xf32>
        %add3A_446 = arith.addf %add3A_438, %gather3A_445 : vector<16xf32>
        %iota3A_447 = tpu.iota {dimensions = array<i32: 0>} : vector<16xi32>
        %xor3A_448 = arith.constant 2 : i32
        %xor3A_449 = vector.broadcast %xor3A_448 : i32 to vector<16xi32>
        %xor3A_450 = arith.xori %iota3A_447, %xor3A_449 : vector<16xi32>
        %broadcast_in_dim3A_451 = vector.shape_cast %xor3A_450 : vector<16xi32> to vector<16x1xi32>
        %gather3A_452 = vector.shape_cast %broadcast_in_dim3A_451 : vector<16x1xi32> to vector<16xi32>
        %gather3A_453 = tpu.dynamic_gather %add3A_446[%gather3A_452] in [0] : vector<16xf32>, vector<16xi32> -> vector<16xf32>
        %add3A_454 = arith.addf %add3A_446, %gather3A_453 : vector<16xf32>
        %iota3A_455 = tpu.iota {dimensions = array<i32: 0>} : vector<16xi32>
        %xor3A_456 = arith.constant 1 : i32
        %xor3A_457 = vector.broadcast %xor3A_456 : i32 to vector<16xi32>
        %xor3A_458 = arith.xori %iota3A_455, %xor3A_457 : vector<16xi32>
        %broadcast_in_dim3A_459 = vector.shape_cast %xor3A_458 : vector<16xi32> to vector<16x1xi32>
        %gather3A_460 = vector.shape_cast %broadcast_in_dim3A_459 : vector<16x1xi32> to vector<16xi32>
        %gather3A_461 = tpu.dynamic_gather %add3A_454[%gather3A_460] in [0] : vector<16xf32>, vector<16xi32> -> vector<16xf32>
        %add3A_462 = arith.addf %add3A_454, %gather3A_461 : vector<16xf32>
        %mul3A_463 = arith.constant 1.562500e-02 : f32
        %mul3A_464 = vector.broadcast %mul3A_463 : f32 to vector<16xf32>
        %mul3A_465 = arith.mulf %add3A_462, %mul3A_464 : vector<16xf32>
        %mul3A_466 = arith.mulf %mul3A_423, %mul3A_423 : vector<16xf32>
        %sub3A_467 = arith.subf %mul3A_465, %mul3A_466 : vector<16xf32>
        %add3A_468 = arith.constant 9.99999974E-6 : f32
        %add3A_469 = vector.broadcast %add3A_468 : f32 to vector<16xf32>
        %add3A_470 = arith.addf %sub3A_467, %add3A_469 : vector<16xf32>
        %mul3A_471 = arith.constant 5.000000e-01 : f32
        %mul3A_472 = vector.broadcast %mul3A_471 : f32 to vector<16xf32>
        %mul3A_473 = arith.mulf %add3A_470, %mul3A_472 : vector<16xf32>
        %bitcast_convert_type3A_474 = tpu.bitcast %add3A_470 : vector<16xf32> -> vector<16xi32>
        %shift_right_logical3A_475 = arith.constant 1 : i32
        %shift_right_logical3A_476 = vector.broadcast %shift_right_logical3A_475 : i32 to vector<16xi32>
        %shift_right_logical3A_477 = arith.shrui %bitcast_convert_type3A_474, %shift_right_logical3A_476 : vector<16xi32>
        %sub3A_478 = arith.constant 1597463007 : i32
        %sub3A_479 = vector.broadcast %sub3A_478 : i32 to vector<16xi32>
        %sub3A_480 = arith.subi %sub3A_479, %shift_right_logical3A_477 : vector<16xi32>
        %bitcast_convert_type3A_481 = tpu.bitcast %sub3A_480 : vector<16xi32> -> vector<16xf32>
        %mul3A_482 = arith.mulf %mul3A_473, %bitcast_convert_type3A_481 : vector<16xf32>
        %mul3A_483 = arith.mulf %mul3A_482, %bitcast_convert_type3A_481 : vector<16xf32>
        %sub3A_484 = arith.constant 1.500000e+00 : f32
        %sub3A_485 = vector.broadcast %sub3A_484 : f32 to vector<16xf32>
        %sub3A_486 = arith.subf %sub3A_485, %mul3A_483 : vector<16xf32>
        %mul3A_487 = arith.mulf %bitcast_convert_type3A_481, %sub3A_486 : vector<16xf32>
        %mul3A_488 = arith.mulf %mul3A_473, %mul3A_487 : vector<16xf32>
        %mul3A_489 = arith.mulf %mul3A_488, %mul3A_487 : vector<16xf32>
        %sub3A_490 = arith.constant 1.500000e+00 : f32
        %sub3A_491 = vector.broadcast %sub3A_490 : f32 to vector<16xf32>
        %sub3A_492 = arith.subf %sub3A_491, %mul3A_489 : vector<16xf32>
        %mul3A_493 = arith.mulf %mul3A_487, %sub3A_492 : vector<16xf32>
        %mul3A_494 = arith.mulf %mul3A_473, %mul3A_493 : vector<16xf32>
        %mul3A_495 = arith.mulf %mul3A_494, %mul3A_493 : vector<16xf32>
        %sub3A_496 = arith.constant 1.500000e+00 : f32
        %sub3A_497 = vector.broadcast %sub3A_496 : f32 to vector<16xf32>
        %sub3A_498 = arith.subf %sub3A_497, %mul3A_495 : vector<16xf32>
        %mul3A_499 = arith.mulf %mul3A_493, %sub3A_498 : vector<16xf32>
        %sub3A_500 = arith.subf %max3A_373, %mul3A_423 : vector<16xf32>
        %mul3A_501 = arith.mulf %mul3A_499, %get3A_10 : vector<16xf32>
        %mul3A_502 = arith.mulf %sub3A_500, %mul3A_501 : vector<16xf32>
        %add3A_503 = arith.addf %mul3A_502, %get3A_30 : vector<16xf32>
        %swap3A_504 = arith.index_cast %add3A_333 : i32 to index
        %swap3A_505 = arith.constant 0 : index
        %swap3A_506 = tpu.vector_load %arg18[%swap3A_504, %swap3A_505] {strides = array<i32>} : memref<100x64xf32, #tpu.memory_space<vmem>>, vector<1x16xf32>,
        %swap3A_507 = vector.shape_cast %swap3A_506 : vector<1x16xf32> to vector<16xf32>
        %swap3A_508 = vector.shape_cast %add3A_503 : vector<16xf32> to vector<1x16xf32>
        tpu.vector_store %arg18[%swap3A_504, %swap3A_505], %swap3A_508 {strides = array<i32>} : memref<100x64xf32, #tpu.memory_space<vmem>>, vector<1x16xf32>,
        %sub3A_509 = arith.subf %max3A_377, %mul3A_423 : vector<16xf32>
        %mul3A_510 = arith.mulf %mul3A_499, %get3A_15 : vector<16xf32>
        %mul3A_511 = arith.mulf %sub3A_509, %mul3A_510 : vector<16xf32>
        %add3A_512 = arith.addf %mul3A_511, %get3A_35 : vector<16xf32>
        %swap3A_513 = arith.index_cast %add3A_333 : i32 to index
        %swap3A_514 = arith.constant 16 : index
        %swap3A_515 = tpu.vector_load %arg18[%swap3A_513, %swap3A_514] {strides = array<i32>} : memref<100x64xf32, #tpu.memory_space<vmem>>, vector<1x16xf32>,
        %swap3A_516 = vector.shape_cast %swap3A_515 : vector<1x16xf32> to vector<16xf32>
        %swap3A_517 = vector.shape_cast %add3A_512 : vector<16xf32> to vector<1x16xf32>
        tpu.vector_store %arg18[%swap3A_513, %swap3A_514], %swap3A_517 {strides = array<i32>} : memref<100x64xf32, #tpu.memory_space<vmem>>, vector<1x16xf32>,
        %sub3A_518 = arith.subf %max3A_381, %mul3A_423 : vector<16xf32>
        %mul3A_519 = arith.mulf %mul3A_499, %get3A_20 : vector<16xf32>
        %mul3A_520 = arith.mulf %sub3A_518, %mul3A_519 : vector<16xf32>
        %add3A_521 = arith.addf %mul3A_520, %get3A_40 : vector<16xf32>
        %swap3A_522 = arith.index_cast %add3A_333 : i32 to index
        %swap3A_523 = arith.constant 32 : index
        %swap3A_524 = tpu.vector_load %arg18[%swap3A_522, %swap3A_523] {strides = array<i32>} : memref<100x64xf32, #tpu.memory_space<vmem>>, vector<1x16xf32>,
        %swap3A_525 = vector.shape_cast %swap3A_524 : vector<1x16xf32> to vector<16xf32>
        %swap3A_526 = vector.shape_cast %add3A_521 : vector<16xf32> to vector<1x16xf32>
        tpu.vector_store %arg18[%swap3A_522, %swap3A_523], %swap3A_526 {strides = array<i32>} : memref<100x64xf32, #tpu.memory_space<vmem>>, vector<1x16xf32>,
        %sub3A_527 = arith.subf %max3A_385, %mul3A_423 : vector<16xf32>
        %mul3A_528 = arith.mulf %mul3A_499, %get3A_25 : vector<16xf32>
        %mul3A_529 = arith.mulf %sub3A_527, %mul3A_528 : vector<16xf32>
        %add3A_530 = arith.addf %mul3A_529, %get3A_45 : vector<16xf32>
        %swap3A_531 = arith.index_cast %add3A_333 : i32 to index
        %swap3A_532 = arith.constant 48 : index
        %swap3A_533 = tpu.vector_load %arg18[%swap3A_531, %swap3A_532] {strides = array<i32>} : memref<100x64xf32, #tpu.memory_space<vmem>>, vector<1x16xf32>,
        %swap3A_534 = vector.shape_cast %swap3A_533 : vector<1x16xf32> to vector<16xf32>
        %swap3A_535 = vector.shape_cast %add3A_530 : vector<16xf32> to vector<1x16xf32>
        tpu.vector_store %arg18[%swap3A_531, %swap3A_532], %swap3A_535 {strides = array<i32>} : memref<100x64xf32, #tpu.memory_space<vmem>>, vector<1x16xf32>,
      }
      %scan3A_127 = arith.constant 50 : i32
      "tpu.region"() ({
        %run_scoped3A = tpu.sem_alloc : memref<!tpu.dma_semaphore, #tpu.memory_space<semaphore_mem>>
        %dma_start3A_128 = arith.constant 0 : i32
        %dma_start3A_129 = tpu.memref_slice %arg13[%add3A_122, %dma_start3A_128] : memref<100x100xi32, #tpu.memory_space<vmem>> -> memref<1x100xi32, #tpu.memory_space<vmem>>
        %dma_start3A_130 = tpu.memref_squeeze %dma_start3A_129 : memref<1x100xi32, #tpu.memory_space<vmem>> -> memref<100xi32, #tpu.memory_space<vmem>>
        %dma_start3A_131 = arith.constant 0 : i32
        %dma_start3A_132 = arith.constant 0 : i32
        %dma_start3A_133 = tpu.memref_slice %arg21[%dma_start3A_131, %dma_start3A_132] : memref<10000x64xf32, #tpu.memory_space<vmem_shared>> -> memref<10000x64xf32, #tpu.memory_space<vmem_shared>>
        tpu.enqueue_indirect_dma source(%arg18 : memref<100x64xf32, #tpu.memory_space<vmem>>) target(%dma_start3A_133 : memref<10000x64xf32, #tpu.memory_space<vmem_shared>>) offsets(%dma_start3A_130 : memref<100xi32, #tpu.memory_space<vmem>>) semaphore(%run_scoped3A : memref<!tpu.dma_semaphore, #tpu.memory_space<semaphore_mem>>) {add = true}
        %dma_wait3A_134 = arith.constant 0 : i32
        %dma_wait3A_135 = tpu.memref_slice %arg13[%add3A_122, %dma_wait3A_134] : memref<100x100xi32, #tpu.memory_space<vmem>> -> memref<1x100xi32, #tpu.memory_space<vmem>>
        %dma_wait3A_136 = tpu.memref_squeeze %dma_wait3A_135 : memref<1x100xi32, #tpu.memory_space<vmem>> -> memref<100xi32, #tpu.memory_space<vmem>>
        %dma_wait3A_137 = arith.constant 0 : i32
        %dma_wait3A_138 = arith.constant 0 : i32
        %dma_wait3A_139 = tpu.memref_slice %arg21[%dma_wait3A_137, %dma_wait3A_138] : memref<10000x64xf32, #tpu.memory_space<vmem_shared>> -> memref<10000x64xf32, #tpu.memory_space<vmem_shared>>
        tpu.wait_indirect_dma semaphore(%run_scoped3A : memref<!tpu.dma_semaphore, #tpu.memory_space<semaphore_mem>>) src(%arg18 : memref<100x64xf32, #tpu.memory_space<vmem>>) dst(%dma_wait3A_139 : memref<10000x64xf32, #tpu.memory_space<vmem_shared>>)
        tpu.yield
      }) : () -> ()
      "tpu.region"() ({
        %run_scoped3A = tpu.sem_alloc : memref<!tpu.dma_semaphore, #tpu.memory_space<semaphore_mem>>
        %dma_start3A_128 = arith.constant 0 : i32
        %dma_start3A_129 = tpu.memref_slice %arg13[%add3A_122, %dma_start3A_128] : memref<100x100xi32, #tpu.memory_space<vmem>> -> memref<1x100xi32, #tpu.memory_space<vmem>>
        %dma_start3A_130 = tpu.memref_squeeze %dma_start3A_129 : memref<1x100xi32, #tpu.memory_space<vmem>> -> memref<100xi32, #tpu.memory_space<vmem>>
        %dma_start3A_131 = arith.constant 0 : i32
        %dma_start3A_132 = arith.constant 0 : i32
        %dma_start3A_133 = tpu.memref_slice %arg22[%dma_start3A_131, %dma_start3A_132] : memref<10000x8xf32, #tpu.memory_space<vmem_shared>> -> memref<10000x8xf32, #tpu.memory_space<vmem_shared>>
        tpu.enqueue_indirect_dma source(%arg19 : memref<100x8xf32, #tpu.memory_space<vmem>>) target(%dma_start3A_133 : memref<10000x8xf32, #tpu.memory_space<vmem_shared>>) offsets(%dma_start3A_130 : memref<100xi32, #tpu.memory_space<vmem>>) semaphore(%run_scoped3A : memref<!tpu.dma_semaphore, #tpu.memory_space<semaphore_mem>>) {add = true}
        %dma_wait3A_134 = arith.constant 0 : i32
        %dma_wait3A_135 = tpu.memref_slice %arg13[%add3A_122, %dma_wait3A_134] : memref<100x100xi32, #tpu.memory_space<vmem>> -> memref<1x100xi32, #tpu.memory_space<vmem>>
        %dma_wait3A_136 = tpu.memref_squeeze %dma_wait3A_135 : memref<1x100xi32, #tpu.memory_space<vmem>> -> memref<100xi32, #tpu.memory_space<vmem>>
        %dma_wait3A_137 = arith.constant 0 : i32
        %dma_wait3A_138 = arith.constant 0 : i32
        %dma_wait3A_139 = tpu.memref_slice %arg22[%dma_wait3A_137, %dma_wait3A_138] : memref<10000x8xf32, #tpu.memory_space<vmem_shared>> -> memref<10000x8xf32, #tpu.memory_space<vmem_shared>>
        tpu.wait_indirect_dma semaphore(%run_scoped3A : memref<!tpu.dma_semaphore, #tpu.memory_space<semaphore_mem>>) src(%arg19 : memref<100x8xf32, #tpu.memory_space<vmem>>) dst(%dma_wait3A_139 : memref<10000x8xf32, #tpu.memory_space<vmem_shared>>)
        tpu.yield
      }) : () -> ()
    }
    %scan3A_61 = arith.constant 50 : i32
    %barrier3A_62 = arith.constant 0 : index
    tpu.barrier barrier_id(%barrier3A_62)
    %mul3A_63 = arith.constant 625 : i32
    %mul3A_64 = arith.muli %arg1, %mul3A_63 : i32
    %mul3A_65 = arith.constant 625 : i32
    %mul3A_66 = arith.muli %arg1, %mul3A_65 : i32
    "tpu.region"() ({
      %run_scoped3A = tpu.sem_alloc : memref<!tpu.dma_semaphore, #tpu.memory_space<semaphore_mem>>
      %dma_start3A_71 = arith.constant 0 : i32
      %dma_start3A_72 = tpu.memref_slice %arg10[%arg0, %mul3A_66, %dma_start3A_71] : memref<2x10000x64xf32, #tpu.memory_space<hbm>> -> memref<1x625x64xf32, #tpu.memory_space<hbm>>
      %dma_start3A_73 = tpu.memref_squeeze %dma_start3A_72 : memref<1x625x64xf32, #tpu.memory_space<hbm>> -> memref<625x64xf32, #tpu.memory_space<hbm>>
      %dma_start3A_74 = arith.constant 0 : i32
      %dma_start3A_75 = tpu.memref_slice %arg21[%mul3A_64, %dma_start3A_74] : memref<10000x64xf32, #tpu.memory_space<vmem_shared>> -> memref<625x64xf32, #tpu.memory_space<vmem_shared>>
      tpu.enqueue_dma source(%dma_start3A_75 : memref<625x64xf32, #tpu.memory_space<vmem_shared>>) target(%dma_start3A_73 : memref<625x64xf32, #tpu.memory_space<hbm>>) target_semaphore(%run_scoped3A : memref<!tpu.dma_semaphore, #tpu.memory_space<semaphore_mem>>)
      %dma_wait3A = arith.constant 0 : i32
      %dma_wait3A_76 = tpu.memref_slice %arg10[%arg0, %mul3A_66, %dma_wait3A] : memref<2x10000x64xf32, #tpu.memory_space<hbm>> -> memref<1x625x64xf32, #tpu.memory_space<hbm>>
      %dma_wait3A_77 = tpu.memref_squeeze %dma_wait3A_76 : memref<1x625x64xf32, #tpu.memory_space<hbm>> -> memref<625x64xf32, #tpu.memory_space<hbm>>
      %dma_wait3A_78 = arith.constant 0 : i32
      %dma_wait3A_79 = tpu.memref_slice %arg21[%mul3A_64, %dma_wait3A_78] : memref<10000x64xf32, #tpu.memory_space<vmem_shared>> -> memref<625x64xf32, #tpu.memory_space<vmem_shared>>
      tpu.wait_dma2 semaphore(%run_scoped3A : memref<!tpu.dma_semaphore, #tpu.memory_space<semaphore_mem>>) src(%dma_wait3A_79 : memref<625x64xf32, #tpu.memory_space<vmem_shared>>) dst(%dma_wait3A_77 : memref<625x64xf32, #tpu.memory_space<hbm>>)
      tpu.yield
    }) : () -> ()
    %mul3A_67 = arith.constant 625 : i32
    %mul3A_68 = arith.muli %arg1, %mul3A_67 : i32
    %mul3A_69 = arith.constant 625 : i32
    %mul3A_70 = arith.muli %arg1, %mul3A_69 : i32
    "tpu.region"() ({
      %run_scoped3A = tpu.sem_alloc : memref<!tpu.dma_semaphore, #tpu.memory_space<semaphore_mem>>
      %dma_start3A_71 = arith.constant 0 : i32
      %dma_start3A_72 = tpu.memref_slice %arg11[%arg0, %mul3A_70, %dma_start3A_71] : memref<2x10000x8xf32, #tpu.memory_space<hbm>> -> memref<1x625x8xf32, #tpu.memory_space<hbm>>
      %dma_start3A_73 = tpu.memref_squeeze %dma_start3A_72 : memref<1x625x8xf32, #tpu.memory_space<hbm>> -> memref<625x8xf32, #tpu.memory_space<hbm>>
      %dma_start3A_74 = arith.constant 0 : i32
      %dma_start3A_75 = tpu.memref_slice %arg22[%mul3A_68, %dma_start3A_74] : memref<10000x8xf32, #tpu.memory_space<vmem_shared>> -> memref<625x8xf32, #tpu.memory_space<vmem_shared>>
      tpu.enqueue_dma source(%dma_start3A_75 : memref<625x8xf32, #tpu.memory_space<vmem_shared>>) target(%dma_start3A_73 : memref<625x8xf32, #tpu.memory_space<hbm>>) target_semaphore(%run_scoped3A : memref<!tpu.dma_semaphore, #tpu.memory_space<semaphore_mem>>)
      %dma_wait3A = arith.constant 0 : i32
      %dma_wait3A_76 = tpu.memref_slice %arg11[%arg0, %mul3A_70, %dma_wait3A] : memref<2x10000x8xf32, #tpu.memory_space<hbm>> -> memref<1x625x8xf32, #tpu.memory_space<hbm>>
      %dma_wait3A_77 = tpu.memref_squeeze %dma_wait3A_76 : memref<1x625x8xf32, #tpu.memory_space<hbm>> -> memref<625x8xf32, #tpu.memory_space<hbm>>
      %dma_wait3A_78 = arith.constant 0 : i32
      %dma_wait3A_79 = tpu.memref_slice %arg22[%mul3A_68, %dma_wait3A_78] : memref<10000x8xf32, #tpu.memory_space<vmem_shared>> -> memref<625x8xf32, #tpu.memory_space<vmem_shared>>
      tpu.wait_dma2 semaphore(%run_scoped3A : memref<!tpu.dma_semaphore, #tpu.memory_space<semaphore_mem>>) src(%dma_wait3A_79 : memref<625x8xf32, #tpu.memory_space<vmem_shared>>) dst(%dma_wait3A_77 : memref<625x8xf32, #tpu.memory_space<hbm>>)
      tpu.yield
    }) : () -> ()
    return
  }
}

module attributes {stable_mosaic.version = 14 : i64} {
  func.func @_xa_body(%arg0: i32, %arg1: memref<2000x128xf32, #tpu.memory_space<vmem>>, %arg2: memref<128x64xf32, #tpu.memory_space<vmem>>, %arg3: memref<2000x64xf32, #tpu.memory_space<vmem>>) attributes {dimension_semantics = [#tpu.dimension_semantics<arbitrary>], iteration_bounds = array<i64: 5>, scalar_prefetch = 0 : i64, scratch_operands = 0 : i64, tpu.core_type = #tpu.core_type<tc>, window_params = [{transform_indices = @transform_0, window_bounds = array<i64: 2000, 128>}, {pipeline_mode = #tpu.pipeline_mode<synchronous>, transform_indices = @transform_1, window_bounds = array<i64: 128, 64>}, {transform_indices = @transform_2, window_bounds = array<i64: 2000, 64>}]} {
    %get3A = arith.constant 0 : index
    %get3A_0 = arith.constant 0 : index
    %get3A_1 = vector.load %arg1[%get3A, %get3A_0] : memref<2000x128xf32, #tpu.memory_space<vmem>>, vector<2000x128xf32>
    %get3A_2 = arith.constant 0 : index
    %get3A_3 = arith.constant 0 : index
    %get3A_4 = vector.load %arg2[%get3A_2, %get3A_3] : memref<128x64xf32, #tpu.memory_space<vmem>>, vector<128x64xf32>
    %dot_general3A = arith.constant dense<0.000000e+00> : vector<2000x64xf32>
    %dot_general3A_5 = tpu.matmul %get3A_1, %get3A_4, %dot_general3A {dimension_numbers = #tpu.dot_dimension_numbers<[1], [0], [0], [1], [0, 0, 1, 1], [], []>, transpose_lhs_hint = false} : vector<2000x128xf32>, vector<128x64xf32>, vector<2000x64xf32> -> vector<2000x64xf32>
    %swap3A = arith.constant 0 : index
    %swap3A_6 = arith.constant 0 : index
    %swap3A_7 = vector.load %arg3[%swap3A, %swap3A_6] : memref<2000x64xf32, #tpu.memory_space<vmem>>, vector<2000x64xf32>
    tpu.vector_store %arg3[%swap3A, %swap3A_6], %dot_general3A_5 {strides = array<i32>} : memref<2000x64xf32, #tpu.memory_space<vmem>>, vector<2000x64xf32>,
    return
  }
  func.func @transform_0(%arg0: i32) -> (i32, i32) {
    %c0_i32 = arith.constant 0 : i32
    %c0_i32_0 = arith.constant 0 : i32
    return %arg0, %c0_i32 : i32, i32
  }
  func.func @transform_1(%arg0: i32) -> (i32, i32) {
    %c0_i32 = arith.constant 0 : i32
    %c0_i32_0 = arith.constant 0 : i32
    %c0_i32_1 = arith.constant 0 : i32
    return %c0_i32, %c0_i32_0 : i32, i32
  }
  func.func @transform_2(%arg0: i32) -> (i32, i32) {
    %c0_i32 = arith.constant 0 : i32
    %c0_i32_0 = arith.constant 0 : i32
    return %arg0, %c0_i32 : i32, i32
  }
}

module attributes {stable_mosaic.version = 14 : i64} {
  func.func @_eb_body(%arg0: i32, %arg1: memref<4000x64xf32, #tpu.memory_space<vmem>>, %arg2: memref<4000x64xf32, #tpu.memory_space<vmem>>, %arg3: memref<64x64xf32, #tpu.memory_space<vmem>>, %arg4: memref<1x64xf32, #tpu.memory_space<vmem>>, %arg5: memref<4000x128xf32, #tpu.memory_space<vmem>>) attributes {dimension_semantics = [#tpu.dimension_semantics<arbitrary>], iteration_bounds = array<i64: 40>, scalar_prefetch = 0 : i64, scratch_operands = 0 : i64, tpu.core_type = #tpu.core_type<tc>, window_params = [{transform_indices = @transform_0, window_bounds = array<i64: 4000, 64>}, {transform_indices = @transform_1, window_bounds = array<i64: 4000, 64>}, {pipeline_mode = #tpu.pipeline_mode<synchronous>, transform_indices = @transform_2, window_bounds = array<i64: 64, 64>}, {pipeline_mode = #tpu.pipeline_mode<synchronous>, transform_indices = @transform_3, window_bounds = array<i64: 1, 64>}, {transform_indices = @transform_4, window_bounds = array<i64: 4000, 128>}]} {
    %get3A = arith.constant 0 : index
    %get3A_0 = arith.constant 0 : index
    %get3A_1 = vector.load %arg1[%get3A, %get3A_0] : memref<4000x64xf32, #tpu.memory_space<vmem>>, vector<4000x64xf32>
    %get3A_2 = arith.constant 0 : index
    %get3A_3 = arith.constant 0 : index
    %get3A_4 = vector.load %arg3[%get3A_2, %get3A_3] : memref<64x64xf32, #tpu.memory_space<vmem>>, vector<64x64xf32>
    %dot_general3A = arith.constant dense<0.000000e+00> : vector<4000x64xf32>
    %dot_general3A_5 = tpu.matmul %get3A_1, %get3A_4, %dot_general3A {dimension_numbers = #tpu.dot_dimension_numbers<[1], [0], [0], [1], [0, 0, 1, 1], [], []>, transpose_lhs_hint = false} : vector<4000x64xf32>, vector<64x64xf32>, vector<4000x64xf32> -> vector<4000x64xf32>
    %get3A_6 = arith.constant 0 : index
    %get3A_7 = arith.constant 0 : index
    %get3A_8 = vector.load %arg4[%get3A_6, %get3A_7] : memref<1x64xf32, #tpu.memory_space<vmem>>, vector<1x64xf32>
    %add3A = vector.broadcast %get3A_8 : vector<1x64xf32> to vector<4000x64xf32>
    %add3A_9 = arith.addf %dot_general3A_5, %add3A : vector<4000x64xf32>
    %get3A_10 = arith.constant 0 : index
    %get3A_11 = arith.constant 0 : index
    %get3A_12 = vector.load %arg2[%get3A_10, %get3A_11] : memref<4000x64xf32, #tpu.memory_space<vmem>>, vector<4000x64xf32>
    %get3A_13 = arith.constant 0 : index
    %get3A_14 = arith.constant 0 : index
    %get3A_15 = vector.load %arg3[%get3A_13, %get3A_14] : memref<64x64xf32, #tpu.memory_space<vmem>>, vector<64x64xf32>
    %dot_general3A_16 = arith.constant dense<0.000000e+00> : vector<4000x64xf32>
    %dot_general3A_17 = tpu.matmul %get3A_12, %get3A_15, %dot_general3A_16 {dimension_numbers = #tpu.dot_dimension_numbers<[1], [0], [0], [1], [0, 0, 1, 1], [], []>, transpose_lhs_hint = false} : vector<4000x64xf32>, vector<64x64xf32>, vector<4000x64xf32> -> vector<4000x64xf32>
    %get3A_18 = arith.constant 0 : index
    %get3A_19 = arith.constant 0 : index
    %get3A_20 = vector.load %arg4[%get3A_18, %get3A_19] : memref<1x64xf32, #tpu.memory_space<vmem>>, vector<1x64xf32>
    %add3A_21 = vector.broadcast %get3A_20 : vector<1x64xf32> to vector<4000x64xf32>
    %add3A_22 = arith.addf %dot_general3A_17, %add3A_21 : vector<4000x64xf32>
    %concatenate3A = tpu.concatenate %add3A_9, %add3A_22 in 1 : vector<4000x64xf32>, vector<4000x64xf32> -> vector<4000x128xf32>
    %swap3A = arith.constant 0 : index
    %swap3A_23 = arith.constant 0 : index
    %swap3A_24 = vector.load %arg5[%swap3A, %swap3A_23] : memref<4000x128xf32, #tpu.memory_space<vmem>>, vector<4000x128xf32>
    tpu.vector_store %arg5[%swap3A, %swap3A_23], %concatenate3A {strides = array<i32>} : memref<4000x128xf32, #tpu.memory_space<vmem>>, vector<4000x128xf32>,
    return
  }
  func.func @transform_0(%arg0: i32) -> (i32, i32) {
    %c0_i32 = arith.constant 0 : i32
    %c0_i32_0 = arith.constant 0 : i32
    return %arg0, %c0_i32 : i32, i32
  }
  func.func @transform_1(%arg0: i32) -> (i32, i32) {
    %add3A = arith.constant 40 : i32
    %add3A_0 = arith.addi %arg0, %add3A : i32
    %c0_i32 = arith.constant 0 : i32
    %c0_i32_1 = arith.constant 0 : i32
    return %add3A_0, %c0_i32 : i32, i32
  }
  func.func @transform_2(%arg0: i32) -> (i32, i32) {
    %c0_i32 = arith.constant 0 : i32
    %c0_i32_0 = arith.constant 0 : i32
    %c0_i32_1 = arith.constant 0 : i32
    return %c0_i32, %c0_i32_0 : i32, i32
  }
  func.func @transform_3(%arg0: i32) -> (i32, i32) {
    %c0_i32 = arith.constant 0 : i32
    %c0_i32_0 = arith.constant 0 : i32
    %c0_i32_1 = arith.constant 0 : i32
    return %c0_i32, %c0_i32_0 : i32, i32
  }
  func.func @transform_4(%arg0: i32) -> (i32, i32) {
    %c0_i32 = arith.constant 0 : i32
    %c0_i32_0 = arith.constant 0 : i32
    return %arg0, %c0_i32 : i32, i32
  }
}

module attributes {stable_mosaic.version = 14 : i64} {
  func.func @_node_body(%arg0: i32, %arg1: memref<2000x128xf32, #tpu.memory_space<vmem>>, %arg2: memref<2x2000x64xf32, #tpu.memory_space<vmem>>, %arg3: memref<2x2000x8xf32, #tpu.memory_space<vmem>>, %arg4: memref<64x64xf32, #tpu.memory_space<vmem>>, %arg5: memref<1x64xf32, #tpu.memory_space<vmem>>, %arg6: memref<128x64xf32, #tpu.memory_space<vmem>>, %arg7: memref<64x64xf32, #tpu.memory_space<vmem>>, %arg8: memref<1x64xf32, #tpu.memory_space<vmem>>, %arg9: memref<1x64xf32, #tpu.memory_space<vmem>>, %arg10: memref<1x64xf32, #tpu.memory_space<vmem>>, %arg11: memref<64x64xf32, #tpu.memory_space<vmem>>, %arg12: memref<1x64xf32, #tpu.memory_space<vmem>>, %arg13: memref<2000x64xf32, #tpu.memory_space<vmem>>) attributes {dimension_semantics = [#tpu.dimension_semantics<arbitrary>], iteration_bounds = array<i64: 5>, scalar_prefetch = 0 : i64, scratch_operands = 0 : i64, tpu.core_type = #tpu.core_type<tc>, window_params = [{transform_indices = @transform_0, window_bounds = array<i64: 2000, 128>}, {transform_indices = @transform_1, window_bounds = array<i64: 2, 2000, 64>}, {transform_indices = @transform_2, window_bounds = array<i64: 2, 2000, 8>}, {pipeline_mode = #tpu.pipeline_mode<synchronous>, transform_indices = @transform_3, window_bounds = array<i64: 64, 64>}, {pipeline_mode = #tpu.pipeline_mode<synchronous>, transform_indices = @transform_4, window_bounds = array<i64: 1, 64>}, {pipeline_mode = #tpu.pipeline_mode<synchronous>, transform_indices = @transform_5, window_bounds = array<i64: 128, 64>}, {pipeline_mode = #tpu.pipeline_mode<synchronous>, transform_indices = @transform_6, window_bounds = array<i64: 64, 64>}, {pipeline_mode = #tpu.pipeline_mode<synchronous>, transform_indices = @transform_7, window_bounds = array<i64: 1, 64>}, {pipeline_mode = #tpu.pipeline_mode<synchronous>, transform_indices = @transform_8, window_bounds = array<i64: 1, 64>}, {pipeline_mode = #tpu.pipeline_mode<synchronous>, transform_indices = @transform_9, window_bounds = array<i64: 1, 64>}, {pipeline_mode = #tpu.pipeline_mode<synchronous>, transform_indices = @transform_10, window_bounds = array<i64: 64, 64>}, {pipeline_mode = #tpu.pipeline_mode<synchronous>, transform_indices = @transform_11, window_bounds = array<i64: 1, 64>}, {transform_indices = @transform_12, window_bounds = array<i64: 2000, 64>}]} {
    %get3A = arith.constant 0 : index
    %get3A_0 = arith.constant 0 : index
    %get3A_1 = arith.constant 0 : index
    %get3A_2 = vector.load %arg2[%get3A, %get3A_0, %get3A_1] : memref<2x2000x64xf32, #tpu.memory_space<vmem>>, vector<1x2000x64xf32>
    %get3A_3 = vector.shape_cast %get3A_2 : vector<1x2000x64xf32> to vector<2000x64xf32>
    %get3A_4 = arith.constant 1 : index
    %get3A_5 = arith.constant 0 : index
    %get3A_6 = arith.constant 0 : index
    %get3A_7 = vector.load %arg2[%get3A_4, %get3A_5, %get3A_6] : memref<2x2000x64xf32, #tpu.memory_space<vmem>>, vector<1x2000x64xf32>
    %get3A_8 = vector.shape_cast %get3A_7 : vector<1x2000x64xf32> to vector<2000x64xf32>
    %add3A = arith.addf %get3A_3, %get3A_8 : vector<2000x64xf32>
    %get3A_9 = arith.constant 0 : index
    %get3A_10 = arith.constant 0 : index
    %get3A_11 = arith.constant 0 : index
    %get3A_12 = vector.load %arg3[%get3A_9, %get3A_10, %get3A_11] : memref<2x2000x8xf32, #tpu.memory_space<vmem>>, vector<1x2000x1xf32>
    %get3A_13 = vector.shape_cast %get3A_12 : vector<1x2000x1xf32> to vector<2000x1xf32>
    %get3A_14 = arith.constant 1 : index
    %get3A_15 = arith.constant 0 : index
    %get3A_16 = arith.constant 0 : index
    %get3A_17 = vector.load %arg3[%get3A_14, %get3A_15, %get3A_16] : memref<2x2000x8xf32, #tpu.memory_space<vmem>>, vector<1x2000x1xf32>
    %get3A_18 = vector.shape_cast %get3A_17 : vector<1x2000x1xf32> to vector<2000x1xf32>
    %add3A_19 = arith.addf %get3A_13, %get3A_18 : vector<2000x1xf32>
    %max3A = arith.constant 1.000000e+00 : f32
    %max3A_20 = vector.broadcast %max3A : f32 to vector<2000x1xf32>
    %max3A_21 = arith.maximumf %add3A_19, %max3A_20 : vector<2000x1xf32>
    %div3A = vector.broadcast %max3A_21 : vector<2000x1xf32> to vector<2000x64xf32>
    %div3A_22 = arith.divf %add3A, %div3A : vector<2000x64xf32>
    %get3A_23 = arith.constant 0 : index
    %get3A_24 = arith.constant 0 : index
    %get3A_25 = vector.load %arg4[%get3A_23, %get3A_24] : memref<64x64xf32, #tpu.memory_space<vmem>>, vector<64x64xf32>
    %dot_general3A = arith.constant dense<0.000000e+00> : vector<2000x64xf32>
    %dot_general3A_26 = tpu.matmul %div3A_22, %get3A_25, %dot_general3A {dimension_numbers = #tpu.dot_dimension_numbers<[1], [0], [0], [1], [0, 0, 1, 1], [], []>, transpose_lhs_hint = false} : vector<2000x64xf32>, vector<64x64xf32>, vector<2000x64xf32> -> vector<2000x64xf32>
    %get3A_27 = arith.constant 0 : index
    %get3A_28 = arith.constant 0 : index
    %get3A_29 = vector.load %arg5[%get3A_27, %get3A_28] : memref<1x64xf32, #tpu.memory_space<vmem>>, vector<1x64xf32>
    %add3A_30 = vector.broadcast %get3A_29 : vector<1x64xf32> to vector<2000x64xf32>
    %add3A_31 = arith.addf %dot_general3A_26, %add3A_30 : vector<2000x64xf32>
    %gt3A = arith.constant 0.000000e+00 : f32
    %gt3A_32 = vector.broadcast %gt3A : f32 to vector<2000x1xf32>
    %gt3A_33 = arith.cmpf ogt, %add3A_19, %gt3A_32 : vector<2000x1xf32>
    %jit3A = arith.constant 0.000000e+00 : f32
    %broadcast_in_dim3A = vector.shape_cast %gt3A_33 : vector<2000x1xi1> to vector<2000x1xi1>
    %broadcast_in_dim3A_34 = vector.broadcast %broadcast_in_dim3A : vector<2000x1xi1> to vector<2000x64xi1>
    %broadcast_in_dim3A_35 = vector.broadcast %jit3A : f32 to vector<2000x64xf32>
    %select_n3A = arith.select %broadcast_in_dim3A_34, %add3A_31, %broadcast_in_dim3A_35 : vector<2000x64xi1>, vector<2000x64xf32>
    %get3A_36 = arith.constant 0 : index
    %get3A_37 = arith.constant 0 : index
    %get3A_38 = vector.load %arg1[%get3A_36, %get3A_37] : memref<2000x128xf32, #tpu.memory_space<vmem>>, vector<2000x128xf32>
    %get3A_39 = arith.constant 0 : index
    %get3A_40 = arith.constant 0 : index
    %get3A_41 = vector.load %arg6[%get3A_39, %get3A_40] : memref<128x64xf32, #tpu.memory_space<vmem>>, vector<128x64xf32>
    %dot_general3A_42 = arith.constant dense<0.000000e+00> : vector<2000x64xf32>
    %dot_general3A_43 = tpu.matmul %get3A_38, %get3A_41, %dot_general3A_42 {dimension_numbers = #tpu.dot_dimension_numbers<[1], [0], [0], [1], [0, 0, 1, 1], [], []>, transpose_lhs_hint = false} : vector<2000x128xf32>, vector<128x64xf32>, vector<2000x64xf32> -> vector<2000x64xf32>
    %get3A_44 = arith.constant 0 : index
    %get3A_45 = arith.constant 0 : index
    %get3A_46 = vector.load %arg7[%get3A_44, %get3A_45] : memref<64x64xf32, #tpu.memory_space<vmem>>, vector<64x64xf32>
    %dot_general3A_47 = arith.constant dense<0.000000e+00> : vector<2000x64xf32>
    %dot_general3A_48 = tpu.matmul %select_n3A, %get3A_46, %dot_general3A_47 {dimension_numbers = #tpu.dot_dimension_numbers<[1], [0], [0], [1], [0, 0, 1, 1], [], []>, transpose_lhs_hint = false} : vector<2000x64xf32>, vector<64x64xf32>, vector<2000x64xf32> -> vector<2000x64xf32>
    %add3A_49 = arith.addf %dot_general3A_43, %dot_general3A_48 : vector<2000x64xf32>
    %get3A_50 = arith.constant 0 : index
    %get3A_51 = arith.constant 0 : index
    %get3A_52 = vector.load %arg8[%get3A_50, %get3A_51] : memref<1x64xf32, #tpu.memory_space<vmem>>, vector<1x64xf32>
    %add3A_53 = vector.broadcast %get3A_52 : vector<1x64xf32> to vector<2000x64xf32>
    %add3A_54 = arith.addf %add3A_49, %add3A_53 : vector<2000x64xf32>
    %mul3A = arith.constant 0.00999999977 : f32
    %mul3A_55 = vector.broadcast %mul3A : f32 to vector<2000x64xf32>
    %mul3A_56 = arith.mulf %mul3A_55, %add3A_54 : vector<2000x64xf32>
    %max3A_57 = arith.maximumf %add3A_54, %mul3A_56 : vector<2000x64xf32>
    %reduce_sum3A = arith.constant dense<0.000000e+00> : vector<2000xf32>
    %reduce_sum3A_58 = vector.multi_reduction <add>, %max3A_57, %reduce_sum3A [1] : vector<2000x64xf32> to vector<2000xf32>
    %broadcast_in_dim3A_59 = vector.shape_cast %reduce_sum3A_58 : vector<2000xf32> to vector<2000x1xf32>
    %mul3A_60 = arith.constant 1.562500e-02 : f32
    %mul3A_61 = vector.broadcast %mul3A_60 : f32 to vector<2000x1xf32>
    %mul3A_62 = arith.mulf %broadcast_in_dim3A_59, %mul3A_61 : vector<2000x1xf32>
    %mul3A_63 = arith.mulf %max3A_57, %max3A_57 : vector<2000x64xf32>
    %reduce_sum3A_64 = arith.constant dense<0.000000e+00> : vector<2000xf32>
    %reduce_sum3A_65 = vector.multi_reduction <add>, %mul3A_63, %reduce_sum3A_64 [1] : vector<2000x64xf32> to vector<2000xf32>
    %broadcast_in_dim3A_66 = vector.shape_cast %reduce_sum3A_65 : vector<2000xf32> to vector<2000x1xf32>
    %mul3A_67 = arith.constant 1.562500e-02 : f32
    %mul3A_68 = vector.broadcast %mul3A_67 : f32 to vector<2000x1xf32>
    %mul3A_69 = arith.mulf %broadcast_in_dim3A_66, %mul3A_68 : vector<2000x1xf32>
    %mul3A_70 = arith.mulf %mul3A_62, %mul3A_62 : vector<2000x1xf32>
    %sub3A = arith.subf %mul3A_69, %mul3A_70 : vector<2000x1xf32>
    %sub3A_71 = vector.broadcast %mul3A_62 : vector<2000x1xf32> to vector<2000x64xf32>
    %sub3A_72 = arith.subf %max3A_57, %sub3A_71 : vector<2000x64xf32>
    %add3A_73 = arith.constant 9.99999974E-6 : f32
    %add3A_74 = vector.broadcast %add3A_73 : f32 to vector<2000x1xf32>
    %add3A_75 = arith.addf %sub3A, %add3A_74 : vector<2000x1xf32>
    %rsqrt3A = math.rsqrt %add3A_75 : vector<2000x1xf32>
    %get3A_76 = arith.constant 0 : index
    %get3A_77 = arith.constant 0 : index
    %get3A_78 = vector.load %arg9[%get3A_76, %get3A_77] : memref<1x64xf32, #tpu.memory_space<vmem>>, vector<1x64xf32>
    %mul3A_79 = vector.broadcast %rsqrt3A : vector<2000x1xf32> to vector<2000x64xf32>
    %mul3A_80 = vector.broadcast %get3A_78 : vector<1x64xf32> to vector<2000x64xf32>
    %mul3A_81 = arith.mulf %mul3A_79, %mul3A_80 : vector<2000x64xf32>
    %mul3A_82 = arith.mulf %sub3A_72, %mul3A_81 : vector<2000x64xf32>
    %get3A_83 = arith.constant 0 : index
    %get3A_84 = arith.constant 0 : index
    %get3A_85 = vector.load %arg10[%get3A_83, %get3A_84] : memref<1x64xf32, #tpu.memory_space<vmem>>, vector<1x64xf32>
    %add3A_86 = vector.broadcast %get3A_85 : vector<1x64xf32> to vector<2000x64xf32>
    %add3A_87 = arith.addf %mul3A_82, %add3A_86 : vector<2000x64xf32>
    %get3A_88 = arith.constant 0 : index
    %get3A_89 = arith.constant 0 : index
    %get3A_90 = vector.load %arg11[%get3A_88, %get3A_89] : memref<64x64xf32, #tpu.memory_space<vmem>>, vector<64x64xf32>
    %dot_general3A_91 = arith.constant dense<0.000000e+00> : vector<2000x64xf32>
    %dot_general3A_92 = tpu.matmul %add3A_87, %get3A_90, %dot_general3A_91 {dimension_numbers = #tpu.dot_dimension_numbers<[1], [0], [0], [1], [0, 0, 1, 1], [], []>, transpose_lhs_hint = false} : vector<2000x64xf32>, vector<64x64xf32>, vector<2000x64xf32> -> vector<2000x64xf32>
    %get3A_93 = arith.constant 0 : index
    %get3A_94 = arith.constant 0 : index
    %get3A_95 = vector.load %arg12[%get3A_93, %get3A_94] : memref<1x64xf32, #tpu.memory_space<vmem>>, vector<1x64xf32>
    %add3A_96 = vector.broadcast %get3A_95 : vector<1x64xf32> to vector<2000x64xf32>
    %add3A_97 = arith.addf %dot_general3A_92, %add3A_96 : vector<2000x64xf32>
    %swap3A = arith.constant 0 : index
    %swap3A_98 = arith.constant 0 : index
    %swap3A_99 = vector.load %arg13[%swap3A, %swap3A_98] : memref<2000x64xf32, #tpu.memory_space<vmem>>, vector<2000x64xf32>
    tpu.vector_store %arg13[%swap3A, %swap3A_98], %add3A_97 {strides = array<i32>} : memref<2000x64xf32, #tpu.memory_space<vmem>>, vector<2000x64xf32>,
    return
  }
  func.func @transform_0(%arg0: i32) -> (i32, i32) {
    %c0_i32 = arith.constant 0 : i32
    %c0_i32_0 = arith.constant 0 : i32
    return %arg0, %c0_i32 : i32, i32
  }
  func.func @transform_1(%arg0: i32) -> (i32, i32, i32) {
    %c0_i32 = arith.constant 0 : i32
    %c0_i32_0 = arith.constant 0 : i32
    %c0_i32_1 = arith.constant 0 : i32
    return %c0_i32, %arg0, %c0_i32_0 : i32, i32, i32
  }
  func.func @transform_2(%arg0: i32) -> (i32, i32, i32) {
    %c0_i32 = arith.constant 0 : i32
    %c0_i32_0 = arith.constant 0 : i32
    %c0_i32_1 = arith.constant 0 : i32
    return %c0_i32, %arg0, %c0_i32_0 : i32, i32, i32
  }
  func.func @transform_3(%arg0: i32) -> (i32, i32) {
    %c0_i32 = arith.constant 0 : i32
    %c0_i32_0 = arith.constant 0 : i32
    %c0_i32_1 = arith.constant 0 : i32
    return %c0_i32, %c0_i32_0 : i32, i32
  }
  func.func @transform_4(%arg0: i32) -> (i32, i32) {
    %c0_i32 = arith.constant 0 : i32
    %c0_i32_0 = arith.constant 0 : i32
    %c0_i32_1 = arith.constant 0 : i32
    return %c0_i32, %c0_i32_0 : i32, i32
  }
  func.func @transform_5(%arg0: i32) -> (i32, i32) {
    %c0_i32 = arith.constant 0 : i32
    %c0_i32_0 = arith.constant 0 : i32
    %c0_i32_1 = arith.constant 0 : i32
    return %c0_i32, %c0_i32_0 : i32, i32
  }
  func.func @transform_6(%arg0: i32) -> (i32, i32) {
    %c0_i32 = arith.constant 0 : i32
    %c0_i32_0 = arith.constant 0 : i32
    %c0_i32_1 = arith.constant 0 : i32
    return %c0_i32, %c0_i32_0 : i32, i32
  }
  func.func @transform_7(%arg0: i32) -> (i32, i32) {
    %c0_i32 = arith.constant 0 : i32
    %c0_i32_0 = arith.constant 0 : i32
    %c0_i32_1 = arith.constant 0 : i32
    return %c0_i32, %c0_i32_0 : i32, i32
  }
  func.func @transform_8(%arg0: i32) -> (i32, i32) {
    %c0_i32 = arith.constant 0 : i32
    %c0_i32_0 = arith.constant 0 : i32
    %c0_i32_1 = arith.constant 0 : i32
    return %c0_i32, %c0_i32_0 : i32, i32
  }
  func.func @transform_9(%arg0: i32) -> (i32, i32) {
    %c0_i32 = arith.constant 0 : i32
    %c0_i32_0 = arith.constant 0 : i32
    %c0_i32_1 = arith.constant 0 : i32
    return %c0_i32, %c0_i32_0 : i32, i32
  }
  func.func @transform_10(%arg0: i32) -> (i32, i32) {
    %c0_i32 = arith.constant 0 : i32
    %c0_i32_0 = arith.constant 0 : i32
    %c0_i32_1 = arith.constant 0 : i32
    return %c0_i32, %c0_i32_0 : i32, i32
  }
  func.func @transform_11(%arg0: i32) -> (i32, i32) {
    %c0_i32 = arith.constant 0 : i32
    %c0_i32_0 = arith.constant 0 : i32
    %c0_i32_1 = arith.constant 0 : i32
    return %c0_i32, %c0_i32_0 : i32, i32
  }
  func.func @transform_12(%arg0: i32) -> (i32, i32) {
    %c0_i32 = arith.constant 0 : i32
    %c0_i32_0 = arith.constant 0 : i32
    return %arg0, %c0_i32 : i32, i32
  }
}

</mosaic_0001>

<sc_bundles>
// kernel: kernel.6.cloned.1.call-start
scs
__scs_entry_jumppad:
0x0: {  	(pc) =	sbr.rel $0x88, $3  }
0x1: {  	(tag) =	ssettag $0x0;
	lr =	simm.s32 $0x1  }
0x2: {  	[smem:$0x3F92] =	sst lr;
	_ =	strace $0xD0000000  }
0x3: {  	_ = 	snop  }
0x4: {  	_ = 	snop  }
0x5: {  	_ = 	snop  }
0x6: {  	_ = 	snop  }
0x7: {  	_ = 	snop  }
__scs_overlays_trampoline_lowered:
0x8: {  	[smem:$0x3FA1] =	sst s0  }
0x9: {  	[smem:$0x3FA2] =	sst s1  }
0xa: {  	[smem:$0x3FA3] =	sst s2  }
0xb: {  	[smem:$0x3FA4] =	sst s3  }
0xc: {  	[smem:$0x3FA5] =	sst s4  }
0xd: {  	[smem:$0x3FA6] =	sst s5  }
0xe: {  	[smem:$0x3FA7] =	sst s6  }
0xf: {  	[smem:$0x3FA8] =	sst s7  }
0x10: {  	[smem:$0x3FA9] =	sst s8  }
0x11: {  	[smem:$0x3FAA] =	sst s9;
	s0 =	simm.s32 @!p0 $0x0  }
0x12: {  	s1 =	sld [smem:$0x3F90];
	s0 =	simm.s32 @p0 $0x1  }
0x13: {  	[smem:$0x3FAB] =	sst s0;
	s0 =	simm.s32 @!p1 $0x0  }
0x14: {  	s2 =	sld [smem:$0x3F8F];
	s0 =	simm.s32 @p1 $0x1  }
0x15: {  	[smem:$0x3FAC] =	sst s0;
	s0 =	simm.s32 @!p2 $0x0  }
0x16: {  	s3 =	sld [smem:$0x3FDB];
	s0 =	simm.s32 @p2 $0x1  }
0x17: {  	s4 =	simm.s32 $0x1BF5;
	[smem:$0x3FAE] =	sst s0  }
0x18: {  	s0 =	sld [smem:$0x3F91];
	_ =	swait.ge [sflag:s4], $0x0  }
0x19: {  	s7 =	sld [smem:$0x3F92]  }
0x1a: {  	s8 =	sadd.s32 $0xFFFFE003, lr  }
0x1b: {  	s9 =	sadd.s32 $0xFFFFFEF7, lr;
	s5 =	simm.s32 $0xFFFFFFFF;
	p2 =	slt.u32 s8, $0xFFFFF086  }
0x1c: {  	p1 =	slt.u32 s9, $0xF7A;
	s5 =	simm.s32 @!p2 $0x0  }
0x1d: {  	s5 =	simm.s32 @p1 $0x1;
	p0 =	seq.s32 s7, s2  }
0x1e: {  	s7 =	smul.u32 @!p0 $0xF7A, s2;
	p2 =	seq.s32 @!p0 s5, $0x0  }
0x1f: {  	s9 =	smul.u32 $0xF7A, s1;
	s8 =	simm.s32 @!p0 $0x1BF5;
	p2 =	por !p2, p0  }
0x20: {  	[sflag:s8] =	ssyncset.s32 @!p0 $0xFFFFF086;
	s6 =	sadd.s32 @!p0 s3, s7;
	s7 =	simm.s32 @!p0 $0x108  }
0x21: {  	s3 =	sadd.s32 s3, s9;
	s6 =	sadd.s32 @!p0 $0x88, s6;
	s7 =	simm.s32 @p2 $0x1082  }
0x22: {  	[simem:s7], [sflag:s8] =	dma.local @!p0 [hbm:s6], $0xF7A  }
0x23: {  	s9 =	sor.u32 $0xD0000000, s2;
	s6 =	simm.s32 $0x108;
	_ =	swait.ge @!p0 [sflag:s8], $0x0  }
0x24: {  	s3 =	sadd.s32 $0x88, s3;
	s6 =	simm.s32 @!p1 $0x1082;
	[sflag:s4] =	ssyncset.s32 $0xFFFFF086  }
0x25: {  	[simem:s6], [sflag:s4] =	dma.local [hbm:s3], $0xF7A  }
0x26: {  	[smem:$0x3F92] =	sst s1;
	(tag) =	ssettag s2;
	_ =	strace s9  }
0x27: {  	s1 =	sld [smem:$0x3FA2]  }
0x28: {  	s2 =	sld [smem:$0x3FA3]  }
0x29: {  	s4 =	sld [smem:$0x3FA5]  }
0x2a: {  	p0 =	seq.s32 s5, $0x0;
	s5 =	sld [smem:$0x3FA6]  }
0x2b: {  	s6 =	sld [smem:$0x3FA7]  }
0x2c: {  	s7 =	sld [smem:$0x3FA8]  }
0x2d: {  	s3 =	simm.s32 $0x108;
	s8 =	sld [smem:$0x3FA9]  }
0x2e: {  	s3 =	simm.s32 @!p0 $0x1082;
	s9 =	sld [smem:$0x3FAA]  }
0x2f: {  	lr =	sadd.s32 s0, s3;
	s0 =	sld [smem:$0x3FA1]  }
0x30: {  	s3 =	sld [smem:$0x3FA4]  }
0x31: {  	[smem:$0x3FAD] =	sst s10  }
0x32: {  	s10 =	sld [smem:$0x3FAB];
	_ =	sdelay $0x3  }
0x33: {  	p0 =	seq.s32 s10, $0x1;
	s10 =	sld [smem:$0x3FAD];
	_ =	sdelay $0x3  }
0x34: {  	[smem:$0x3FAD] =	sst s10  }
0x35: {  	s10 =	sld [smem:$0x3FAC];
	_ =	sdelay $0x3  }
0x36: {  	p1 =	seq.s32 s10, $0x1;
	s10 =	sld [smem:$0x3FAD];
	_ =	sdelay $0x3  }
0x37: {  	[smem:$0x3FAD] =	sst s10  }
0x38: {  	s10 =	sld [smem:$0x3FAE]  }
0x39: {  	_ = 	snop;
	(pc) =	sbr.ind lr, $3  }
0x3a: {  	_ = 	snop  }
0x3b: {  	_ = 	snop  }
0x3c: {  	p2 =	seq.s32 s10, $0x1;
	s10 =	sld [smem:$0x3FAD]  }
0x3d: {  	_ =	shalt  }
0x3e: {  	_ =	shalt  }
0x3f: {  	_ =	shalt  }
0x40: {  	_ =	shalt  }
0x41: {  	_ =	shalt  }
0x42: {  	_ =	shalt  }
0x43: {  	_ =	shalt  }
0x44: {  	_ =	shalt  }
0x45: {  	_ =	shalt  }
0x46: {  	_ =	shalt  }
0x47: {  	_ =	shalt  }
0x48: {  	_ =	shalt  }
0x49: {  	_ =	shalt  }
0x4a: {  	_ =	shalt  }
0x4b: {  	_ =	shalt  }
0x4c: {  	_ =	shalt  }
0x4d: {  	_ =	shalt  }
0x4e: {  	_ =	shalt  }
0x4f: {  	_ =	shalt  }
0x50: {  	_ =	shalt  }
0x51: {  	_ =	shalt  }
0x52: {  	_ =	shalt  }
0x53: {  	_ =	shalt  }
0x54: {  	_ =	shalt  }
0x55: {  	_ =	shalt  }
0x56: {  	_ =	shalt  }
0x57: {  	_ =	shalt  }
0x58: {  	_ =	shalt  }
0x59: {  	_ =	shalt  }
0x5a: {  	_ =	shalt  }
0x5b: {  	_ =	shalt  }
0x5c: {  	_ =	shalt  }
0x5d: {  	_ =	shalt  }
0x5e: {  	_ =	shalt  }
0x5f: {  	_ =	shalt  }
0x60: {  	_ =	shalt  }
0x61: {  	_ =	shalt  }
0x62: {  	_ =	shalt  }
0x63: {  	_ =	shalt  }
0x64: {  	_ =	shalt  }
0x65: {  	_ =	shalt  }
0x66: {  	_ =	shalt  }
0x67: {  	_ =	shalt  }
0x68: {  	_ =	shalt  }
0x69: {  	_ =	shalt  }
0x6a: {  	_ =	shalt  }
0x6b: {  	_ =	shalt  }
0x6c: {  	_ =	shalt  }
0x6d: {  	_ =	shalt  }
0x6e: {  	_ =	shalt  }
0x6f: {  	_ =	shalt  }
0x70: {  	_ =	shalt  }
0x71: {  	_ =	shalt  }
0x72: {  	_ =	shalt  }
0x73: {  	_ =	shalt  }
0x74: {  	_ =	shalt  }
0x75: {  	_ =	shalt  }
0x76: {  	_ =	shalt  }
0x77: {  	_ =	shalt  }
0x78: {  	_ =	shalt  }
0x79: {  	_ =	shalt  }
0x7a: {  	_ =	shalt  }
0x7b: {  	_ =	shalt  }
0x7c: {  	_ =	shalt  }
0x7d: {  	_ =	shalt  }
0x7e: {  	_ =	shalt  }
0x7f: {  	_ =	shalt  }
0x80: {  	_ =	shalt  }
0x81: {  	_ =	shalt  }
0x82: {  	_ =	shalt  }
0x83: {  	_ =	shalt  }
0x84: {  	_ =	shalt  }
0x85: {  	_ =	shalt  }
0x86: {  	_ =	shalt  }
0x87: {  	_ =	shalt  }
.Lfunc_end0:
.L_simem_size_0:
called_computation_lowered:
.L_overlay_start_0:
0x88: {  	s2 =	sld [smem:$0x3FD9]  }
0x89: {  	s3 =	sld [smem:$0x3FFE];
	_ =	sdelay $0x1  }
0x8a: {  	s1 =	srdreg.scid  }
0x8b: {  	s0 =	sand.u32 $0x1, s1  }
0x8c: {  	s17 =	sshll.u32 s0, $0xA;
	s2 =	sadd.s32 s3, s2  }
0x8d: {  	s2 =	sadd.s32 s2, s17  }
0x8e: {  	[smem:$0x3FB9] =	sst s2  }
0x8f: {  	_ = 	snop  }
0x90: {  	s2 =	sld [smem:$0x3FD0];
	(tm) =	ssettm $0x1  }
0x91: {  	s18 =	sld [smem:$0x3FFB];
	_ =	sdelay $0x3  }
0x92: {  	_ =	strace s18  }
0x93: {  	s3 =	sld [smem:$0x3FFC];
	_ =	sdelay $0x3  }
0x94: {  	_ =	strace s3  }
0x95: {  	s3 =	sld [smem:$0x3FFD];
	_ =	sdelay $0x3  }
0x96: {  	_ =	strace s3  }
0x97: {  	_ =	strace $0x8FFFFFFF  }
0x98: {  	s19 =	sld [smem:$0x3FDB];
	_ =	sdelay $0x1  }
0x99: {  	s4 =	simm.s32 $_scs_section_size  }
0x9a: {  	s5 =	simm.s32 $_size__tile_overlayer_lowered;
	s6 =	simm.s32 $_tile_overlayer_lowered  }
0x9b: {  	s22 =	simm.s32 $0x1BFF;
	s21 =	sshll.u32 s6, $0x1;
	s3 =	sadd.s32 s4, s19  }
0x9c: {  	s7 =	simm.s32 $0x0;
	s20 =	sshll.u32 s5, $0x1;
	s5 =	sadd.s32 s21, s3  }
0x9d: {  	[timem:s7], [sflag:s22] =	dma.local [hbm:s5], s20  }
0x9e: {  	_ =	swait.ge [sflag:s22], s20  }
0x9f: {  	s4 =	ssub.s32 $0x0, s20;
	[sflag:s22] =	ssyncset.done $0x0  }
0xa0: {  	[sflag:s22] =	ssyncadd.s32 s4;
	_ =	sdelay $0x1  }
0xa1: {  	s23 =	simm.s32 $0x1B8B  }
0xa2: {  	_ =	swait.ge [sflag:s23], $0x1  }
0xa3: {  	[sflag:s23] =	ssyncset.done $0x0  }
0xa4: {  	s25 =	simm.s32 $0x1B8E;
	s24 =	sld [smem:$0x3FFE];
	[sflag:s23] =	ssyncadd.s32 $0xFFFFFFFF  }
0xa5: {  	s26 =	simm.s32 $execute0_lowered;
	[smem:$0x3FD2] =	sst s25  }
0xa6: {  	s5 =	sshll.u32 s26, $0x1;
	_ =	strace $0x80000046;
	[dreg:$0x1] =	wrdreg $0xFFFFFFFF  }
0xa7: {  	s28 =	simm.s32 $_size_execute0_lowered;
	s3 =	sadd.s32 s3, s5;
	[dreg:$0x0] =	wrdreg $0x0  }
0xa8: {  	s5 =	sshll.u32 s28, $0x1;
	[dreg:$0x2] =	wrdreg s3  }
0xa9: {  	[dreg:$0x3] =	wrdreg s5  }
0xaa: {  	[dreg:$0x4] =	wrdreg $0xC0  }
0xab: {  	_ =	task [dreg:s7], $0x5FFFF  }
0xac: {  	[dreg:$0x1] =	wrdreg $0xFFFFFFFF  }
0xad: {  	[dreg:$0x0] =	wrdreg $0x60  }
0xae: {  	[dreg:$0x2] =	wrdreg s2  }
0xaf: {  	[dreg:$0x3] =	wrdreg s24  }
0xb0: {  	[dreg:$0x4] =	wrdreg $0xD1E00  }
0xb1: {  	[dreg:$0x5] =	wrdreg $0x16E200  }
0xb2: {  	[dreg:$0x6] =	wrdreg $0x9  }
0xb3: {  	_ =	task.clear_ibuf [dreg:s7], $0x7FFFF;
	_ =	strace $0x90000046  }
0xb4: {  	s29 =	simm.s32 $0x9;
	_ =	strace $0x80000048  }
0xb5: {  	_ =	swait.ge [sflag:s29], $0x1  }
0xb6: {  	[sflag:s29] =	ssyncadd.s32 $0xFFFFFFFF  }
0xb7: {  	_ =	strace $0x90000048  }
0xb8: {  	_ =	sfence  }
0xb9: {  	s30 =	sld [smem:$0x0];
	_ =	sdelay $0x2  }
0xba: {  	s31 =	sshll.u32 s1, $0xD;
	s1 =	sshrl.u32 s1, $0x2  }
0xbb: {  	s3 =	sand.u32 $0x4000, s31;
	s1 =	sadd.s32 s1, s30  }
0xbc: {  	s0 =	sor.u32 s3, s0;
	s1 =	sshll.u32 s1, $0x11  }
0xbd: {  	s0 =	sor.u32 s1, s0  }
0xbe: {  	s0 =	sadd.s32 $0x8F2B, s0  }
0xbf: {  	[sflag:s0] =	ssyncadd.remote.s32 $0x1  }
0xc0: {  	_ =	sfence.sel $0xFFFF  }
0xc1: {  	[dreg:$0x0] =	wrdreg $0xFFFFFFFF;
	(pc) =	sbr.abs _section_cstart, $3  }
0xc2: {  	[dreg:$0x1] =	wrdreg $0xFFFFFFFF  }
0xc3: {  	_ =	task.clear_ibuf [dreg:s7], $0x2FFFF;
	_ =	strace $0x9FFFFFFF  }
0xc4: {  	(tm) =	ssettm $0x7FFFFFFF  }
0xc5: {  	_ =	shalt  }
tec
execute0_lowered:
.L_overlay_start_1:
0x0: {  	(tag) =	ssettag $0x1  }
0x1: {  	s0 =	rddreg [dreg:$0x0]  }
0x2: {  	s2 =	rddreg [dreg:$0x1]  }
0x3: {  	s1 =	srdreg.scid;
	s3 =	rddreg [dreg:$0x2]  }
0x4: {  	s11 =	stileid.u32;
	s4 =	rddreg [dreg:$0x3];
	s20 =	simm.s32 $0x5  }
0x5: {  	s28 =	simm.s32 $0x6A40;
	s29 =	simm.s32 $0x9C40;
	s30 =	simm.s32 $0x1  }
0x6: {  	s31 =	simm.s32 $0x3;
	s1 =	sand.u32 $0x1, s1;
	s8 =	smul.u32 $0x9C40, s11  }
0x7: {  	s12 =	smul.u32 $0x1388, s11;
	s21 =	sadd.s32 $0x4FAA00, s2;
	s22 =	sadd.s32 $0x18A00, s2  }
0x8: {  	s13 =	sadd.s32 $0x19E00, s2;
	s24 =	sadd.s32 $0x1A200, s2;
	s9 =	smul.u32 $0x9C400, s1  }
0x9: {  	s5 =	sshll.u32 s1, $0x4;
	s23 =	smul.u32 $0x13880, s1;
	s1 =	ssub.s32 $0x2, s1  }
0xa: {  	v0 =	vimm.s32 $0xFEDCBA98;
	v1 =	vimm.s32 $0x76543210;
	s7 =	sor.u32 s11, s5;
	s5 =	simm.s32 $0x0;
	s14 =	sshrl.u32 s1, $0x1  }
0xb: {  	v2 =	vimm.s32 $0xBA98FEDC;
	v3 =	vimm.s32 $0x32107654;
	s26 =	sadd.s32 s12, s4;
	s6 =	smul.u32 $0x514, s7;
	[smem:$0x7FF] =	sst s5  }
0xc: {  	v4 =	vimm.s32 $0xDCFE98BA;
	v5 =	vimm.s32 $0x54761032;
	s9 =	sadd.s32 s8, s9;
	_ =	strace $0x80000047;
	[dreg:$0x5] =	wrdreg s21  }
0xd: {  	v6 =	vimm.s32 $0xEFCDAB89;
	v7 =	vimm.s32 $0x67452301;
	s25 =	sadd.s32 s12, s23;
	s11 =	smul.u32 $0x1388, s7;
	[dreg:$0x6] =	wrdreg s22  }
0xe: {  	v0 =	vunpack.c.l.s4.s8 v0;
	v1 =	vunpack.c.l.s4.s8 v1;
	v2 =	vunpack.c.l.s4.s8 v2;
	s7 =	smul.u32 $0x13880, s7;
	s1 =	ssub.s32 s1, s14;
	[dreg:$0x7] =	wrdreg s13  }
0xf: {  	v3 =	vunpack.c.l.s4.s8 v3;
	v4 =	vunpack.c.l.s4.s8 v4;
	v5 =	vunpack.c.l.s4.s8 v5;
	s8 =	sadd.s32 s8, s3;
	s23 =	simm.s32 $0x4;
	[dreg:$0x8] =	wrdreg s24  }
0x10: {  	v6 =	vunpack.c.l.s4.s8 v6;
	v7 =	vunpack.c.l.s4.s8 v7;
	v0 =	vunpack.c.0.s8.s32 v0;
	s9 =	sshrl.u32 s9, $0x3;
	s13 =	sshrl.u32 s25, $0x3;
	[dreg:$0xb] =	wrdreg s8  }
0x11: {  	v2 =	vunpack.c.0.s8.s32 v2;
	v3 =	vunpack.c.0.s8.s32 v3;
	v4 =	vunpack.c.0.s8.s32 v4;
	[dreg:$0xc] =	wrdreg s26;
	s19 =	smax.u32 s1, $0x1;
	s22 =	simm.s32 $0xCE40  }
0x12: {  	v5 =	vunpack.c.0.s8.s32 v5;
	v6 =	vunpack.c.0.s8.s32 v6;
	v7 =	vunpack.c.0.s8.s32 v7;
	s25 =	simm.s32 $0x64;
	s21 =	simm.s32 $0x2;
	s24 =	simm.s32 $0x0  }
0x13: {  	v1 =	vunpack.c.0.s8.s32 v1;
	v2 =	vcombine.low v3, v2;
	s10 =	sadd.s32 s6, s2;
	s6 =	sadd.s32 $0x4FAC00, s2;
	s9 =	sadd.s32 s9, s2  }
0x14: {  	v3 =	vcombine.low v5, v4;
	v4 =	vcombine.low v7, v6;
	v0 =	vand.u32 $0xF, v0;
	s2 =	sadd.s32 s13, s2;
	s15 =	sadd.s32 $0xE600, s10;
	s10 =	sadd.s32 $0x4200, s10  }
0x15: {  	v0 =	vcombine.low v0, v1;
	s16 =	sadd.s32 s6, s7;
	s17 =	sadd.s32 $0x1F400, s9;
	[dreg:$0x9] =	wrdreg s15  }
0x16: {  	s18 =	sadd.s32 $0x1A400, s2;
	s2 =	simm.s32 $0xB540;
	v1 =	vand.u32 $0xF, v2;
	v2 =	vand.u32 $0xF, v3;
	v3 =	vand.u32 $0xF, v4;
	[dreg:$0xa] =	wrdreg s10  }
.LBB2_1:
0x17: {  	s1 =	rddreg [dreg:$0x9]  }
0x18: {  	[tilespmem:s5], [sflag:$0x5] =	stream.linear.gather [hbm4b:s1+s5], $0x28A0, $0x38;
	[tilespmem:$0x181A8] =	vst v63  }
0x19: {  	_ =	swait.ge [sflag:s20], $0x28A0  }
0x1a: {  	[sflag:s20] =	ssyncset.done $0x0  }
0x1b: {  	s7 =	simm.s32 $0x28A0;
	s15 =	rddreg [dreg:$0xa];
	[sflag:s20] =	ssyncadd.s32 $0xFFFFD760  }
0x1c: {  	[tilespmem:s7], [sflag:$0x5] =	stream.linear.gather [hbm4b:s15+s5], $0x28A0, $0x38;
	[tilespmem:$0x181A8] =	vst v63  }
0x1d: {  	_ =	swait.ge [sflag:s20], $0x28A0  }
0x1e: {  	[sflag:s20] =	ssyncset.done $0x0  }
0x1f: {  	s26 =	rddreg [dreg:$0x8];
	[sflag:s20] =	ssyncadd.s32 $0xFFFFD760  }
0x20: {  	[tilespmem:s22], [sflag:$0x5] =	stream.linear.gather [hbm4b:s26+s5], $0x320, $0x38;
	[tilespmem:$0x181A8] =	vst v63  }
0x21: {  	_ =	swait.ge [sflag:s20], $0x320  }
0x22: {  	s8 =	simm.s32 $0xD160;
	[sflag:s20] =	ssyncset.done $0x0  }
0x23: {  	s9 =	stileid.u32;
	s7 =	rddreg [dreg:$0x5];
	[sflag:s20] =	ssyncadd.s32 $0xFFFFFCE0  }
0x24: {  	[tilespmem:s8], [sflag:$0x5] =	stream.linear.gather [hbm4b:s7+s5], $0x80, $0x38;
	[tilespmem:$0x181A8] =	vst v63  }
0x25: {  	s1 =	sshll.u32 s9, $0x6;
	_ =	swait.ge [sflag:s20], $0x80  }
0x26: {  	s26 =	sor.u32 $0x1C05, s1;
	[sflag:s20] =	ssyncset.done $0x0;
	s10 =	rddreg [dreg:$0xb]  }
0x27: {  	s12 =	rddreg [dreg:$0x6];
	[sflag:s20] =	ssyncadd.s32 $0xFFFFFF80;
	s1 =	sshrl.u32 s10, $0x3  }
0x28: {  	[spmem:s1], [sflag:s26] =	dma.local [hbm:s12], $0x1388  }
0x29: {  	_ =	swait.ge [sflag:s20], $0x1388  }
0x2a: {  	[sflag:s20] =	ssyncset.done $0x0;
	s13 =	rddreg [dreg:$0xc]  }
0x2b: {  	s8 =	rddreg [dreg:$0x7];
	[sflag:s20] =	ssyncadd.s32 $0xFFFFEC78;
	s7 =	sshrl.u32 s13, $0x3  }
0x2c: {  	[spmem:s7], [sflag:s26] =	dma.local [hbm:s8], $0x271  }
0x2d: {  	_ =	swait.ge [sflag:s20], $0x271  }
0x2e: {  	[sflag:s20] =	ssyncset.done $0x0  }
0x2f: {  	[sflag:s20] =	ssyncadd.s32 $0xFFFFFD8F  }
0x30: {  	[bflag:$0x0] =	sbarrier.arrive $0xFFFF  }
0x31: {  	v4 =	vld [tilespmem:$0xD160]  }
0x32: {  	v5 =	vld [tilespmem:$0xD170]  }
0x33: {  	v6 =	vld [tilespmem:$0xD180]  }
0x34: {  	v7 =	vld [tilespmem:$0xD190]  }
0x35: {  	v8 =	vld [tilespmem:$0xD1A0]  }
0x36: {  	v10 =	vld [tilespmem:$0xD1C0]  }
0x37: {  	s14 =	simm.s32 $0x5140;
	v9 =	vld [tilespmem:$0xD1B0]  }
0x38: {  	v11 =	vld [tilespmem:$0xD1D0];
	[tilespmem:s14], [sflag:$0x1] =	stream.linear.gather [hbm4b:s16+s5], $0x1900, $0x38  }
0x39: {  	s15 =	simm.s32 $0x8340;
	s8 =	simm.s32 $0x0  }
0x3a: {  	[tilespmem:s15], [sflag:$0x3] =	stream.indirect.gather [hbm4b:s0+s25], $0x40, s5, s25, $0xb8;
	[tilespmem:$0x181A8] =	vst v63  }
.LBB2_2:
0x3b: {  	s9 =	sshllo.u32 s8, $0x1  }
0x3c: {  	s10 =	smul.u32 $0x32, s9;
	_ =	sdelay $0x1  }
0x3d: {  	s10 =	sadd.s32 s11, s10  }
0x3e: {  	s10 =	sshll.u32 s10, $0x4  }
0x3f: {  	s10 =	sand.u32 $0x1FFFFFE0, s10  }
0x40: {  	s12 =	simm.s32 $0x0;
	s9 =	smul.u32 $0x68, s9;
	s10 =	sadd.s32 s6, s10  }
0x41: {  	[tilespmem:s28], [sflag:$0x2] =	stream.linear.gather [hbm4b:s10+s12], $0x1900, $0x38;
	[tilespmem:$0x181A8] =	vst v63  }
0x42: {  	_ = 	snop  }
0x43: {  	[tilespmem:s29], [sflag:$0x4] =	stream.indirect.gather [hbm4b:s0+s25], $0x40, s9, s25, $0xb8;
	[tilespmem:$0x181A8] =	vst v63  }
0x44: {  	_ =	swait.ge [sflag:s30], $0x1900  }
0x45: {  	[sflag:s30] =	ssyncset.done $0x0  }
0x46: {  	[sflag:s30] =	ssyncadd.s32 $0xFFFFE700  }
0x47: {  	_ =	swait.ge [sflag:s31], $0x1900  }
0x48: {  	[sflag:s31] =	ssyncset.done $0x0  }
0x49: {  	s10 =	simm.s32 $0x0;
	[sflag:s31] =	ssyncadd.s32 $0xFFFFE700  }
0x4a: {  	v12 =	vld [tilespmem:s10+$0x83A0]  }
0x4b: {  	v13 =	vld [tilespmem:s10+$0x8380]  }
0x4c: {  	v14 =	vld [tilespmem:s10+$0x5180]  }
0x4d: {  	v15 =	vld [tilespmem:s10+$0x8390]  }
0x4e: {  	v16 =	vld [tilespmem:s10+$0x5190]  }
0x4f: {  	v17 =	vld [tilespmem:s10+$0x51A0]  }
0x50: {  	v18 =	vld [tilespmem:s10+$0x83B0]  }
0x51: {  	v19 =	vld [tilespmem:s10+$0x51B0];
	_ =	sdelay $0x1  }
0x52: {  	v13 =	vadd.f32 v14, v13;
	v14 =	vadd.f32 v16, v15;
	_ =	sdelay $0x1  }
0x53: {  	v12 =	vadd.f32 v17, v12;
	v15 =	vmul.f32 $9.999999770e-03, v13;
	v16 =	vmul.f32 $9.999999770e-03, v14  }
0x54: {  	v17 =	vadd.f32 v19, v18  }
0x55: {  	v22 =	vld [tilespmem:s10+$0x8350];
	v19 =	vmul.f32 $9.999999770e-03, v12;
	v15 =	vmax.f32 v13, v15;
	v16 =	vmax.f32 v14, v16  }
0x56: {  	v18 =	vld [tilespmem:s10+$0x8340];
	v13 =	vadd.f32 v16, v15;
	v20 =	vmul.f32 v15, v15;
	v21 =	vmul.f32 v16, v16  }
0x57: {  	v23 =	vmul.f32 $9.999999770e-03, v17;
	v14 =	vld [tilespmem:s10+$0x5140];
	v12 =	vmax.f32 v12, v19  }
0x58: {  	v19 =	vld [tilespmem:s10+$0x5150];
	v24 =	vadd.f32 v12, v13;
	v20 =	vadd.f32 v21, v20;
	v21 =	vmul.f32 v12, v12  }
0x59: {  	v25 =	vld [tilespmem:s10+$0x8360];
	v13 =	vmax.f32 v17, v23  }
0x5a: {  	v17 =	vld [tilespmem:s10+$0x5160];
	v23 =	vadd.f32 v13, v24;
	v20 =	vadd.f32 v21, v20;
	v21 =	vmul.f32 v13, v13;
	_ =	sdelay $0x1  }
0x5b: {  	v26 =	vld [tilespmem:s10+$0x5170];
	v14 =	vadd.f32 v14, v18;
	v18 =	vperm.xlane v23, v0;
	v20 =	vadd.f32 v21, v20  }
0x5c: {  	v24 =	vld [tilespmem:s10+$0x8370];
	v19 =	vadd.f32 v19, v22  }
0x5d: {  	v21 =	vmul.f32 $9.999999770e-03, v14;
	v18 =	vadd.f32 v23, v18;
	v22 =	vperm.xlane v20, v0  }
0x5e: {  	v17 =	vadd.f32 v17, v25;
	v23 =	vmul.f32 $9.999999770e-03, v19  }
0x5f: {  	v21 =	vmax.f32 v14, v21;
	v14 =	vperm.xlane v18, v1;
	v20 =	vadd.f32 v22, v20  }
0x60: {  	v25 =	vmul.f32 v21, v21;
	v19 =	vmax.f32 v19, v23;
	v22 =	vmul.f32 $9.999999770e-03, v17  }
0x61: {  	v23 =	vadd.f32 v26, v24;
	v18 =	vadd.f32 v18, v14;
	v14 =	vperm.xlane v20, v1  }
0x62: {  	v24 =	vadd.f32 v19, v21;
	v22 =	vmax.f32 v17, v22;
	v17 =	vmul.f32 v19, v19  }
0x63: {  	v26 =	vmul.f32 $9.999999770e-03, v23;
	v27 =	vperm.xlane v18, v2;
	v20 =	vadd.f32 v14, v20  }
0x64: {  	v24 =	vadd.f32 v22, v24;
	v17 =	vadd.f32 v17, v25;
	v25 =	vmul.f32 v22, v22  }
0x65: {  	v14 =	vmax.f32 v23, v26;
	v18 =	vadd.f32 v18, v27;
	v23 =	vperm.xlane v20, v2  }
0x66: {  	v24 =	vadd.f32 v14, v24;
	v17 =	vadd.f32 v25, v17;
	v25 =	vmul.f32 v14, v14  }
0x67: {  	v26 =	vperm.xlane v18, v3;
	v20 =	vadd.f32 v23, v20  }
0x68: {  	v23 =	vperm.xlane v24, v0;
	v17 =	vadd.f32 v25, v17  }
0x69: {  	v18 =	vadd.f32 v18, v26;
	v25 =	vperm.xlane v20, v3  }
0x6a: {  	v23 =	vadd.f32 v24, v23;
	v24 =	vperm.xlane v17, v0  }
0x6b: {  	v18 =	vmul.f32 $1.562500000e-02, v18;
	v20 =	vadd.f32 v25, v20  }
0x6c: {  	v25 =	vperm.xlane v23, v1;
	v17 =	vadd.f32 v24, v17  }
0x6d: {  	v20 =	vmul.f32 $1.562500000e-02, v20;
	v24 =	vmul.f32 v18, v18  }
0x6e: {  	v23 =	vadd.f32 v23, v25;
	v25 =	vperm.xlane v17, v1  }
0x6f: {  	v20 =	vsub.f32 v20, v24  }
0x70: {  	v24 =	vperm.xlane v23, v2;
	v17 =	vadd.f32 v25, v17  }
0x71: {  	s12 =	simm.s32 $0x80;
	v20 =	vadd.f32 $9.999999740e-06, v20  }
0x72: {  	v28 =	vld [tilespmem:s12+$0x83A0];
	v23 =	vadd.f32 v23, v24;
	v24 =	vperm.xlane v17, v2  }
0x73: {  	v29 =	vld [tilespmem:s12+$0x8380];
	v25 =	vmul.f32 $5.000000000e-01, v20;
	v20 =	vshrl.u32 v20, $0x1  }
0x74: {  	v30 =	vld [tilespmem:s12+$0x5180];
	v26 =	vperm.xlane v23, v3;
	v17 =	vadd.f32 v24, v17;
	v20 =	vsub.s32 $0x5F3759DF, v20  }
0x75: {  	v31 =	vld [tilespmem:s12+$0x8390];
	v24 =	vmul.f32 v20, v25  }
0x76: {  	v32 =	vld [tilespmem:s12+$0x5190];
	v23 =	vadd.f32 v23, v26;
	v26 =	vperm.xlane v17, v3  }
0x77: {  	v33 =	vsub.f32 v15, v18;
	v15 =	vld [tilespmem:s12+$0x51A0];
	v24 =	vmul.f32 v20, v24  }
0x78: {  	v23 =	vmul.f32 $1.562500000e-02, v23;
	v17 =	vadd.f32 v26, v17  }
0x79: {  	v24 =	vsub.f32 $1.500000000e+00, v24  }
0x7a: {  	v29 =	vadd.f32 v30, v29;
	v17 =	vmul.f32 $1.562500000e-02, v17;
	v26 =	vmul.f32 v23, v23  }
0x7b: {  	v31 =	vadd.f32 v32, v31;
	v20 =	vmul.f32 v20, v24  }
0x7c: {  	v15 =	vadd.f32 v15, v28;
	v28 =	vmul.f32 $9.999999770e-03, v29;
	v24 =	vsub.f32 v17, v26  }
0x7d: {  	v37 =	vmul.f32 $9.999999770e-03, v31;
	v26 =	vsub.f32 v21, v23;
	v21 =	vld [tilespmem:s12+$0x51B0];
	v34 =	vmul.f32 v20, v25  }
0x7e: {  	v28 =	vmax.f32 v29, v28;
	v17 =	vsub.f32 v12, v18;
	v12 =	vadd.f32 $9.999999740e-06, v24;
	v24 =	vld [tilespmem:s12+$0x83B0]  }
0x7f: {  	v29 =	vmax.f32 v31, v37;
	v27 =	vsub.f32 v19, v23;
	v19 =	vmul.f32 v34, v20  }
0x80: {  	v16 =	vsub.f32 v16, v18;
	v31 =	vadd.f32 v29, v28  }
0x81: {  	v36 =	vld [tilespmem:s12+$0x5140];
	v34 =	vmul.f32 $5.000000000e-01, v12;
	v12 =	vshrl.u32 v12, $0x1;
	v54 =	vsub.f32 $1.500000000e+00, v19  }
0x82: {  	v57 =	vmul.f32 v28, v28;
	v38 =	vmul.f32 v29, v29;
	v30 =	vsub.s32 $0x5F3759DF, v12;
	v12 =	vld [tilespmem:s12+$0x8340]  }
0x83: {  	v56 =	vld [tilespmem:s12+$0x5150];
	v21 =	vadd.f32 v21, v24;
	v24 =	vmul.f32 $9.999999770e-03, v15;
	v20 =	vmul.f32 v54, v20  }
0x84: {  	v37 =	vadd.f32 v38, v57;
	v19 =	vsub.f32 v22, v23;
	v22 =	vld [tilespmem:s12+$0x8350]  }
0x85: {  	v40 =	vmul.f32 $9.999999770e-03, v21;
	v24 =	vmax.f32 v15, v24;
	v25 =	vmul.f32 v20, v25  }
0x86: {  	v39 =	vld [tilespmem:s12+$0x8360];
	v35 =	vmul.f32 v30, v34;
	v31 =	vadd.f32 v24, v31;
	v58 =	vmul.f32 v24, v24  }
0x87: {  	v36 =	vadd.f32 v36, v12;
	v12 =	vmax.f32 v21, v40;
	v15 =	vmul.f32 v25, v20;
	v25 =	vld [tilespmem:s12+$0x5160]  }
0x88: {  	v41 =	vld [tilespmem:s12+$0x8370];
	v13 =	vsub.f32 v13, v18;
	v55 =	vmul.f32 v30, v35;
	v31 =	vadd.f32 v12, v31  }
0x89: {  	v21 =	vadd.f32 v56, v22;
	v22 =	vld [tilespmem:s12+$0x5170];
	v59 =	vadd.f32 v58, v37;
	v60 =	vmul.f32 v12, v12  }
0x8a: {  	v32 =	vsub.f32 $1.500000000e+00, v55;
	v15 =	vsub.f32 $1.500000000e+00, v15;
	v63 =	vperm.xlane v31, v0  }
0x8b: {  	v61 =	vmul.f32 $9.999999770e-03, v36;
	v62 =	vmul.f32 $9.999999770e-03, v21;
	v35 =	vadd.f32 v60, v59  }
0x8c: {  	v42 =	vmul.f32 v15, v20;
	v20 =	vadd.f32 v31, v63;
	v15 =	vadd.f32 v25, v39  }
0x8d: {  	v25 =	vmax.f32 v36, v61;
	v36 =	vmax.f32 v21, v62;
	v21 =	vperm.xlane v35, v0  }
0x8e: {  	v22 =	vadd.f32 v22, v41;
	v44 =	vadd.f32 v36, v25;
	v31 =	vmul.f32 $9.999999770e-03, v15  }
0x8f: {  	v38 =	vmul.f32 v25, v25;
	v45 =	vperm.xlane v20, v1;
	v21 =	vadd.f32 v21, v35  }
0x90: {  	v46 =	vmax.f32 v15, v31;
	v15 =	vmul.f32 $9.999999770e-03, v22;
	v31 =	vmul.f32 v36, v36  }
0x91: {  	v20 =	vadd.f32 v20, v45;
	v47 =	vperm.xlane v21, v1;
	v37 =	vadd.f32 v46, v44  }
0x92: {  	v22 =	vmax.f32 v22, v15;
	v15 =	vadd.f32 v31, v38;
	v31 =	vmul.f32 v46, v46  }
0x93: {  	v30 =	vmul.f32 v30, v32;
	v48 =	vperm.xlane v20, v2;
	v21 =	vadd.f32 v47, v21  }
0x94: {  	v37 =	vadd.f32 v22, v37;
	v15 =	vadd.f32 v31, v15;
	v31 =	vmul.f32 v22, v22  }
0x95: {  	v50 =	vmul.f32 v42, v7;
	v18 =	vadd.f32 v20, v48;
	v20 =	vperm.xlane v21, v2  }
0x96: {  	v49 =	vperm.xlane v37, v0;
	v15 =	vadd.f32 v31, v15;
	v31 =	vmul.f32 v30, v34  }
0x97: {  	v56 =	vmul.f32 v42, v5;
	v51 =	vperm.xlane v18, v3;
	v21 =	vadd.f32 v20, v21  }
0x98: {  	v32 =	vadd.f32 v37, v49;
	v20 =	vperm.xlane v15, v0;
	v31 =	vmul.f32 v31, v30  }
0x99: {  	v13 =	vmul.f32 v50, v13;
	v18 =	vadd.f32 v18, v51;
	v52 =	vperm.xlane v21, v3  }
0x9a: {  	v53 =	vperm.xlane v32, v1;
	v54 =	vadd.f32 v20, v15;
	v15 =	vsub.f32 $1.500000000e+00, v31  }
0x9b: {  	v37 =	vmul.f32 v56, v16;
	v20 =	vmul.f32 $1.562500000e-02, v18;
	v18 =	vadd.f32 v52, v21  }
0x9c: {  	v21 =	vadd.f32 v32, v53;
	v55 =	vperm.xlane v54, v1;
	v30 =	vmul.f32 v15, v30  }
0x9d: {  	v15 =	vsub.f32 v14, v23;
	v14 =	vmul.f32 $1.562500000e-02, v18;
	v18 =	vmul.f32 v20, v20  }
0x9e: {  	v31 =	vmul.f32 v42, v4;
	v23 =	vadd.f32 v13, v11;
	v38 =	vperm.xlane v21, v2  }
0x9f: {  	v32 =	vadd.f32 v55, v54;
	v34 =	vmul.f32 v30, v34;
	v14 =	vsub.f32 v14, v18  }
0xa0: {  	v13 =	vsub.f32 v28, v20;
	v18 =	vmul.f32 v42, v6;
	v28 =	vadd.f32 v21, v38  }
0xa1: {  	v21 =	vperm.xlane v32, v2;
	v34 =	vmul.f32 v34, v30;
	v57 =	vadd.f32 $9.999999740e-06, v14  }
0xa2: {  	v14 =	vsub.f32 v29, v20;
	v29 =	vmul.f32 v31, v33;
	v31 =	vperm.xlane v28, v3  }
0xa3: {  	v32 =	vadd.f32 v21, v32;
	v21 =	vmul.f32 $5.000000000e-01, v57;
	v59 =	vshrl.u32 v57, $0x1  }
0xa4: {  	v58 =	vsub.f32 $1.500000000e+00, v34;
	v28 =	vadd.f32 v28, v31;
	v38 =	vsub.s32 $0x5F3759DF, v59  }
0xa5: {  	v16 =	vsub.f32 v24, v20;
	[tilespmem:s10+$0xB5B0] =	vst v23;
	v31 =	vperm.xlane v32, v3;
	v23 =	vmul.f32 v38, v21  }
0xa6: {  	v29 =	vadd.f32 v29, v8;
	v24 =	vmul.f32 v58, v30;
	v28 =	vmul.f32 $1.562500000e-02, v28  }
0xa7: {  	v30 =	vadd.f32 v31, v32;
	v31 =	vmul.f32 v18, v17;
	v18 =	vmul.f32 v38, v23  }
0xa8: {  	s14 =	simm.s32 $0x100;
	[tilespmem:s10+$0xB580] =	vst v29;
	v60 =	vmul.f32 v24, v4;
	v23 =	vadd.f32 v37, v9;
	v63 =	vmul.f32 v24, v5  }
0xa9: {  	v29 =	vld [tilespmem:s14+$0x83A0];
	v62 =	vmul.f32 v28, v28;
	v61 =	vmul.f32 $1.562500000e-02, v30  }
0xaa: {  	v34 =	vmul.f32 v24, v6;
	v17 =	vsub.f32 v25, v28;
	v30 =	vld [tilespmem:s14+$0x8380];
	v25 =	vsub.f32 $1.500000000e+00, v18;
	[tilespmem:s10+$0xB590] =	vst v23  }
0xab: {  	v24 =	vmul.f32 v24, v7;
	v22 =	vsub.f32 v22, v28;
	v32 =	vld [tilespmem:s14+$0x5180];
	v37 =	vsub.f32 v61, v62  }
0xac: {  	v18 =	vsub.f32 v36, v28;
	v23 =	vsub.f32 v46, v28;
	v33 =	vld [tilespmem:s14+$0x8390];
	v25 =	vmul.f32 v38, v25  }
0xad: {  	s13 =	sshll.u32 s8, $0x1;
	s15 =	simm.s32 $0x600;
	v36 =	vmul.f32 v60, v26;
	v26 =	vmul.f32 v63, v27;
	v35 =	vld [tilespmem:s14+$0x5190];
	v28 =	vadd.f32 $9.999999740e-06, v37  }
.LBB2_3:
0xae: {  	p0 =	sne.s32 s15, $0x6200;
	v27 =	vld [tilespmem:s14+$0x51A0];
	v37 =	vmul.f32 v25, v21;
	v34 =	vmul.f32 v34, v19;
	v31 =	vadd.f32 v31, v10;
	v19 =	vmovc v23  }
0xaf: {  	v24 =	vmul.f32 v24, v15;
	v15 =	vmovc v22;
	v38 =	vld [tilespmem:s14+$0x83B0];
	v23 =	vmul.f32 $5.000000000e-01, v28;
	v28 =	vshrl.u32 v28, $0x1  }
0xb0: {  	v36 =	vadd.f32 v36, v8;
	v22 =	vld [tilespmem:s14+$0x51B0];
	v28 =	vsub.s32 $0x5F3759DF, v28;
	v37 =	vmul.f32 v37, v25;
	[tilespmem:s10+$0xB5A0] =	vst v31  }
0xb1: {  	v26 =	vadd.f32 v26, v9;
	v30 =	vadd.f32 v32, v30;
	v31 =	vld [tilespmem:s14+$0x8340];
	v32 =	vmul.f32 v28, v23  }
0xb2: {  	v39 =	vld [tilespmem:s14+$0x5140];
	v33 =	vadd.f32 v35, v33;
	v35 =	vsub.f32 $1.500000000e+00, v37;
	[tilespmem:s10+$0xB540] =	vst v36  }
0xb3: {  	v36 =	vld [tilespmem:s14+$0x8350];
	v27 =	vadd.f32 v27, v29;
	v29 =	vmul.f32 $9.999999770e-03, v30;
	v32 =	vmul.f32 v28, v32;
	[tilespmem:s10+$0xB550] =	vst v26  }
0xb4: {  	v34 =	vadd.f32 v34, v10;
	v26 =	vld [tilespmem:s14+$0x5150];
	v37 =	vmul.f32 $9.999999770e-03, v33;
	v25 =	vmul.f32 v35, v25  }
0xb5: {  	v35 =	vld [tilespmem:s14+$0x8360];
	v22 =	vadd.f32 v22, v38;
	v38 =	vmul.f32 $9.999999770e-03, v27;
	v32 =	vsub.f32 $1.500000000e+00, v32  }
0xb6: {  	v29 =	vmax.f32 v30, v29;
	v40 =	vld [tilespmem:s14+$0x5160];
	v30 =	vmax.f32 v33, v37;
	v21 =	vmul.f32 v25, v21;
	[tilespmem:s10+$0xB560] =	vst v34  }
0xb7: {  	v41 =	vmul.f32 v29, v29;
	v33 =	vld [tilespmem:s14+$0x8370];
	v34 =	vmul.f32 $9.999999770e-03, v22;
	v37 =	vadd.f32 v30, v29  }
0xb8: {  	v27 =	vmax.f32 v27, v38;
	v38 =	vmul.f32 v30, v30;
	v42 =	vld [tilespmem:s14+$0x5170];
	v21 =	vmul.f32 v21, v25  }
0xb9: {  	v31 =	vadd.f32 v39, v31;
	v22 =	vmax.f32 v22, v34;
	v34 =	vadd.f32 v27, v37  }
0xba: {  	v37 =	vadd.f32 v38, v41;
	v38 =	vmul.f32 v27, v27;
	v21 =	vsub.f32 $1.500000000e+00, v21  }
0xbb: {  	v26 =	vadd.f32 v26, v36;
	v36 =	vmul.f32 $9.999999770e-03, v31;
	v34 =	vadd.f32 v22, v34  }
0xbc: {  	v37 =	vadd.f32 v38, v37;
	v38 =	vmul.f32 v22, v22;
	v21 =	vmul.f32 v21, v25  }
0xbd: {  	v25 =	vadd.f32 v40, v35;
	v35 =	vmul.f32 $9.999999770e-03, v26;
	v39 =	vperm.xlane v34, v0  }
0xbe: {  	v20 =	vsub.f32 v12, v20;
	v12 =	vmovc v22;
	v37 =	vadd.f32 v38, v37;
	v38 =	vmul.f32 v21, v7  }
0xbf: {  	v36 =	vmax.f32 v31, v36;
	v22 =	vmax.f32 v26, v35;
	v26 =	vmul.f32 $9.999999770e-03, v25  }
0xc0: {  	v31 =	vadd.f32 v34, v39;
	v34 =	vperm.xlane v37, v0;
	v20 =	vmul.f32 v38, v20  }
0xc1: {  	v33 =	vadd.f32 v42, v33;
	v35 =	vadd.f32 v22, v36;
	v38 =	vmul.f32 v36, v36  }
0xc2: {  	v39 =	vperm.xlane v31, v1;
	v34 =	vadd.f32 v34, v37;
	v20 =	vadd.f32 v20, v11  }
0xc3: {  	v25 =	vmax.f32 v25, v26;
	v26 =	vmul.f32 $9.999999770e-03, v33;
	v37 =	vmul.f32 v22, v22  }
0xc4: {  	v35 =	vadd.f32 v25, v35;
	v31 =	vadd.f32 v31, v39;
	v39 =	vperm.xlane v34, v1;
	[tilespmem:s12+$0xB5B0] =	vst v20  }
0xc5: {  	v26 =	vmax.f32 v33, v26;
	v33 =	vmul.f32 v25, v25;
	v20 =	vadd.f32 v37, v38  }
0xc6: {  	v35 =	vadd.f32 v26, v35;
	v37 =	vperm.xlane v31, v2;
	v34 =	vadd.f32 v39, v34  }
0xc7: {  	v28 =	vmul.f32 v28, v32;
	v20 =	vadd.f32 v33, v20;
	v33 =	vmul.f32 v26, v26  }
0xc8: {  	v32 =	vperm.xlane v35, v0;
	v31 =	vadd.f32 v31, v37;
	v37 =	vperm.xlane v34, v2  }
0xc9: {  	v38 =	vmul.f32 v21, v4;
	v20 =	vadd.f32 v33, v20;
	v33 =	vmul.f32 v28, v23  }
0xca: {  	v32 =	vadd.f32 v35, v32;
	v35 =	vperm.xlane v31, v3;
	v34 =	vadd.f32 v37, v34  }
0xcb: {  	v24 =	vadd.f32 v24, v11;
	v37 =	vperm.xlane v20, v0;
	v33 =	vmul.f32 v33, v28  }
0xcc: {  	v39 =	vperm.xlane v32, v1;
	v31 =	vadd.f32 v31, v35;
	v35 =	vperm.xlane v34, v3  }
0xcd: {  	v40 =	vmul.f32 v21, v5;
	v37 =	vadd.f32 v37, v20;
	v33 =	vsub.f32 $1.500000000e+00, v33;
	[tilespmem:s10+$0xB570] =	vst v24;
	s10 =	smov.u32 s12;
	s12 =	smov.u32 s14  }
0xce: {  	v24 =	vadd.f32 v32, v39;
	v20 =	vmul.f32 $1.562500000e-02, v31;
	v31 =	vadd.f32 v35, v34  }
0xcf: {  	v32 =	vperm.xlane v37, v1;
	v28 =	vmul.f32 v33, v28  }
0xd0: {  	v31 =	vmul.f32 $1.562500000e-02, v31;
	v33 =	vmul.f32 v20, v20;
	v29 =	vsub.f32 v29, v20  }
0xd1: {  	v34 =	vperm.xlane v24, v2;
	v32 =	vadd.f32 v32, v37;
	v23 =	vmul.f32 v28, v23  }
0xd2: {  	v30 =	vsub.f32 v30, v20;
	v31 =	vsub.f32 v31, v33;
	v33 =	vmul.f32 v21, v6  }
0xd3: {  	v24 =	vadd.f32 v24, v34;
	v21 =	vperm.xlane v32, v2;
	v23 =	vmul.f32 v23, v28  }
0xd4: {  	v27 =	vsub.f32 v27, v20;
	v34 =	vmul.f32 v38, v13;
	v13 =	vmovc v29;
	v31 =	vadd.f32 $9.999999740e-06, v31  }
0xd5: {  	v29 =	vperm.xlane v24, v3;
	v32 =	vadd.f32 v21, v32;
	v23 =	vsub.f32 $1.500000000e+00, v23  }
0xd6: {  	v35 =	vmul.f32 v40, v14;
	v14 =	vmovc v30;
	v21 =	vmul.f32 $5.000000000e-01, v31;
	v31 =	vshrl.u32 v31, $0x1  }
0xd7: {  	v24 =	vadd.f32 v24, v29;
	v29 =	vperm.xlane v32, v3;
	v37 =	vsub.s32 $0x5F3759DF, v31  }
0xd8: {  	v23 =	vmul.f32 v23, v28;
	v28 =	vadd.f32 v34, v8;
	v30 =	vmul.f32 v37, v21  }
0xd9: {  	v31 =	vmul.f32 v33, v16;
	v16 =	vmovc v27;
	v38 =	vmul.f32 $1.562500000e-02, v24;
	v24 =	vadd.f32 v29, v32  }
0xda: {  	s14 =	sshra.s32 s15, $0x2;
	v39 =	vmul.f32 v23, v4;
	v27 =	vmul.f32 v37, v30;
	[tilespmem:s10+$0xB580] =	vst v28;
	v28 =	vadd.f32 v35, v9  }
.Ltmp0:
0xdb: {  	v33 =	vmul.f32 v38, v38;
	v40 =	vsub.f32 v36, v38;
	v24 =	vmul.f32 $1.562500000e-02, v24;
	v29 =	vld [tilespmem:s14+$0x83A0];
	(pc) =	sbr.rel @p0 .LBB2_3-.Ltmp0, $4  }
0xdc: {  	v41 =	vmul.f32 v23, v5;
	v34 =	vmul.f32 v23, v6;
	v27 =	vsub.f32 $1.500000000e+00, v27;
	v30 =	vld [tilespmem:s14+$0x8380];
	[tilespmem:s10+$0xB590] =	vst v28  }
0xdd: {  	v42 =	vsub.f32 v22, v38;
	v28 =	vsub.f32 v24, v33;
	v24 =	vmul.f32 v23, v7;
	v32 =	vld [tilespmem:s14+$0x5180]  }
0xde: {  	v22 =	vsub.f32 v26, v38;
	v23 =	vsub.f32 v25, v38;
	v25 =	vmul.f32 v37, v27;
	v33 =	vld [tilespmem:s14+$0x8390]  }
0xdf: {  	s15 =	sadd.s32 $0x200, s15;
	v36 =	vmul.f32 v39, v17;
	v26 =	vmul.f32 v41, v18;
	v17 =	vmovc v40;
	v18 =	vmovc v42;
	v28 =	vadd.f32 $9.999999740e-06, v28;
	v35 =	vld [tilespmem:s14+$0x5190]  }
0xe0: {  	v27 =	vld [tilespmem:s14+$0x51A0];
	v31 =	vadd.f32 v31, v10  }
0xe1: {  	v37 =	vld [tilespmem:s14+$0x83B0]  }
0xe2: {  	v38 =	vld [tilespmem:s14+$0x51B0];
	[tilespmem:s10+$0xB5A0] =	vst v31;
	v31 =	vadd.f32 v36, v8  }
0xe3: {  	v19 =	vmul.f32 v34, v19;
	v26 =	vadd.f32 v26, v9;
	v57 =	vld [tilespmem:s14+$0x8340]  }
0xe4: {  	v39 =	vld [tilespmem:s14+$0x5140];
	[tilespmem:s10+$0xB540] =	vst v31  }
0xe5: {  	v30 =	vadd.f32 v32, v30;
	v19 =	vadd.f32 v19, v10;
	v58 =	vld [tilespmem:s14+$0x8350];
	[tilespmem:s10+$0xB550] =	vst v26  }
0xe6: {  	v31 =	vadd.f32 v35, v33;
	v27 =	vadd.f32 v27, v29;
	v29 =	vld [tilespmem:s14+$0x5150]  }
0xe7: {  	v59 =	vld [tilespmem:s14+$0x8360]  }
0xe8: {  	v26 =	vmul.f32 $9.999999770e-03, v30;
	v60 =	vadd.f32 v38, v37;
	v33 =	vmul.f32 $9.999999770e-03, v31;
	v62 =	vld [tilespmem:s14+$0x5160];
	[tilespmem:s10+$0xB560] =	vst v19  }
0xe9: {  	v61 =	vmul.f32 $9.999999770e-03, v27;
	v63 =	vld [tilespmem:s14+$0x8370]  }
0xea: {  	v30 =	vmax.f32 v30, v26;
	v19 =	vmul.f32 $9.999999770e-03, v60;
	v41 =	vld [tilespmem:s14+$0x5170];
	v26 =	vmax.f32 v31, v33  }
0xeb: {  	v40 =	vmul.f32 v30, v30;
	v36 =	vadd.f32 v39, v57;
	v31 =	vadd.f32 v26, v30  }
0xec: {  	v27 =	vmax.f32 v27, v61;
	v44 =	vmul.f32 v26, v26;
	v19 =	vmax.f32 v60, v19  }
0xed: {  	v46 =	vmul.f32 v27, v27;
	v47 =	vmul.f32 $9.999999770e-03, v36;
	v29 =	vadd.f32 v29, v58  }
0xee: {  	v49 =	vmul.f32 v19, v19;
	v31 =	vadd.f32 v27, v31;
	v45 =	vadd.f32 v44, v40  }
0xef: {  	v34 =	vadd.f32 v62, v59;
	v33 =	vadd.f32 v41, v63;
	v48 =	vmul.f32 $9.999999770e-03, v29  }
0xf0: {  	v32 =	vmax.f32 v36, v47;
	v31 =	vadd.f32 v19, v31;
	v35 =	vadd.f32 v46, v45  }
0xf1: {  	v51 =	vmul.f32 $9.999999770e-03, v34;
	v52 =	vmul.f32 v32, v32;
	v29 =	vmax.f32 v29, v48  }
0xf2: {  	v54 =	vmul.f32 $9.999999770e-03, v33;
	v37 =	vadd.f32 v29, v32;
	v53 =	vmul.f32 v29, v29  }
0xf3: {  	v50 =	vperm.xlane v31, v0;
	v35 =	vadd.f32 v49, v35;
	v34 =	vmax.f32 v34, v51  }
0xf4: {  	v56 =	vmul.f32 v34, v34;
	v37 =	vadd.f32 v34, v37;
	v55 =	vadd.f32 v53, v52  }
0xf5: {  	v33 =	vmax.f32 v33, v54;
	v31 =	vadd.f32 v31, v50;
	v57 =	vperm.xlane v35, v0  }
0xf6: {  	v59 =	vmul.f32 v33, v33;
	v36 =	vadd.f32 v33, v37;
	v58 =	vadd.f32 v56, v55  }
0xf7: {  	v60 =	vperm.xlane v31, v1;
	v35 =	vadd.f32 v57, v35  }
0xf8: {  	v61 =	vperm.xlane v36, v0;
	v37 =	vadd.f32 v59, v58  }
0xf9: {  	v31 =	vadd.f32 v31, v60;
	v62 =	vperm.xlane v35, v1  }
0xfa: {  	v36 =	vadd.f32 v36, v61;
	v63 =	vperm.xlane v37, v0  }
0xfb: {  	v40 =	vperm.xlane v31, v2;
	v35 =	vadd.f32 v62, v35  }
0xfc: {  	v43 =	vperm.xlane v36, v1;
	v37 =	vadd.f32 v63, v37  }
0xfd: {  	v31 =	vadd.f32 v31, v40;
	v44 =	vperm.xlane v35, v2  }
0xfe: {  	v36 =	vadd.f32 v36, v43;
	v45 =	vperm.xlane v37, v1  }
0xff: {  	v40 =	vperm.xlane v31, v3;
	v35 =	vadd.f32 v44, v35  }
0x100: {  	v47 =	vmul.f32 v25, v21;
	v46 =	vperm.xlane v36, v2;
	v37 =	vadd.f32 v45, v37  }
0x101: {  	v31 =	vadd.f32 v31, v40;
	v48 =	vperm.xlane v35, v3  }
0x102: {  	v38 =	vmul.f32 v47, v25;
	v36 =	vadd.f32 v36, v46;
	v50 =	vperm.xlane v37, v2  }
0x103: {  	v49 =	vmul.f32 $5.000000000e-01, v28;
	v31 =	vmul.f32 $1.562500000e-02, v31;
	v35 =	vadd.f32 v48, v35  }
0x104: {  	v28 =	vshrl.u32 v28, $0x1;
	v51 =	vperm.xlane v36, v3;
	v37 =	vadd.f32 v50, v37  }
0x105: {  	v38 =	vsub.f32 $1.500000000e+00, v38;
	v35 =	vmul.f32 $1.562500000e-02, v35;
	v52 =	vmul.f32 v31, v31  }
0x106: {  	v28 =	vsub.s32 $0x5F3759DF, v28;
	v36 =	vadd.f32 v36, v51;
	v53 =	vperm.xlane v37, v3  }
0x107: {  	v42 =	vmul.f32 v28, v49;
	v25 =	vmul.f32 v38, v25;
	v35 =	vsub.f32 v35, v52  }
0x108: {  	v36 =	vmul.f32 $1.562500000e-02, v36;
	v37 =	vadd.f32 v53, v37  }
0x109: {  	v54 =	vmul.f32 v28, v42;
	v21 =	vmul.f32 v25, v21;
	v35 =	vadd.f32 $9.999999740e-06, v35  }
0x10a: {  	v37 =	vmul.f32 $1.562500000e-02, v37;
	v55 =	vmul.f32 v36, v36  }
0x10b: {  	v38 =	vsub.f32 $1.500000000e+00, v54;
	v56 =	vmul.f32 $5.000000000e-01, v35;
	v35 =	vshrl.u32 v35, $0x1  }
0x10c: {  	v21 =	vmul.f32 v21, v25;
	v35 =	vsub.s32 $0x5F3759DF, v35;
	v37 =	vsub.f32 v37, v55  }
0x10d: {  	v28 =	vmul.f32 v28, v38;
	v57 =	vmul.f32 v35, v56  }
0x10e: {  	v21 =	vsub.f32 $1.500000000e+00, v21;
	v37 =	vadd.f32 $9.999999740e-06, v37  }
0x10f: {  	v58 =	vmul.f32 v28, v49;
	v38 =	vmul.f32 v35, v57  }
0x110: {  	v21 =	vmul.f32 v21, v25;
	v25 =	vmul.f32 $5.000000000e-01, v37;
	v37 =	vshrl.u32 v37, $0x1  }
0x111: {  	v39 =	vmul.f32 v58, v28;
	v38 =	vsub.f32 $1.500000000e+00, v38;
	v37 =	vsub.s32 $0x5F3759DF, v37  }
0x112: {  	v12 =	vsub.f32 v12, v20;
	v20 =	vmul.f32 v21, v7;
	v59 =	vmul.f32 v37, v25  }
0x113: {  	v15 =	vmul.f32 v24, v15;
	v39 =	vsub.f32 $1.500000000e+00, v39;
	v35 =	vmul.f32 v35, v38  }
0x114: {  	v12 =	vmul.f32 v20, v12;
	v20 =	vmul.f32 v37, v59  }
0x115: {  	v28 =	vmul.f32 v39, v28;
	v38 =	vmul.f32 v35, v56  }
0x116: {  	v60 =	vmul.f32 v21, v4;
	v61 =	vmul.f32 v21, v5;
	v20 =	vsub.f32 $1.500000000e+00, v20  }
0x117: {  	v24 =	vmul.f32 v28, v49;
	v38 =	vmul.f32 v38, v35  }
0x118: {  	v21 =	vmul.f32 v21, v6;
	v20 =	vmul.f32 v37, v20  }
0x119: {  	v13 =	vmul.f32 v60, v13;
	v24 =	vmul.f32 v24, v28;
	v38 =	vsub.f32 $1.500000000e+00, v38  }
0x11a: {  	v15 =	vadd.f32 v15, v11;
	v14 =	vmul.f32 v61, v14;
	v62 =	vmul.f32 v20, v25  }
0x11b: {  	v12 =	vadd.f32 v12, v11;
	v24 =	vsub.f32 $1.500000000e+00, v24;
	v35 =	vmul.f32 v38, v35  }
0x11c: {  	v13 =	vadd.f32 v13, v8;
	v14 =	vadd.f32 v14, v9;
	v63 =	vmul.f32 v62, v20  }
0x11d: {  	v30 =	vsub.f32 v30, v31;
	v24 =	vmul.f32 v24, v28;
	v28 =	vmul.f32 v35, v56  }
0x11e: {  	v16 =	vmul.f32 v21, v16;
	v26 =	vsub.f32 v26, v31;
	[tilespmem:s12+$0xB5B0] =	vst v12;
	v21 =	vsub.f32 $1.500000000e+00, v63  }
0x11f: {  	v27 =	vsub.f32 v27, v31;
	[tilespmem:s10+$0xB570] =	vst v15;
	v40 =	vmul.f32 v24, v4;
	v28 =	vmul.f32 v28, v35  }
0x120: {  	[tilespmem:s12+$0xB580] =	vst v13;
	v13 =	vadd.f32 v16, v10;
	v16 =	vsub.f32 v19, v31;
	v20 =	vmul.f32 v21, v20  }
0x121: {  	v41 =	vmul.f32 v24, v5;
	v17 =	vmul.f32 v40, v17;
	v28 =	vsub.f32 $1.500000000e+00, v28  }
0x122: {  	v32 =	vsub.f32 v32, v36;
	v21 =	vmul.f32 v24, v6;
	v25 =	vmul.f32 v20, v25  }
0x123: {  	v29 =	vsub.f32 v29, v36;
	v24 =	vmul.f32 v24, v7;
	v28 =	vmul.f32 v28, v35  }
0x124: {  	v12 =	vsub.f32 v34, v36;
	v21 =	vmul.f32 v21, v23;
	v23 =	vmul.f32 v25, v20  }
0x125: {  	v15 =	vsub.f32 v33, v36;
	v18 =	vmul.f32 v41, v18;
	v19 =	vmul.f32 v28, v7  }
0x126: {  	[tilespmem:s12+$0xB590] =	vst v14;
	v17 =	vadd.f32 v17, v8;
	v14 =	vmul.f32 v24, v22;
	v22 =	vsub.f32 $1.500000000e+00, v23  }
0x127: {  	[tilespmem:s12+$0xB5A0] =	vst v13;
	v13 =	vadd.f32 v18, v9;
	v18 =	vmul.f32 v28, v4;
	v16 =	vmul.f32 v19, v16  }
0x128: {  	[tilespmem:s12+$0xB540] =	vst v17;
	v17 =	vadd.f32 v21, v10;
	v19 =	vmul.f32 v28, v5;
	v20 =	vmul.f32 v22, v20  }
0x129: {  	[tilespmem:s12+$0xB550] =	vst v13;
	v18 =	vmul.f32 v18, v30;
	v13 =	vadd.f32 v16, v11;
	v16 =	vmul.f32 v28, v6  }
0x12a: {  	v14 =	vadd.f32 v14, v11;
	[tilespmem:s12+$0xB560] =	vst v17;
	v17 =	vmul.f32 v19, v26;
	v19 =	vmul.f32 v20, v4  }
0x12b: {  	[tilespmem:s14+$0xB5B0] =	vst v13;
	v13 =	vadd.f32 v18, v8;
	v16 =	vmul.f32 v16, v27;
	v18 =	vmul.f32 v20, v5  }
0x12c: {  	[tilespmem:s12+$0xB570] =	vst v14;
	v14 =	vadd.f32 v17, v9;
	v17 =	vmul.f32 v20, v6;
	v19 =	vmul.f32 v19, v32  }
0x12d: {  	[tilespmem:s14+$0xB580] =	vst v13;
	v13 =	vmul.f32 v20, v7;
	v16 =	vadd.f32 v16, v10;
	v18 =	vmul.f32 v18, v29  }
0x12e: {  	[tilespmem:s14+$0xB590] =	vst v14;
	v12 =	vmul.f32 v17, v12;
	v14 =	vadd.f32 v19, v8  }
0x12f: {  	v13 =	vmul.f32 v13, v15;
	[tilespmem:s14+$0xB5A0] =	vst v16;
	v15 =	vadd.f32 v18, v9  }
0x130: {  	s15 =	smul.u32 $0x340, s8;
	v12 =	vadd.f32 v12, v10;
	[tilespmem:s14+$0xB540] =	vst v14  }
0x131: {  	v13 =	vadd.f32 v13, v11;
	[tilespmem:s14+$0xB550] =	vst v15  }
0x132: {  	s10 =	sshra.s32 s15, $0x2;
	[tilespmem:s14+$0xB560] =	vst v12  }
0x133: {  	s10 =	sadd.s32 $0x28A0, s10;
	[tilespmem:s14+$0xB570] =	vst v13  }
0x134: {  	[spmem:s3] =	stream.indirect.scatter.add.f32 [tilespmem:s2], [sflag:$0x5], $0x40, s10, s25, $0xb8;
	[tilespmem:$0x181A8] =	vst v63  }
0x135: {  	p0 =	seq.s32 s8, $0x31;
	_ =	swait.ge [sflag:s20], $0x1900  }
0x136: {  	s12 =	sadd.s32 @!p0 $0x2, s13;
	[sflag:s20] =	ssyncset.done $0x0  }
0x137: {  	s13 =	smul.u32 @!p0 $0x32, s12;
	[sflag:s20] =	ssyncadd.s32 $0xFFFFE700  }
0x138: {  	[spmem:s4] =	stream.indirect.scatter.add.f32 [tilespmem:s22], [sflag:$0x5], $0x8, s10, s25, $0xb8;
	[tilespmem:$0x181A8] =	vst v63  }
0x139: {  	s10 =	sadd.s32 @!p0 s11, s13  }
0x13a: {  	s12 =	smul.u32 @!p0 $0x1A0, s12;
	_ =	swait.ge [sflag:s20], $0x320;
	s10 =	sshll.u32 @!p0 s10, $0x4  }
0x13b: {  	s14 =	simm.s32 @!p0 $0x5140;
	[sflag:s20] =	ssyncset.done $0x0;
	s10 =	sand.u32 @!p0 $0x1FFFFFC0, s10  }
0x13c: {  	s13 =	simm.s32 @!p0 $0x0;
	[sflag:s20] =	ssyncadd.s32 $0xFFFFFCE0;
	s10 =	sadd.s32 @!p0 s6, s10  }
0x13d: {  	[tilespmem:s14], [sflag:$0x1] =	stream.linear.gather @!p0 [hbm4b:s10+s13], $0x1900, $0x38;
	[tilespmem:$0x181A8] =	vst v63  }
0x13e: {  	s10 =	sshra.s32 @!p0 s12, $0x2;
	s12 =	simm.s32 @!p0 $0x64;
	s13 =	simm.s32 @!p0 $0x8340  }
0x13f: {  	[tilespmem:s13], [sflag:$0x3] =	stream.indirect.gather @!p0 [hbm4b:s0+s12], $0x40, s10, s12, $0xb8;
	[tilespmem:$0x181A8] =	vst v63  }
0x140: {  	_ =	swait.ge [sflag:s21], $0x1900  }
0x141: {  	[sflag:s21] =	ssyncset.done $0x0  }
0x142: {  	[sflag:s21] =	ssyncadd.s32 $0xFFFFE700  }
0x143: {  	_ =	swait.ge [sflag:s23], $0x1900  }
0x144: {  	[sflag:s23] =	ssyncset.done $0x0  }
0x145: {  	s10 =	simm.s32 $0x0;
	[sflag:s23] =	ssyncadd.s32 $0xFFFFE700  }
0x146: {  	v12 =	vld [tilespmem:s10+$0x9CA0]  }
0x147: {  	v13 =	vld [tilespmem:s10+$0x9C80]  }
0x148: {  	v14 =	vld [tilespmem:s10+$0x6A80]  }
0x149: {  	v15 =	vld [tilespmem:s10+$0x9C90]  }
0x14a: {  	v16 =	vld [tilespmem:s10+$0x6A90]  }
0x14b: {  	v17 =	vld [tilespmem:s10+$0x6AA0]  }
0x14c: {  	v18 =	vld [tilespmem:s10+$0x9CB0]  }
0x14d: {  	v19 =	vld [tilespmem:s10+$0x6AB0];
	_ =	sdelay $0x1  }
0x14e: {  	v13 =	vadd.f32 v14, v13;
	v14 =	vadd.f32 v16, v15;
	_ =	sdelay $0x1  }
0x14f: {  	v12 =	vadd.f32 v17, v12;
	v15 =	vmul.f32 $9.999999770e-03, v13;
	v16 =	vmul.f32 $9.999999770e-03, v14  }
0x150: {  	v17 =	vadd.f32 v19, v18  }
0x151: {  	v22 =	vld [tilespmem:s10+$0x9C50];
	v19 =	vmul.f32 $9.999999770e-03, v12;
	v15 =	vmax.f32 v13, v15;
	v16 =	vmax.f32 v14, v16  }
0x152: {  	v18 =	vld [tilespmem:s10+$0x9C40];
	v13 =	vadd.f32 v16, v15;
	v20 =	vmul.f32 v15, v15;
	v21 =	vmul.f32 v16, v16  }
0x153: {  	v23 =	vmul.f32 $9.999999770e-03, v17;
	v14 =	vld [tilespmem:s10+$0x6A40];
	v12 =	vmax.f32 v12, v19  }
0x154: {  	v19 =	vld [tilespmem:s10+$0x6A50];
	v24 =	vadd.f32 v12, v13;
	v20 =	vadd.f32 v21, v20;
	v21 =	vmul.f32 v12, v12  }
0x155: {  	v25 =	vld [tilespmem:s10+$0x9C60];
	v13 =	vmax.f32 v17, v23  }
0x156: {  	v17 =	vld [tilespmem:s10+$0x6A60];
	v23 =	vadd.f32 v13, v24;
	v20 =	vadd.f32 v21, v20;
	v21 =	vmul.f32 v13, v13;
	_ =	sdelay $0x1  }
0x157: {  	v26 =	vld [tilespmem:s10+$0x6A70];
	v14 =	vadd.f32 v14, v18;
	v18 =	vperm.xlane v23, v0;
	v20 =	vadd.f32 v21, v20  }
0x158: {  	v24 =	vld [tilespmem:s10+$0x9C70];
	v19 =	vadd.f32 v19, v22  }
0x159: {  	v21 =	vmul.f32 $9.999999770e-03, v14;
	v18 =	vadd.f32 v23, v18;
	v22 =	vperm.xlane v20, v0  }
0x15a: {  	v17 =	vadd.f32 v17, v25;
	v23 =	vmul.f32 $9.999999770e-03, v19  }
0x15b: {  	v21 =	vmax.f32 v14, v21;
	v14 =	vperm.xlane v18, v1;
	v20 =	vadd.f32 v22, v20  }
0x15c: {  	v25 =	vmul.f32 v21, v21;
	v19 =	vmax.f32 v19, v23;
	v22 =	vmul.f32 $9.999999770e-03, v17  }
0x15d: {  	v23 =	vadd.f32 v26, v24;
	v18 =	vadd.f32 v18, v14;
	v14 =	vperm.xlane v20, v1  }
0x15e: {  	v24 =	vadd.f32 v19, v21;
	v22 =	vmax.f32 v17, v22;
	v17 =	vmul.f32 v19, v19  }
0x15f: {  	v26 =	vmul.f32 $9.999999770e-03, v23;
	v27 =	vperm.xlane v18, v2;
	v20 =	vadd.f32 v14, v20  }
0x160: {  	v24 =	vadd.f32 v22, v24;
	v17 =	vadd.f32 v17, v25;
	v25 =	vmul.f32 v22, v22  }
0x161: {  	v14 =	vmax.f32 v23, v26;
	v18 =	vadd.f32 v18, v27;
	v23 =	vperm.xlane v20, v2  }
0x162: {  	v24 =	vadd.f32 v14, v24;
	v17 =	vadd.f32 v25, v17;
	v25 =	vmul.f32 v14, v14  }
0x163: {  	v26 =	vperm.xlane v18, v3;
	v20 =	vadd.f32 v23, v20  }
0x164: {  	v23 =	vperm.xlane v24, v0;
	v17 =	vadd.f32 v25, v17  }
0x165: {  	v18 =	vadd.f32 v18, v26;
	v25 =	vperm.xlane v20, v3  }
0x166: {  	v23 =	vadd.f32 v24, v23;
	v24 =	vperm.xlane v17, v0  }
0x167: {  	v18 =	vmul.f32 $1.562500000e-02, v18;
	v20 =	vadd.f32 v25, v20  }
0x168: {  	v25 =	vperm.xlane v23, v1;
	v17 =	vadd.f32 v24, v17  }
0x169: {  	v20 =	vmul.f32 $1.562500000e-02, v20;
	v24 =	vmul.f32 v18, v18  }
0x16a: {  	v23 =	vadd.f32 v23, v25;
	v25 =	vperm.xlane v17, v1  }
0x16b: {  	v20 =	vsub.f32 v20, v24  }
0x16c: {  	v24 =	vperm.xlane v23, v2;
	v17 =	vadd.f32 v25, v17  }
0x16d: {  	s12 =	simm.s32 $0x80;
	v20 =	vadd.f32 $9.999999740e-06, v20  }
0x16e: {  	v28 =	vld [tilespmem:s12+$0x9CA0];
	v23 =	vadd.f32 v23, v24;
	v24 =	vperm.xlane v17, v2  }
0x16f: {  	v29 =	vld [tilespmem:s12+$0x9C80];
	v25 =	vmul.f32 $5.000000000e-01, v20;
	v20 =	vshrl.u32 v20, $0x1  }
0x170: {  	v30 =	vld [tilespmem:s12+$0x6A80];
	v26 =	vperm.xlane v23, v3;
	v17 =	vadd.f32 v24, v17;
	v20 =	vsub.s32 $0x5F3759DF, v20  }
0x171: {  	v31 =	vld [tilespmem:s12+$0x9C90];
	v24 =	vmul.f32 v20, v25  }
0x172: {  	v42 =	vld [tilespmem:s12+$0x6A90];
	v23 =	vadd.f32 v23, v26;
	v26 =	vperm.xlane v17, v3  }
0x173: {  	v33 =	vsub.f32 v15, v18;
	v15 =	vld [tilespmem:s12+$0x6AA0];
	v24 =	vmul.f32 v20, v24  }
0x174: {  	v23 =	vmul.f32 $1.562500000e-02, v23;
	v17 =	vadd.f32 v26, v17  }
0x175: {  	v24 =	vsub.f32 $1.500000000e+00, v24  }
0x176: {  	v29 =	vadd.f32 v30, v29;
	v17 =	vmul.f32 $1.562500000e-02, v17;
	v26 =	vmul.f32 v23, v23  }
0x177: {  	v31 =	vadd.f32 v42, v31;
	v20 =	vmul.f32 v20, v24  }
0x178: {  	v15 =	vadd.f32 v15, v28;
	v28 =	vmul.f32 $9.999999770e-03, v29;
	v24 =	vsub.f32 v17, v26  }
0x179: {  	v47 =	vmul.f32 $9.999999770e-03, v31;
	v26 =	vsub.f32 v21, v23;
	v21 =	vld [tilespmem:s12+$0x6AB0];
	v43 =	vmul.f32 v20, v25  }
0x17a: {  	v28 =	vmax.f32 v29, v28;
	v17 =	vsub.f32 v12, v18;
	v12 =	vadd.f32 $9.999999740e-06, v24;
	v24 =	vld [tilespmem:s12+$0x9CB0]  }
0x17b: {  	v29 =	vmax.f32 v31, v47;
	v27 =	vsub.f32 v19, v23;
	v19 =	vmul.f32 v43, v20  }
0x17c: {  	v16 =	vsub.f32 v16, v18;
	v31 =	vadd.f32 v29, v28  }
0x17d: {  	v46 =	vld [tilespmem:s12+$0x6A40];
	v34 =	vmul.f32 $5.000000000e-01, v12;
	v12 =	vshrl.u32 v12, $0x1;
	v44 =	vsub.f32 $1.500000000e+00, v19  }
0x17e: {  	v50 =	vmul.f32 v28, v28;
	v51 =	vmul.f32 v29, v29;
	v30 =	vsub.s32 $0x5F3759DF, v12;
	v12 =	vld [tilespmem:s12+$0x9C40]  }
0x17f: {  	v49 =	vld [tilespmem:s12+$0x6A50];
	v21 =	vadd.f32 v21, v24;
	v24 =	vmul.f32 $9.999999770e-03, v15;
	v20 =	vmul.f32 v44, v20  }
0x180: {  	v37 =	vadd.f32 v51, v50;
	v19 =	vsub.f32 v22, v23;
	v22 =	vld [tilespmem:s12+$0x9C50]  }
0x181: {  	v53 =	vmul.f32 $9.999999770e-03, v21;
	v24 =	vmax.f32 v15, v24;
	v25 =	vmul.f32 v20, v25  }
0x182: {  	v52 =	vld [tilespmem:s12+$0x9C60];
	v45 =	vmul.f32 v30, v34;
	v31 =	vadd.f32 v24, v31;
	v54 =	vmul.f32 v24, v24  }
0x183: {  	v36 =	vadd.f32 v46, v12;
	v12 =	vmax.f32 v21, v53;
	v15 =	vmul.f32 v25, v20;
	v25 =	vld [tilespmem:s12+$0x6A60]  }
0x184: {  	v55 =	vld [tilespmem:s12+$0x9C70];
	v13 =	vsub.f32 v13, v18;
	v48 =	vmul.f32 v30, v45;
	v31 =	vadd.f32 v12, v31  }
0x185: {  	v21 =	vadd.f32 v49, v22;
	v22 =	vld [tilespmem:s12+$0x6A70];
	v56 =	vadd.f32 v54, v37;
	v57 =	vmul.f32 v12, v12  }
0x186: {  	v32 =	vsub.f32 $1.500000000e+00, v48;
	v15 =	vsub.f32 $1.500000000e+00, v15;
	v60 =	vperm.xlane v31, v0  }
0x187: {  	v58 =	vmul.f32 $9.999999770e-03, v36;
	v59 =	vmul.f32 $9.999999770e-03, v21;
	v35 =	vadd.f32 v57, v56  }
0x188: {  	v61 =	vmul.f32 v15, v20;
	v20 =	vadd.f32 v31, v60;
	v15 =	vadd.f32 v25, v52  }
0x189: {  	v25 =	vmax.f32 v36, v58;
	v36 =	vmax.f32 v21, v59;
	v21 =	vperm.xlane v35, v0  }
0x18a: {  	v22 =	vadd.f32 v22, v55;
	v38 =	vadd.f32 v36, v25;
	v31 =	vmul.f32 $9.999999770e-03, v15  }
0x18b: {  	v62 =	vmul.f32 v25, v25;
	v63 =	vperm.xlane v20, v1;
	v21 =	vadd.f32 v21, v35  }
0x18c: {  	v44 =	vmax.f32 v15, v31;
	v15 =	vmul.f32 $9.999999770e-03, v22;
	v31 =	vmul.f32 v36, v36  }
0x18d: {  	v20 =	vadd.f32 v20, v63;
	v45 =	vperm.xlane v21, v1;
	v38 =	vadd.f32 v44, v38  }
0x18e: {  	v22 =	vmax.f32 v22, v15;
	v15 =	vadd.f32 v31, v62;
	v31 =	vmul.f32 v44, v44  }
0x18f: {  	v30 =	vmul.f32 v30, v32;
	v46 =	vperm.xlane v20, v2;
	v21 =	vadd.f32 v45, v21  }
0x190: {  	v38 =	vadd.f32 v22, v38;
	v15 =	vadd.f32 v31, v15;
	v31 =	vmul.f32 v22, v22  }
0x191: {  	v48 =	vmul.f32 v61, v7;
	v18 =	vadd.f32 v20, v46;
	v20 =	vperm.xlane v21, v2  }
0x192: {  	v47 =	vperm.xlane v38, v0;
	v15 =	vadd.f32 v31, v15;
	v31 =	vmul.f32 v30, v34  }
0x193: {  	v54 =	vmul.f32 v61, v5;
	v49 =	vperm.xlane v18, v3;
	v21 =	vadd.f32 v20, v21  }
0x194: {  	v32 =	vadd.f32 v38, v47;
	v20 =	vperm.xlane v15, v0;
	v31 =	vmul.f32 v31, v30  }
0x195: {  	v13 =	vmul.f32 v48, v13;
	v18 =	vadd.f32 v18, v49;
	v50 =	vperm.xlane v21, v3  }
0x196: {  	v51 =	vperm.xlane v32, v1;
	v52 =	vadd.f32 v20, v15;
	v15 =	vsub.f32 $1.500000000e+00, v31  }
0x197: {  	v58 =	vmul.f32 v54, v16;
	v20 =	vmul.f32 $1.562500000e-02, v18;
	v18 =	vadd.f32 v50, v21  }
0x198: {  	v21 =	vadd.f32 v32, v51;
	v53 =	vperm.xlane v52, v1;
	v30 =	vmul.f32 v15, v30  }
0x199: {  	v15 =	vsub.f32 v14, v23;
	v14 =	vmul.f32 $1.562500000e-02, v18;
	v18 =	vmul.f32 v20, v20  }
0x19a: {  	v31 =	vmul.f32 v61, v4;
	v23 =	vadd.f32 v13, v11;
	v39 =	vperm.xlane v21, v2  }
0x19b: {  	v32 =	vadd.f32 v53, v52;
	v34 =	vmul.f32 v30, v34;
	v14 =	vsub.f32 v14, v18  }
0x19c: {  	v13 =	vsub.f32 v28, v20;
	v18 =	vmul.f32 v61, v6;
	v28 =	vadd.f32 v21, v39  }
0x19d: {  	v21 =	vperm.xlane v32, v2;
	v34 =	vmul.f32 v34, v30;
	v55 =	vadd.f32 $9.999999740e-06, v14  }
0x19e: {  	v14 =	vsub.f32 v29, v20;
	v29 =	vmul.f32 v31, v33;
	v31 =	vperm.xlane v28, v3  }
0x19f: {  	v32 =	vadd.f32 v21, v32;
	v21 =	vmul.f32 $5.000000000e-01, v55;
	v57 =	vshrl.u32 v55, $0x1  }
0x1a0: {  	v56 =	vsub.f32 $1.500000000e+00, v34;
	v28 =	vadd.f32 v28, v31;
	v59 =	vsub.s32 $0x5F3759DF, v57  }
0x1a1: {  	v16 =	vsub.f32 v24, v20;
	[tilespmem:s10+$0xB5B0] =	vst v23;
	v31 =	vperm.xlane v32, v3;
	v23 =	vmul.f32 v59, v21  }
0x1a2: {  	v29 =	vadd.f32 v29, v8;
	v24 =	vmul.f32 v56, v30;
	v28 =	vmul.f32 $1.562500000e-02, v28  }
0x1a3: {  	v30 =	vadd.f32 v31, v32;
	v31 =	vmul.f32 v18, v17;
	v18 =	vmul.f32 v59, v23  }
0x1a4: {  	s13 =	simm.s32 $0x100;
	[tilespmem:s10+$0xB580] =	vst v29;
	v60 =	vmul.f32 v24, v4;
	v23 =	vadd.f32 v58, v9;
	v63 =	vmul.f32 v24, v5  }
0x1a5: {  	v29 =	vld [tilespmem:s13+$0x9CA0];
	v62 =	vmul.f32 v28, v28;
	v61 =	vmul.f32 $1.562500000e-02, v30  }
0x1a6: {  	v34 =	vmul.f32 v24, v6;
	v17 =	vsub.f32 v25, v28;
	v30 =	vld [tilespmem:s13+$0x9C80];
	v25 =	vsub.f32 $1.500000000e+00, v18;
	[tilespmem:s10+$0xB590] =	vst v23  }
0x1a7: {  	v24 =	vmul.f32 v24, v7;
	v22 =	vsub.f32 v22, v28;
	v32 =	vld [tilespmem:s13+$0x6A80];
	v37 =	vsub.f32 v61, v62  }
0x1a8: {  	v18 =	vsub.f32 v36, v28;
	v23 =	vsub.f32 v44, v28;
	v33 =	vld [tilespmem:s13+$0x9C90];
	v25 =	vmul.f32 v59, v25  }
0x1a9: {  	s14 =	simm.s32 $0x600;
	v36 =	vmul.f32 v60, v26;
	v26 =	vmul.f32 v63, v27;
	v35 =	vld [tilespmem:s13+$0x6A90];
	v28 =	vadd.f32 $9.999999740e-06, v37  }
.LBB2_5:
0x1aa: {  	p0 =	sne.s32 s14, $0x6200;
	v27 =	vld [tilespmem:s13+$0x6AA0];
	v37 =	vmul.f32 v25, v21;
	v34 =	vmul.f32 v34, v19;
	v31 =	vadd.f32 v31, v10;
	v19 =	vmovc v23  }
0x1ab: {  	v24 =	vmul.f32 v24, v15;
	v15 =	vmovc v22;
	v38 =	vld [tilespmem:s13+$0x9CB0];
	v23 =	vmul.f32 $5.000000000e-01, v28;
	v28 =	vshrl.u32 v28, $0x1  }
0x1ac: {  	v36 =	vadd.f32 v36, v8;
	v22 =	vld [tilespmem:s13+$0x6AB0];
	v28 =	vsub.s32 $0x5F3759DF, v28;
	v37 =	vmul.f32 v37, v25;
	[tilespmem:s10+$0xB5A0] =	vst v31  }
0x1ad: {  	v26 =	vadd.f32 v26, v9;
	v30 =	vadd.f32 v32, v30;
	v31 =	vld [tilespmem:s13+$0x9C40];
	v32 =	vmul.f32 v28, v23  }
0x1ae: {  	v39 =	vld [tilespmem:s13+$0x6A40];
	v33 =	vadd.f32 v35, v33;
	v35 =	vsub.f32 $1.500000000e+00, v37;
	[tilespmem:s10+$0xB540] =	vst v36  }
0x1af: {  	v36 =	vld [tilespmem:s13+$0x9C50];
	v27 =	vadd.f32 v27, v29;
	v29 =	vmul.f32 $9.999999770e-03, v30;
	v32 =	vmul.f32 v28, v32;
	[tilespmem:s10+$0xB550] =	vst v26  }
0x1b0: {  	v34 =	vadd.f32 v34, v10;
	v26 =	vld [tilespmem:s13+$0x6A50];
	v37 =	vmul.f32 $9.999999770e-03, v33;
	v25 =	vmul.f32 v35, v25  }
0x1b1: {  	v35 =	vld [tilespmem:s13+$0x9C60];
	v22 =	vadd.f32 v22, v38;
	v38 =	vmul.f32 $9.999999770e-03, v27;
	v32 =	vsub.f32 $1.500000000e+00, v32  }
0x1b2: {  	v29 =	vmax.f32 v30, v29;
	v40 =	vld [tilespmem:s13+$0x6A60];
	v30 =	vmax.f32 v33, v37;
	v21 =	vmul.f32 v25, v21;
	[tilespmem:s10+$0xB560] =	vst v34  }
0x1b3: {  	v41 =	vmul.f32 v29, v29;
	v33 =	vld [tilespmem:s13+$0x9C70];
	v34 =	vmul.f32 $9.999999770e-03, v22;
	v37 =	vadd.f32 v30, v29  }
0x1b4: {  	v27 =	vmax.f32 v27, v38;
	v38 =	vmul.f32 v30, v30;
	v42 =	vld [tilespmem:s13+$0x6A70];
	v21 =	vmul.f32 v21, v25  }
0x1b5: {  	v31 =	vadd.f32 v39, v31;
	v22 =	vmax.f32 v22, v34;
	v34 =	vadd.f32 v27, v37  }
0x1b6: {  	v37 =	vadd.f32 v38, v41;
	v38 =	vmul.f32 v27, v27;
	v21 =	vsub.f32 $1.500000000e+00, v21  }
0x1b7: {  	v26 =	vadd.f32 v26, v36;
	v36 =	vmul.f32 $9.999999770e-03, v31;
	v34 =	vadd.f32 v22, v34  }
0x1b8: {  	v37 =	vadd.f32 v38, v37;
	v38 =	vmul.f32 v22, v22;
	v21 =	vmul.f32 v21, v25  }
0x1b9: {  	v25 =	vadd.f32 v40, v35;
	v35 =	vmul.f32 $9.999999770e-03, v26;
	v39 =	vperm.xlane v34, v0  }
0x1ba: {  	v20 =	vsub.f32 v12, v20;
	v12 =	vmovc v22;
	v37 =	vadd.f32 v38, v37;
	v38 =	vmul.f32 v21, v7  }
0x1bb: {  	v36 =	vmax.f32 v31, v36;
	v22 =	vmax.f32 v26, v35;
	v26 =	vmul.f32 $9.999999770e-03, v25  }
0x1bc: {  	v31 =	vadd.f32 v34, v39;
	v34 =	vperm.xlane v37, v0;
	v20 =	vmul.f32 v38, v20  }
0x1bd: {  	v33 =	vadd.f32 v42, v33;
	v35 =	vadd.f32 v22, v36;
	v38 =	vmul.f32 v36, v36  }
0x1be: {  	v39 =	vperm.xlane v31, v1;
	v34 =	vadd.f32 v34, v37;
	v20 =	vadd.f32 v20, v11  }
0x1bf: {  	v25 =	vmax.f32 v25, v26;
	v26 =	vmul.f32 $9.999999770e-03, v33;
	v37 =	vmul.f32 v22, v22  }
0x1c0: {  	v35 =	vadd.f32 v25, v35;
	v31 =	vadd.f32 v31, v39;
	v39 =	vperm.xlane v34, v1;
	[tilespmem:s12+$0xB5B0] =	vst v20  }
0x1c1: {  	v26 =	vmax.f32 v33, v26;
	v33 =	vmul.f32 v25, v25;
	v20 =	vadd.f32 v37, v38  }
0x1c2: {  	v35 =	vadd.f32 v26, v35;
	v37 =	vperm.xlane v31, v2;
	v34 =	vadd.f32 v39, v34  }
0x1c3: {  	v28 =	vmul.f32 v28, v32;
	v20 =	vadd.f32 v33, v20;
	v33 =	vmul.f32 v26, v26  }
0x1c4: {  	v32 =	vperm.xlane v35, v0;
	v31 =	vadd.f32 v31, v37;
	v37 =	vperm.xlane v34, v2  }
0x1c5: {  	v38 =	vmul.f32 v21, v4;
	v20 =	vadd.f32 v33, v20;
	v33 =	vmul.f32 v28, v23  }
0x1c6: {  	v32 =	vadd.f32 v35, v32;
	v35 =	vperm.xlane v31, v3;
	v34 =	vadd.f32 v37, v34  }
0x1c7: {  	v24 =	vadd.f32 v24, v11;
	v37 =	vperm.xlane v20, v0;
	v33 =	vmul.f32 v33, v28  }
0x1c8: {  	v39 =	vperm.xlane v32, v1;
	v31 =	vadd.f32 v31, v35;
	v35 =	vperm.xlane v34, v3  }
0x1c9: {  	v40 =	vmul.f32 v21, v5;
	v37 =	vadd.f32 v37, v20;
	v33 =	vsub.f32 $1.500000000e+00, v33;
	[tilespmem:s10+$0xB570] =	vst v24;
	s10 =	smov.u32 s12;
	s12 =	smov.u32 s13  }
0x1ca: {  	v24 =	vadd.f32 v32, v39;
	v20 =	vmul.f32 $1.562500000e-02, v31;
	v31 =	vadd.f32 v35, v34  }
0x1cb: {  	v32 =	vperm.xlane v37, v1;
	v28 =	vmul.f32 v33, v28  }
0x1cc: {  	v31 =	vmul.f32 $1.562500000e-02, v31;
	v33 =	vmul.f32 v20, v20;
	v29 =	vsub.f32 v29, v20  }
0x1cd: {  	v34 =	vperm.xlane v24, v2;
	v32 =	vadd.f32 v32, v37;
	v23 =	vmul.f32 v28, v23  }
0x1ce: {  	v30 =	vsub.f32 v30, v20;
	v31 =	vsub.f32 v31, v33;
	v33 =	vmul.f32 v21, v6  }
0x1cf: {  	v24 =	vadd.f32 v24, v34;
	v21 =	vperm.xlane v32, v2;
	v23 =	vmul.f32 v23, v28  }
0x1d0: {  	v27 =	vsub.f32 v27, v20;
	v34 =	vmul.f32 v38, v13;
	v13 =	vmovc v29;
	v31 =	vadd.f32 $9.999999740e-06, v31  }
0x1d1: {  	v29 =	vperm.xlane v24, v3;
	v32 =	vadd.f32 v21, v32;
	v23 =	vsub.f32 $1.500000000e+00, v23  }
0x1d2: {  	v35 =	vmul.f32 v40, v14;
	v14 =	vmovc v30;
	v21 =	vmul.f32 $5.000000000e-01, v31;
	v31 =	vshrl.u32 v31, $0x1  }
0x1d3: {  	v24 =	vadd.f32 v24, v29;
	v29 =	vperm.xlane v32, v3;
	v37 =	vsub.s32 $0x5F3759DF, v31  }
0x1d4: {  	v23 =	vmul.f32 v23, v28;
	v28 =	vadd.f32 v34, v8;
	v30 =	vmul.f32 v37, v21  }
0x1d5: {  	v31 =	vmul.f32 v33, v16;
	v16 =	vmovc v27;
	v38 =	vmul.f32 $1.562500000e-02, v24;
	v24 =	vadd.f32 v29, v32  }
0x1d6: {  	s13 =	sshra.s32 s14, $0x2;
	v39 =	vmul.f32 v23, v4;
	v27 =	vmul.f32 v37, v30;
	[tilespmem:s10+$0xB580] =	vst v28;
	v28 =	vadd.f32 v35, v9  }
.Ltmp1:
0x1d7: {  	v33 =	vmul.f32 v38, v38;
	v40 =	vsub.f32 v36, v38;
	v24 =	vmul.f32 $1.562500000e-02, v24;
	v29 =	vld [tilespmem:s13+$0x9CA0];
	(pc) =	sbr.rel @p0 .LBB2_5-.Ltmp1, $4  }
0x1d8: {  	v41 =	vmul.f32 v23, v5;
	v34 =	vmul.f32 v23, v6;
	v27 =	vsub.f32 $1.500000000e+00, v27;
	v30 =	vld [tilespmem:s13+$0x9C80];
	[tilespmem:s10+$0xB590] =	vst v28  }
0x1d9: {  	v42 =	vsub.f32 v22, v38;
	v28 =	vsub.f32 v24, v33;
	v24 =	vmul.f32 v23, v7;
	v32 =	vld [tilespmem:s13+$0x6A80]  }
0x1da: {  	v22 =	vsub.f32 v26, v38;
	v23 =	vsub.f32 v25, v38;
	v25 =	vmul.f32 v37, v27;
	v33 =	vld [tilespmem:s13+$0x9C90]  }
0x1db: {  	s14 =	sadd.s32 $0x200, s14;
	v36 =	vmul.f32 v39, v17;
	v26 =	vmul.f32 v41, v18;
	v17 =	vmovc v40;
	v18 =	vmovc v42;
	v28 =	vadd.f32 $9.999999740e-06, v28;
	v35 =	vld [tilespmem:s13+$0x6A90]  }
0x1dc: {  	v27 =	vld [tilespmem:s13+$0x6AA0];
	v31 =	vadd.f32 v31, v10  }
0x1dd: {  	v37 =	vld [tilespmem:s13+$0x9CB0]  }
0x1de: {  	v38 =	vld [tilespmem:s13+$0x6AB0];
	v60 =	vadd.f32 v36, v8;
	[tilespmem:s10+$0xB5A0] =	vst v31  }
0x1df: {  	v26 =	vadd.f32 v26, v9;
	v61 =	vld [tilespmem:s13+$0x9C40]  }
0x1e0: {  	v19 =	vmul.f32 v34, v19;
	v39 =	vld [tilespmem:s13+$0x6A40];
	[tilespmem:s10+$0xB540] =	vst v60  }
0x1e1: {  	v30 =	vadd.f32 v32, v30;
	v63 =	vld [tilespmem:s13+$0x9C50];
	[tilespmem:s10+$0xB550] =	vst v26  }
0x1e2: {  	v19 =	vadd.f32 v19, v10;
	v62 =	vadd.f32 v35, v33;
	v45 =	vld [tilespmem:s13+$0x6A50]  }
0x1e3: {  	v44 =	vmul.f32 $9.999999770e-03, v30;
	v46 =	vld [tilespmem:s13+$0x9C60]  }
0x1e4: {  	v27 =	vadd.f32 v27, v29;
	v47 =	vadd.f32 v38, v37;
	v49 =	vld [tilespmem:s13+$0x6A60];
	[tilespmem:s10+$0xB560] =	vst v19;
	v33 =	vmul.f32 $9.999999770e-03, v62  }
0x1e5: {  	v30 =	vmax.f32 v30, v44;
	v51 =	vld [tilespmem:s13+$0x9C70]  }
0x1e6: {  	v41 =	vld [tilespmem:s13+$0x6A70];
	v48 =	vmul.f32 $9.999999770e-03, v27;
	v50 =	vmul.f32 $9.999999770e-03, v47;
	v26 =	vmax.f32 v62, v33  }
0x1e7: {  	v40 =	vmul.f32 v30, v30;
	v36 =	vadd.f32 v39, v61;
	v31 =	vadd.f32 v26, v30  }
0x1e8: {  	v27 =	vmax.f32 v27, v48;
	v52 =	vmul.f32 v26, v26;
	v19 =	vmax.f32 v47, v50  }
0x1e9: {  	v54 =	vmul.f32 v27, v27;
	v29 =	vadd.f32 v45, v63;
	v55 =	vmul.f32 $9.999999770e-03, v36  }
0x1ea: {  	v34 =	vadd.f32 v49, v46;
	v57 =	vmul.f32 v19, v19;
	v31 =	vadd.f32 v27, v31  }
0x1eb: {  	v53 =	vadd.f32 v52, v40;
	v33 =	vadd.f32 v41, v51;
	v56 =	vmul.f32 $9.999999770e-03, v29  }
0x1ec: {  	v32 =	vmax.f32 v36, v55;
	v59 =	vmul.f32 $9.999999770e-03, v34;
	v31 =	vadd.f32 v19, v31  }
0x1ed: {  	v35 =	vadd.f32 v54, v53;
	v60 =	vmul.f32 v32, v32;
	v29 =	vmax.f32 v29, v56  }
0x1ee: {  	v62 =	vmul.f32 $9.999999770e-03, v33;
	v37 =	vadd.f32 v29, v32;
	v61 =	vmul.f32 v29, v29  }
0x1ef: {  	v34 =	vmax.f32 v34, v59;
	v58 =	vperm.xlane v31, v0;
	v35 =	vadd.f32 v57, v35  }
0x1f0: {  	v44 =	vmul.f32 v34, v34;
	v37 =	vadd.f32 v34, v37;
	v63 =	vadd.f32 v61, v60  }
0x1f1: {  	v33 =	vmax.f32 v33, v62;
	v31 =	vadd.f32 v31, v58;
	v45 =	vperm.xlane v35, v0  }
0x1f2: {  	v47 =	vmul.f32 v33, v33;
	v36 =	vadd.f32 v33, v37;
	v46 =	vadd.f32 v44, v63  }
0x1f3: {  	v48 =	vperm.xlane v31, v1;
	v35 =	vadd.f32 v45, v35  }
0x1f4: {  	v49 =	vperm.xlane v36, v0;
	v37 =	vadd.f32 v47, v46  }
0x1f5: {  	v31 =	vadd.f32 v31, v48;
	v50 =	vperm.xlane v35, v1  }
0x1f6: {  	v36 =	vadd.f32 v36, v49;
	v51 =	vperm.xlane v37, v0  }
0x1f7: {  	v40 =	vperm.xlane v31, v2;
	v35 =	vadd.f32 v50, v35  }
0x1f8: {  	v52 =	vperm.xlane v36, v1;
	v37 =	vadd.f32 v51, v37  }
0x1f9: {  	v31 =	vadd.f32 v31, v40;
	v53 =	vperm.xlane v35, v2  }
0x1fa: {  	v36 =	vadd.f32 v36, v52;
	v54 =	vperm.xlane v37, v1  }
0x1fb: {  	v40 =	vperm.xlane v31, v3;
	v35 =	vadd.f32 v53, v35  }
0x1fc: {  	v55 =	vperm.xlane v36, v2;
	v37 =	vadd.f32 v54, v37  }
0x1fd: {  	v56 =	vmul.f32 v25, v21;
	v31 =	vadd.f32 v31, v40;
	v57 =	vperm.xlane v35, v3  }
0x1fe: {  	v36 =	vadd.f32 v36, v55;
	v59 =	vperm.xlane v37, v2  }
0x1ff: {  	v38 =	vmul.f32 v56, v25;
	v31 =	vmul.f32 $1.562500000e-02, v31;
	v35 =	vadd.f32 v57, v35  }
0x200: {  	v58 =	vmul.f32 $5.000000000e-01, v28;
	v61 =	vperm.xlane v36, v3;
	v37 =	vadd.f32 v59, v37  }
0x201: {  	v60 =	vshrl.u32 v28, $0x1;
	v35 =	vmul.f32 $1.562500000e-02, v35;
	v62 =	vmul.f32 v31, v31  }
0x202: {  	v28 =	vsub.s32 $0x5F3759DF, v60;
	v36 =	vadd.f32 v36, v61;
	v63 =	vperm.xlane v37, v3  }
0x203: {  	v38 =	vsub.f32 $1.500000000e+00, v38;
	v42 =	vmul.f32 v28, v58;
	v35 =	vsub.f32 v35, v62  }
0x204: {  	v36 =	vmul.f32 $1.562500000e-02, v36;
	v37 =	vadd.f32 v63, v37  }
0x205: {  	v44 =	vmul.f32 v38, v25;
	v45 =	vmul.f32 v28, v42;
	v35 =	vadd.f32 $9.999999740e-06, v35  }
0x206: {  	v37 =	vmul.f32 $1.562500000e-02, v37;
	v47 =	vmul.f32 v36, v36  }
0x207: {  	v46 =	vmul.f32 v44, v21;
	v48 =	vmul.f32 $5.000000000e-01, v35;
	v35 =	vshrl.u32 v35, $0x1  }
0x208: {  	v38 =	vsub.f32 $1.500000000e+00, v45;
	v35 =	vsub.s32 $0x5F3759DF, v35;
	v37 =	vsub.f32 v37, v47  }
0x209: {  	v21 =	vmul.f32 v46, v44;
	v49 =	vmul.f32 v35, v48  }
0x20a: {  	v28 =	vmul.f32 v28, v38;
	v37 =	vadd.f32 $9.999999740e-06, v37  }
0x20b: {  	v21 =	vsub.f32 $1.500000000e+00, v21;
	v38 =	vmul.f32 v35, v49  }
0x20c: {  	v50 =	vmul.f32 v28, v58;
	v51 =	vmul.f32 $5.000000000e-01, v37;
	v37 =	vshrl.u32 v37, $0x1  }
0x20d: {  	v21 =	vmul.f32 v21, v44;
	v38 =	vsub.f32 $1.500000000e+00, v38;
	v37 =	vsub.s32 $0x5F3759DF, v37  }
0x20e: {  	v39 =	vmul.f32 v50, v28;
	v53 =	vmul.f32 v37, v51  }
0x20f: {  	v15 =	vmul.f32 v24, v15;
	v35 =	vmul.f32 v35, v38  }
0x210: {  	v52 =	vmul.f32 v21, v7;
	v39 =	vsub.f32 $1.500000000e+00, v39;
	v54 =	vmul.f32 v37, v53  }
0x211: {  	v12 =	vsub.f32 v12, v20;
	v56 =	vmul.f32 v21, v4;
	v38 =	vmul.f32 v35, v48  }
0x212: {  	v57 =	vmul.f32 v21, v5;
	v28 =	vmul.f32 v39, v28;
	v20 =	vsub.f32 $1.500000000e+00, v54  }
0x213: {  	v21 =	vmul.f32 v21, v6;
	v38 =	vmul.f32 v38, v35  }
0x214: {  	v15 =	vadd.f32 v15, v11;
	v55 =	vmul.f32 v28, v58;
	v20 =	vmul.f32 v37, v20  }
0x215: {  	v12 =	vmul.f32 v52, v12;
	v13 =	vmul.f32 v56, v13;
	v38 =	vsub.f32 $1.500000000e+00, v38  }
0x216: {  	v30 =	vsub.f32 v30, v31;
	v24 =	vmul.f32 v55, v28;
	v58 =	vmul.f32 v20, v51  }
0x217: {  	v26 =	vsub.f32 v26, v31;
	v14 =	vmul.f32 v57, v14;
	v35 =	vmul.f32 v38, v35  }
0x218: {  	v27 =	vsub.f32 v27, v31;
	v24 =	vsub.f32 $1.500000000e+00, v24;
	v59 =	vmul.f32 v58, v20  }
0x219: {  	v16 =	vmul.f32 v21, v16;
	v45 =	vsub.f32 v19, v31;
	v60 =	vmul.f32 v35, v48  }
0x21a: {  	v12 =	vadd.f32 v12, v11;
	v24 =	vmul.f32 v24, v28;
	v61 =	vsub.f32 $1.500000000e+00, v59  }
0x21b: {  	v13 =	vadd.f32 v13, v8;
	v14 =	vadd.f32 v14, v9;
	v28 =	vmul.f32 v60, v35  }
0x21c: {  	v44 =	vadd.f32 v16, v10;
	v62 =	vmul.f32 v24, v4;
	v20 =	vmul.f32 v61, v20  }
0x21d: {  	v63 =	vmul.f32 v24, v5;
	v40 =	vmul.f32 v24, v6;
	v28 =	vsub.f32 $1.500000000e+00, v28  }
0x21e: {  	v32 =	vsub.f32 v32, v36;
	v24 =	vmul.f32 v24, v7;
	v25 =	vmul.f32 v20, v51  }
0x21f: {  	[tilespmem:s12+$0xB5B0] =	vst v12;
	v29 =	vsub.f32 v29, v36;
	v17 =	vmul.f32 v62, v17;
	v28 =	vmul.f32 v28, v35  }
0x220: {  	[tilespmem:s10+$0xB570] =	vst v15;
	v41 =	vsub.f32 v34, v36;
	v18 =	vmul.f32 v63, v18;
	v43 =	vmul.f32 v25, v20  }
0x221: {  	[tilespmem:s12+$0xB580] =	vst v13;
	v42 =	vsub.f32 v33, v36;
	v21 =	vmul.f32 v40, v23;
	v46 =	vmul.f32 v28, v7  }
0x222: {  	[tilespmem:s12+$0xB590] =	vst v14;
	v47 =	vmul.f32 v24, v22;
	v17 =	vadd.f32 v17, v8;
	v48 =	vsub.f32 $1.500000000e+00, v43  }
0x223: {  	[tilespmem:s12+$0xB5A0] =	vst v44;
	v49 =	vadd.f32 v18, v9;
	v50 =	vmul.f32 v28, v4;
	v16 =	vmul.f32 v46, v45  }
0x224: {  	[tilespmem:s12+$0xB540] =	vst v17;
	v51 =	vadd.f32 v21, v10;
	v52 =	vmul.f32 v28, v5;
	v20 =	vmul.f32 v48, v20  }
0x225: {  	[tilespmem:s12+$0xB550] =	vst v49;
	v54 =	vmul.f32 v28, v6;
	v18 =	vmul.f32 v50, v30;
	v53 =	vadd.f32 v16, v11  }
0x226: {  	v14 =	vadd.f32 v47, v11;
	[tilespmem:s12+$0xB560] =	vst v51;
	v55 =	vmul.f32 v52, v26;
	v56 =	vmul.f32 v20, v4  }
0x227: {  	v57 =	vadd.f32 v18, v8;
	v16 =	vmul.f32 v54, v27;
	[tilespmem:s13+$0xB5B0] =	vst v53;
	v58 =	vmul.f32 v20, v5  }
0x228: {  	v59 =	vadd.f32 v55, v9;
	v60 =	vmul.f32 v20, v6;
	[tilespmem:s12+$0xB570] =	vst v14;
	v19 =	vmul.f32 v56, v32  }
0x229: {  	v61 =	vmul.f32 v20, v7;
	v16 =	vadd.f32 v16, v10;
	[tilespmem:s13+$0xB580] =	vst v57;
	v18 =	vmul.f32 v58, v29  }
0x22a: {  	[tilespmem:s13+$0xB590] =	vst v59;
	v12 =	vmul.f32 v60, v41;
	v62 =	vadd.f32 v19, v8  }
0x22b: {  	v13 =	vmul.f32 v61, v42;
	[tilespmem:s13+$0xB5A0] =	vst v16;
	v63 =	vadd.f32 v18, v9  }
0x22c: {  	v12 =	vadd.f32 v12, v10;
	[tilespmem:s13+$0xB540] =	vst v62  }
0x22d: {  	v13 =	vadd.f32 v13, v11;
	[tilespmem:s13+$0xB550] =	vst v63  }
0x22e: {  	[tilespmem:s13+$0xB560] =	vst v12  }
0x22f: {  	s9 =	sadd.s32 $0x28A0, s9;
	[tilespmem:s13+$0xB570] =	vst v13  }
0x230: {  	[spmem:s3] =	stream.indirect.scatter.add.f32 [tilespmem:s2], [sflag:$0x5], $0x40, s9, s25, $0xb8;
	[tilespmem:$0x181A8] =	vst v63  }
0x231: {  	s8 =	sadd.s32 $0x1, s8;
	_ =	swait.ge [sflag:s20], $0x1900  }
0x232: {  	p0 =	sne.s32 s8, $0x32;
	[sflag:s20] =	ssyncset.done $0x0  }
.Ltmp2:
0x233: {  	[sflag:s20] =	ssyncadd.s32 $0xFFFFE700;
	(pc) =	sbr.rel @p0 .LBB2_2-.Ltmp2, $4  }
0x234: {  	[spmem:s4] =	stream.indirect.scatter.add.f32 [tilespmem:s22], [sflag:$0x5], $0x8, s9, s25, $0xb8;
	[tilespmem:$0x181A8] =	vst v63  }
0x235: {  	_ =	swait.ge [sflag:s20], $0x320  }
0x236: {  	[sflag:s20] =	ssyncset.done $0x0  }
0x237: {  	[sflag:s20] =	ssyncadd.s32 $0xFFFFFCE0  }
0x238: {  	[bflag:$0x0] =	sbarrier.arrive $0xFFFF  }
0x239: {  	[hbm:s17], [sflag:s26] =	dma.local [spmem:s1], $0x1388  }
0x23a: {  	s24 =	sadd.s32 $0x1, s24;
	_ =	swait.ge [sflag:s20], $0x1388  }
0x23b: {  	p0 =	sne.s32 s24, s19;
	[sflag:s20] =	ssyncset.done $0x0  }
.Ltmp3:
0x23c: {  	[sflag:s20] =	ssyncadd.s32 $0xFFFFEC78;
	(pc) =	sbr.rel @p0 .LBB2_1-.Ltmp3, $4  }
0x23d: {  	[hbm:s18], [sflag:s26] =	dma.local [spmem:s7], $0x271  }
0x23e: {  	_ =	swait.ge [sflag:s20], $0x271  }
0x23f: {  	[sflag:s20] =	ssyncset.done $0x0  }
0x240: {  	[sflag:s20] =	ssyncadd.s32 $0xFFFFFD8F  }
0x241: {  	_ =	sfence.sel $0x180000  }
0x242: {  	[bflag:$0x0] =	sbarrier.arrive $0xFFFF  }
0x243: {  	_ =	strace $0x90000047  }
0x244: {  	s0 =	stileid.u32;
	[bflag:$0x2] =	sbarrier.arrive $0xFFFF  }
0x245: {  	p0 =	sne.s32 s0, $0x0;
	s0 =	rddreg [dreg:$0x4]  }
0x246: {  	s0 =	sadd.s32 @!p0 $0x100000, s0  }
0x247: {  	[sflag:s0] =	ssyncadd.tile.s32 @!p0 $0x1;
	_ =	shalt  }
.Lfunc_end2:
_tile_overlayer_lowered:
.L_overlay_start_2:
0x248: {  	(tag) =	ssettag $0x2  }
0x249: {  	s0 =	rddreg [dreg:$0x0];
	s2 =	stileid.u32  }
0x24a: {  	s1 =	rddreg [dreg:$0x1];
	p0 =	sne.s32 s2, $0x0  }
0x24b: {  	s3 =	rddreg [dreg:$0x2];
	[bflag:$0x3] =	sbarrier.arrive $0xFFFF;
	s2 =	simm.s32 @!p0 $0x1C05  }
0x24c: {  	[timem:s3], [sflag:s2] =	dma.local @!p0 [hbm:s0], s1  }
0x24d: {  	s0 =	simm.s32 @!p0 $0x5  }
0x24e: {  	_ =	swait.ge @!p0 [sflag:s0], s1  }
0x24f: {  	s1 =	ssub.s32 @!p0 $0x0, s1;
	[sflag:s0] =	ssyncset.done @!p0 $0x0  }
0x250: {  	[sflag:s0] =	ssyncadd.s32 @!p0 s1  }
0x251: {  	[bflag:$0x3] =	sbarrier.arrive $0xFFFF  }
0x252: {  	_ =	shalt  }

</sc_bundles>
